<compile_context>
chip_gen: v7x
topology: tpu7x:2x2x1
jax: 0.10.2.dev20260603
libtpu: 0.0.44.dev20260713+nightly
codegen_flags: <defaults>
</compile_context>

<pallas_src>
import functools

import jax
import jax.numpy as jnp
from jax import lax
from jax.experimental import pallas as pl
from jax.experimental.pallas import tpu as pltpu
from jax.experimental.pallas import tpu_sc as plsc

N = 10000
E = 160000
D = 256
DH = 128
NC = 2
NS = 16
CH = 128
AGG_CH = 80
SS = 40
DEG_CH = 40
E_PAD = NC * NS * DEG_CH * CH
NP = 10112
ROWS_PER_TILE = NP // NS


def _deg_body(dst_hbm, zeros_hbm, ones_hbm, degp_hbm, dstv, onesv, acc):
    c = lax.axis_index("c")
    s = lax.axis_index("s")
    wid = s * NC + c
    pltpu.sync_copy(dst_hbm.at[wid], dstv)
    pltpu.sync_copy(ones_hbm, onesv)

    @pl.when(s == 0)
    def _():
        pltpu.sync_copy(zeros_hbm, acc)

    plsc.subcore_barrier()

    def step(j, carry):
        pltpu.sync_copy(onesv, acc.at[dstv.at[j]], add=True)
        return carry

    lax.fori_loop(0, DEG_CH, step, 0)
    plsc.subcore_barrier()

    @pl.when(s == 0)
    def _():
        pltpu.sync_copy(acc, degp_hbm.at[c])


@functools.cache
def _sc_mesh():
    return plsc.VectorSubcoreMesh(
        core_axis_name="c", subcore_axis_name="s", num_cores=NC, num_subcores=NS
    )


@functools.cache
def _deg_call():
    return pl.kernel(
        _deg_body,
        out_type=jax.ShapeDtypeStruct((NC, NP), jnp.float32),
        mesh=_sc_mesh(),
        scratch_types=[
            pltpu.VMEM((DEG_CH, CH), jnp.int32),
            pltpu.VMEM((CH,), jnp.float32),
            pltpu.VMEM_SHARED((NP,), jnp.float32),
        ],
    )


def _agg_body(y0_hbm, y1_hbm, src_hbm, dst_hbm, zeros_hbm, agg_hbm,
              srcv, dstv, gbuf0, gbuf1, acc, gsem0, gsem1):
    c = lax.axis_index("c")
    s = lax.axis_index("s")
    pltpu.sync_copy(zeros_hbm.at[pl.ds(s * ROWS_PER_TILE, ROWS_PER_TILE)],
                    acc.at[pl.ds(s * ROWS_PER_TILE, ROWS_PER_TILE)])
    plsc.subcore_barrier()

    def run(y_hbm):
        def superstep(q, carry):
            pltpu.sync_copy(src_hbm.at[s].at[pl.ds(q * SS, SS)], srcv)
            pltpu.sync_copy(dst_hbm.at[s].at[pl.ds(q * SS, SS)], dstv)
            pltpu.async_copy(y_hbm.at[srcv.at[0]], gbuf0, gsem0)
            pltpu.async_copy(y_hbm.at[srcv.at[1]], gbuf1, gsem1)

            def pair(k, carry2):
                pltpu.make_async_copy(y_hbm.at[srcv.at[2 * k]], gbuf0, gsem0).wait()
                pltpu.sync_copy(gbuf0, acc.at[dstv.at[2 * k]], add=True)

                @pl.when(k < SS // 2 - 1)
                def _():
                    pltpu.async_copy(y_hbm.at[srcv.at[2 * k + 2]], gbuf0, gsem0)

                pltpu.make_async_copy(y_hbm.at[srcv.at[2 * k + 1]], gbuf1, gsem1).wait()
                pltpu.sync_copy(gbuf1, acc.at[dstv.at[2 * k + 1]], add=True)

                @pl.when(k < SS // 2 - 1)
                def _():
                    pltpu.async_copy(y_hbm.at[srcv.at[2 * k + 3]], gbuf1, gsem1)

                return carry2

            lax.fori_loop(0, SS // 2, pair, 0)
            return carry

        lax.fori_loop(0, AGG_CH // SS, superstep, 0)

    @pl.when(c == 0)
    def _():
        run(y0_hbm)

    @pl.when(c == 1)
    def _():
        run(y1_hbm)

    plsc.subcore_barrier()

    @pl.when(c == 0)
    def _():
        pltpu.sync_copy(acc.at[pl.ds(s * ROWS_PER_TILE, ROWS_PER_TILE)],
                        agg_hbm.at[0].at[pl.ds(s * ROWS_PER_TILE, ROWS_PER_TILE)])

    @pl.when(c == 1)
    def _():
        pltpu.sync_copy(acc.at[pl.ds(s * ROWS_PER_TILE, ROWS_PER_TILE)],
                        agg_hbm.at[1].at[pl.ds(s * ROWS_PER_TILE, ROWS_PER_TILE)])


@functools.cache
def _agg_call():
    return pl.kernel(
        _agg_body,
        out_type=jax.ShapeDtypeStruct((NC, NP, DH), jnp.float32),
        mesh=_sc_mesh(),
        scratch_types=[
            pltpu.VMEM((SS, CH), jnp.int32),
            pltpu.VMEM((SS, CH), jnp.int32),
            pltpu.VMEM((CH, DH), jnp.float32),
            pltpu.VMEM((CH, DH), jnp.float32),
            pltpu.VMEM_SHARED((NP, DH), jnp.float32),
            pltpu.SemaphoreType.DMA,
            pltpu.SemaphoreType.DMA,
        ],
    )



BR = 2000


def _tc1_body(x_ref, w_ref, b_ref, degp_ref, y0_ref, y1_ref, z_ref):
    deg = degp_ref[:, 0:1] + degp_ref[:, 1:2] + 1.0
    dis = lax.rsqrt(deg)
    inv = 1.0 / deg
    xw = jnp.dot(x_ref[...], w_ref[...], preferred_element_type=jnp.float32)
    y = xw * dis
    y0_ref[...] = y[:, :DH]
    y1_ref[...] = y[:, DH:]
    z_ref[...] = xw * inv + b_ref[...]


def _tc2_body(agg0_ref, agg1_ref, z1_ref, degp_ref, w_ref, b_ref,
              y0_ref, y1_ref, z2_ref):
    deg = degp_ref[:, 0:1] + degp_ref[:, 1:2] + 1.0
    dis = lax.rsqrt(deg)
    inv = 1.0 / deg
    agg = jnp.concatenate([agg0_ref[0], agg1_ref[0]], axis=1)
    h = jnp.maximum(agg * dis + z1_ref[...], 0.0)
    xw = jnp.dot(h, w_ref[...], preferred_element_type=jnp.float32)
    y = xw * dis
    y0_ref[...] = y[:, :DH]
    y1_ref[...] = y[:, DH:]
    z2_ref[...] = xw * inv + b_ref[...]


def _tc3_body(agg0_ref, agg1_ref, z2_ref, degp_ref, o_ref):
    deg = degp_ref[:, 0:1] + degp_ref[:, 1:2] + 1.0
    dis = lax.rsqrt(deg)
    agg = jnp.concatenate([agg0_ref[0], agg1_ref[0]], axis=1)
    o_ref[...] = jnp.maximum(agg * dis + z2_ref[...], 0.0)


def _row_spec(cols):
    return pl.BlockSpec((BR, cols), lambda i: (i, 0))


def _full_spec(shape):
    return pl.BlockSpec(shape, lambda i: tuple(0 for _ in shape))


_GRID = (N // BR,)

_tc1_call = pl.pallas_call(
    _tc1_body,
    grid=_GRID,
    in_specs=[_row_spec(D), _full_spec((D, D)), _full_spec((1, D)), _row_spec(2)],
    out_specs=[_row_spec(DH), _row_spec(DH), _row_spec(D)],
    out_shape=[
        jax.ShapeDtypeStruct((N, DH), jnp.float32),
        jax.ShapeDtypeStruct((N, DH), jnp.float32),
        jax.ShapeDtypeStruct((N, D), jnp.float32),
    ],
)

def _agg_spec(core):
    return pl.BlockSpec((1, BR, DH), lambda i, _c=core: (_c, i, 0))


_tc2_call = pl.pallas_call(
    _tc2_body,
    grid=_GRID,
    in_specs=[_agg_spec(0), _agg_spec(1), _row_spec(D), _row_spec(2),
              _full_spec((D, D)), _full_spec((1, D))],
    out_specs=[_row_spec(DH), _row_spec(DH), _row_spec(D)],
    out_shape=[
        jax.ShapeDtypeStruct((N, DH), jnp.float32),
        jax.ShapeDtypeStruct((N, DH), jnp.float32),
        jax.ShapeDtypeStruct((N, D), jnp.float32),
    ],
)

_tc3_call = pl.pallas_call(
    _tc3_body,
    grid=_GRID,
    in_specs=[_agg_spec(0), _agg_spec(1), _row_spec(D), _row_spec(2)],
    out_specs=_row_spec(D),
    out_shape=jax.ShapeDtypeStruct((N, D), jnp.float32),
)



def kernel(x, adj, W1, b1, W2, b2):
    adj = adj.astype(jnp.int32)
    src = adj[0]
    dst = adj[1]
    pad = E_PAD - E
    srcp = jnp.concatenate([src, jnp.zeros((pad,), jnp.int32)])
    dstp = jnp.concatenate([dst, jnp.full((pad,), N, jnp.int32)])
    src_a = srcp.reshape(NS, AGG_CH, CH)
    dst_a = dstp.reshape(NS, AGG_CH, CH)
    dst_d = dstp.reshape(NC * NS, DEG_CH, CH)

    zeros1 = jnp.zeros((NP,), jnp.float32)
    zeros2 = jnp.zeros((NP, DH), jnp.float32)
    ones = jnp.ones((CH,), jnp.float32)
    b1r = b1.reshape(1, D)
    b2r = b2.reshape(1, D)

    degp = _deg_call()(dst_d, zeros1, ones)
    degp_t = jnp.transpose(degp[:, :N])

    y1_0, y1_1, z1 = _tc1_call(x, W1, b1r, degp_t)
    agg1 = _agg_call()(y1_0, y1_1, src_a, dst_a, zeros2)
    y2_0, y2_1, z2 = _tc2_call(agg1, agg1, z1, degp_t, W2, b2r)
    agg2 = _agg_call()(y2_0, y2_1, src_a, dst_a, zeros2)
    out = _tc3_call(agg2, agg2, z2, degp_t)
    return out

# --- scband reference (transcript-rebuilt; emitter-appended) ---
"""Pipeline reference for scband-graph-sparse-conv-48378511622249 (READ-ONLY COPY).

The authoritative reference and input builder live on the scoring server;
editing this copy changes nothing except your own understanding.
"""

import jax, jax.numpy as jnp
import numpy as np

N_NODES = 10000
N_EDGES = 160000
D_FEAT = 256
D_H1 = 256
D_H2 = 256


def setup_inputs(seed: int = 0) -> dict:
    key = jax.random.key(seed)
    k_x, k_e, k_w1, k_b1, k_w2, k_b2 = jax.random.split(key, 6)
    x = jax.random.normal(k_x, (N_NODES, D_FEAT), dtype=jnp.float32)
    adj = jax.random.randint(k_e, (2, N_EDGES), 0, N_NODES, dtype=jnp.int64)
    # glorot-style init for GCN weights, zeros bias (matches PyG GCNConv defaults)
    s1 = float(np.sqrt(6.0 / (D_FEAT + D_H1)))
    s2 = float(np.sqrt(6.0 / (D_H1 + D_H2)))
    W1 = jax.random.uniform(k_w1, (D_FEAT, D_H1), minval=-s1, maxval=s1, dtype=jnp.float32)
    b1 = jnp.zeros((D_H1,), dtype=jnp.float32)
    W2 = jax.random.uniform(k_w2, (D_H1, D_H2), minval=-s2, maxval=s2, dtype=jnp.float32)
    b2 = jnp.zeros((D_H2,), dtype=jnp.float32)
    return {"x": x, "adj": adj, "W1": W1, "b1": b1, "W2": W2, "b2": b2}


def _gcn_conv(x, src, dst, W, b):
    n = x.shape[0]
    xw = x @ W
    # degree from dst (col) including self-loops, symmetric normalization
    deg = jnp.zeros((n,), dtype=xw.dtype).at[dst].add(1.0)
    deg_inv_sqrt = jnp.where(deg > 0, deg ** -0.5, 0.0)
    norm = deg_inv_sqrt[src] * deg_inv_sqrt[dst]
    msgs = norm[:, None] * jnp.take(xw, src, axis=0)
    out = jnp.zeros((n, xw.shape[1]), dtype=xw.dtype).at[dst].add(msgs)
    return out + b


def reference(x, adj, W1, b1, W2, b2):
    n = x.shape[0]
    loop = jnp.arange(n, dtype=adj.dtype)
    src = jnp.concatenate([adj[0], loop])
    dst = jnp.concatenate([adj[1], loop])
    h = jax.nn.relu(_gcn_conv(x, src, dst, W1, b1))
    h = jax.nn.relu(_gcn_conv(h, src, dst, W2, b2))
    return h

if __name__ == "__main__":
    import jax
    _d = setup_inputs()
    print(jax.jit(kernel)(*tuple(_d.values())))

</pallas_src>

<mosaic_0001>
#map = affine_map<(d0, d1) -> (0, 0, 0)>
#map1 = affine_map<(d0, d1) -> (0)>
#map2 = affine_map<(d0, d1) -> (0, 0)>
module attributes {stable_mosaic.version = 14 : i64} {
  func.func @_deg_body(%arg0: i32, %arg1: i32, %arg2: memref<32x40x128xi32, #tpu.memory_space<hbm>>, %arg3: memref<10112xf32, #tpu.memory_space<hbm>>, %arg4: memref<128xf32, #tpu.memory_space<hbm>>, %arg5: memref<2x10112xf32, #tpu.memory_space<hbm>>, %arg6: memref<40x128xi32, #tpu.memory_space<vmem>>, %arg7: memref<128xf32, #tpu.memory_space<vmem>>, %arg8: memref<10112xf32, #tpu.memory_space<vmem_shared>>) attributes {dimension_semantics = [#tpu.dimension_semantics<core_parallel>, #tpu.dimension_semantics<subcore_parallel>], iteration_bounds = array<i64: 2, 16>, scalar_prefetch = 0 : i64, scratch_operands = 3 : i64, tpu.core_type = #tpu.core_type<sc_vector_subcore>, window_params = [{transform_indices = #map}, {transform_indices = #map1}, {transform_indices = #map1}, {transform_indices = #map2}]} {
    %mul3A = arith.constant 2 : i32
    %mul3A_0 = arith.muli %arg1, %mul3A : i32
    %add3A = arith.addi %mul3A_0, %arg0 : i32
    "tpu.region"() ({
      %run_scoped3A = tpu.sem_alloc : memref<!tpu.dma_semaphore, #tpu.memory_space<semaphore_mem>>
      %dma_start3A = arith.constant 0 : i32
      %dma_start3A_14 = arith.constant 0 : i32
      %dma_start3A_15 = tpu.memref_slice %arg2[%add3A, %dma_start3A, %dma_start3A_14] : memref<32x40x128xi32, #tpu.memory_space<hbm>> -> memref<1x40x128xi32, #tpu.memory_space<hbm>>
      %dma_start3A_16 = tpu.memref_squeeze %dma_start3A_15 : memref<1x40x128xi32, #tpu.memory_space<hbm>> -> memref<40x128xi32, #tpu.memory_space<hbm>>
      %dma_start3A_17 = arith.constant 0 : i32
      %dma_start3A_18 = arith.constant 0 : i32
      %dma_start3A_19 = tpu.memref_slice %arg2[%add3A, %dma_start3A_17, %dma_start3A_18] : memref<32x40x128xi32, #tpu.memory_space<hbm>> -> memref<1x40x128xi32, #tpu.memory_space<hbm>>
      %dma_start3A_20 = tpu.memref_squeeze %dma_start3A_19 : memref<1x40x128xi32, #tpu.memory_space<hbm>> -> memref<40x128xi32, #tpu.memory_space<hbm>>
      tpu.enqueue_dma source(%dma_start3A_20 : memref<40x128xi32, #tpu.memory_space<hbm>>) target(%arg6 : memref<40x128xi32, #tpu.memory_space<vmem>>) target_semaphore(%run_scoped3A : memref<!tpu.dma_semaphore, #tpu.memory_space<semaphore_mem>>)
      %dma_wait3A = arith.constant 0 : i32
      %dma_wait3A_21 = arith.constant 0 : i32
      %dma_wait3A_22 = tpu.memref_slice %arg2[%add3A, %dma_wait3A, %dma_wait3A_21] : memref<32x40x128xi32, #tpu.memory_space<hbm>> -> memref<1x40x128xi32, #tpu.memory_space<hbm>>
      %dma_wait3A_23 = tpu.memref_squeeze %dma_wait3A_22 : memref<1x40x128xi32, #tpu.memory_space<hbm>> -> memref<40x128xi32, #tpu.memory_space<hbm>>
      %dma_wait3A_24 = arith.constant 0 : i32
      %dma_wait3A_25 = arith.constant 0 : i32
      %dma_wait3A_26 = tpu.memref_slice %arg2[%add3A, %dma_wait3A_24, %dma_wait3A_25] : memref<32x40x128xi32, #tpu.memory_space<hbm>> -> memref<1x40x128xi32, #tpu.memory_space<hbm>>
      %dma_wait3A_27 = tpu.memref_squeeze %dma_wait3A_26 : memref<1x40x128xi32, #tpu.memory_space<hbm>> -> memref<40x128xi32, #tpu.memory_space<hbm>>
      tpu.wait_dma2 semaphore(%run_scoped3A : memref<!tpu.dma_semaphore, #tpu.memory_space<semaphore_mem>>) src(%dma_wait3A_27 : memref<40x128xi32, #tpu.memory_space<hbm>>) dst(%arg6 : memref<40x128xi32, #tpu.memory_space<vmem>>)
      tpu.yield
    }) : () -> ()
    "tpu.region"() ({
      %run_scoped3A = tpu.sem_alloc : memref<!tpu.dma_semaphore, #tpu.memory_space<semaphore_mem>>
      tpu.enqueue_dma source(%arg4 : memref<128xf32, #tpu.memory_space<hbm>>) target(%arg7 : memref<128xf32, #tpu.memory_space<vmem>>) target_semaphore(%run_scoped3A : memref<!tpu.dma_semaphore, #tpu.memory_space<semaphore_mem>>)
      tpu.wait_dma2 semaphore(%run_scoped3A : memref<!tpu.dma_semaphore, #tpu.memory_space<semaphore_mem>>) src(%arg4 : memref<128xf32, #tpu.memory_space<hbm>>) dst(%arg7 : memref<128xf32, #tpu.memory_space<vmem>>)
      tpu.yield
    }) : () -> ()
    %eq3A = arith.constant 0 : i32
    %eq3A_1 = arith.cmpi eq, %arg1, %eq3A : i32
    %convert_element_type3A = arith.extui %eq3A_1 : i1 to i32
    %cond3A = arith.constant 0 : i32
    %cond3A_2 = arith.cmpi ne, %convert_element_type3A, %cond3A : i32
    scf.if %cond3A_2 {
      "tpu.region"() ({
        %run_scoped3A = tpu.sem_alloc : memref<!tpu.dma_semaphore, #tpu.memory_space<semaphore_mem>>
        tpu.enqueue_dma source(%arg3 : memref<10112xf32, #tpu.memory_space<hbm>>) target(%arg8 : memref<10112xf32, #tpu.memory_space<vmem_shared>>) target_semaphore(%run_scoped3A : memref<!tpu.dma_semaphore, #tpu.memory_space<semaphore_mem>>)
        tpu.wait_dma2 semaphore(%run_scoped3A : memref<!tpu.dma_semaphore, #tpu.memory_space<semaphore_mem>>) src(%arg3 : memref<10112xf32, #tpu.memory_space<hbm>>) dst(%arg8 : memref<10112xf32, #tpu.memory_space<vmem_shared>>)
        tpu.yield
      }) : () -> ()
    } else {
    }
    %barrier3A = arith.constant 0 : index
    tpu.barrier barrier_id(%barrier3A)
    %scan3A = arith.constant 0 : i32
    %scan3A_3 = arith.constant 0 : i32
    %scan3A_4 = arith.constant 40 : i32
    %scan3A_5 = arith.addi %scan3A_3, %scan3A_4 : i32
    %scan3A_6 = arith.constant 1 : i32
    scf.for %scan3A_14 = %scan3A_3 to %scan3A_5 step %scan3A_6  : i32 {
      "tpu.region"() ({
        %run_scoped3A = tpu.sem_alloc : memref<!tpu.dma_semaphore, #tpu.memory_space<semaphore_mem>>
        %dma_start3A = arith.constant 0 : i32
        %dma_start3A_15 = tpu.memref_slice %arg6[%scan3A_14, %dma_start3A] : memref<40x128xi32, #tpu.memory_space<vmem>> -> memref<1x128xi32, #tpu.memory_space<vmem>>
        %dma_start3A_16 = tpu.memref_squeeze %dma_start3A_15 : memref<1x128xi32, #tpu.memory_space<vmem>> -> memref<128xi32, #tpu.memory_space<vmem>>
        %dma_start3A_17 = arith.constant 0 : i32
        %dma_start3A_18 = tpu.memref_slice %arg8[%dma_start3A_17] : memref<10112xf32, #tpu.memory_space<vmem_shared>> -> memref<10112xf32, #tpu.memory_space<vmem_shared>>
        tpu.enqueue_indirect_dma source(%arg7 : memref<128xf32, #tpu.memory_space<vmem>>) target(%dma_start3A_18 : memref<10112xf32, #tpu.memory_space<vmem_shared>>) offsets(%dma_start3A_16 : memref<128xi32, #tpu.memory_space<vmem>>) semaphore(%run_scoped3A : memref<!tpu.dma_semaphore, #tpu.memory_space<semaphore_mem>>) {add = true}
        %dma_wait3A = arith.constant 0 : i32
        %dma_wait3A_19 = tpu.memref_slice %arg6[%scan3A_14, %dma_wait3A] : memref<40x128xi32, #tpu.memory_space<vmem>> -> memref<1x128xi32, #tpu.memory_space<vmem>>
        %dma_wait3A_20 = tpu.memref_squeeze %dma_wait3A_19 : memref<1x128xi32, #tpu.memory_space<vmem>> -> memref<128xi32, #tpu.memory_space<vmem>>
        %dma_wait3A_21 = arith.constant 0 : i32
        %dma_wait3A_22 = tpu.memref_slice %arg8[%dma_wait3A_21] : memref<10112xf32, #tpu.memory_space<vmem_shared>> -> memref<10112xf32, #tpu.memory_space<vmem_shared>>
        tpu.wait_indirect_dma semaphore(%run_scoped3A : memref<!tpu.dma_semaphore, #tpu.memory_space<semaphore_mem>>) src(%arg7 : memref<128xf32, #tpu.memory_space<vmem>>) dst(%dma_wait3A_22 : memref<10112xf32, #tpu.memory_space<vmem_shared>>)
        tpu.yield
      }) : () -> ()
    }
    %scan3A_7 = arith.constant 40 : i32
    %barrier3A_8 = arith.constant 0 : index
    tpu.barrier barrier_id(%barrier3A_8)
    %eq3A_9 = arith.constant 0 : i32
    %eq3A_10 = arith.cmpi eq, %arg1, %eq3A_9 : i32
    %convert_element_type3A_11 = arith.extui %eq3A_10 : i1 to i32
    %cond3A_12 = arith.constant 0 : i32
    %cond3A_13 = arith.cmpi ne, %convert_element_type3A_11, %cond3A_12 : i32
    scf.if %cond3A_13 {
      "tpu.region"() ({
        %run_scoped3A = tpu.sem_alloc : memref<!tpu.dma_semaphore, #tpu.memory_space<semaphore_mem>>
        %dma_start3A = arith.constant 0 : i32
        %dma_start3A_14 = tpu.memref_slice %arg5[%arg0, %dma_start3A] : memref<2x10112xf32, #tpu.memory_space<hbm>> -> memref<1x10112xf32, #tpu.memory_space<hbm>>
        %dma_start3A_15 = tpu.memref_squeeze %dma_start3A_14 : memref<1x10112xf32, #tpu.memory_space<hbm>> -> memref<10112xf32, #tpu.memory_space<hbm>>
        tpu.enqueue_dma source(%arg8 : memref<10112xf32, #tpu.memory_space<vmem_shared>>) target(%dma_start3A_15 : memref<10112xf32, #tpu.memory_space<hbm>>) target_semaphore(%run_scoped3A : memref<!tpu.dma_semaphore, #tpu.memory_space<semaphore_mem>>)
        %dma_wait3A = arith.constant 0 : i32
        %dma_wait3A_16 = tpu.memref_slice %arg5[%arg0, %dma_wait3A] : memref<2x10112xf32, #tpu.memory_space<hbm>> -> memref<1x10112xf32, #tpu.memory_space<hbm>>
        %dma_wait3A_17 = tpu.memref_squeeze %dma_wait3A_16 : memref<1x10112xf32, #tpu.memory_space<hbm>> -> memref<10112xf32, #tpu.memory_space<hbm>>
        tpu.wait_dma2 semaphore(%run_scoped3A : memref<!tpu.dma_semaphore, #tpu.memory_space<semaphore_mem>>) src(%arg8 : memref<10112xf32, #tpu.memory_space<vmem_shared>>) dst(%dma_wait3A_17 : memref<10112xf32, #tpu.memory_space<hbm>>)
        tpu.yield
      }) : () -> ()
    } else {
    }
    return
  }
}

#map = affine_map<(d0, d1) -> (0, 0)>
#map1 = affine_map<(d0, d1) -> (0, 0, 0)>
module attributes {stable_mosaic.version = 14 : i64} {
  func.func @_agg_body(%arg0: i32, %arg1: i32, %arg2: memref<10000x128xf32, #tpu.memory_space<hbm>>, %arg3: memref<10000x128xf32, #tpu.memory_space<hbm>>, %arg4: memref<16x80x128xi32, #tpu.memory_space<hbm>>, %arg5: memref<16x80x128xi32, #tpu.memory_space<hbm>>, %arg6: memref<10112x128xf32, #tpu.memory_space<hbm>>, %arg7: memref<2x10112x128xf32, #tpu.memory_space<hbm>>, %arg8: memref<40x128xi32, #tpu.memory_space<vmem>>, %arg9: memref<40x128xi32, #tpu.memory_space<vmem>>, %arg10: memref<128x128xf32, #tpu.memory_space<vmem>>, %arg11: memref<128x128xf32, #tpu.memory_space<vmem>>, %arg12: memref<10112x128xf32, #tpu.memory_space<vmem_shared>>, %arg13: memref<!tpu.dma_semaphore, #tpu.memory_space<semaphore_mem>>, %arg14: memref<!tpu.dma_semaphore, #tpu.memory_space<semaphore_mem>>) attributes {dimension_semantics = [#tpu.dimension_semantics<core_parallel>, #tpu.dimension_semantics<subcore_parallel>], iteration_bounds = array<i64: 2, 16>, scalar_prefetch = 0 : i64, scratch_operands = 7 : i64, tpu.core_type = #tpu.core_type<sc_vector_subcore>, window_params = [{transform_indices = #map}, {transform_indices = #map}, {transform_indices = #map1}, {transform_indices = #map1}, {transform_indices = #map}, {transform_indices = #map1}]} {
    %mul3A = arith.constant 632 : i32
    %mul3A_0 = arith.muli %arg1, %mul3A : i32
    %mul3A_1 = arith.constant 632 : i32
    %mul3A_2 = arith.muli %arg1, %mul3A_1 : i32
    "tpu.region"() ({
      %run_scoped3A = tpu.sem_alloc : memref<!tpu.dma_semaphore, #tpu.memory_space<semaphore_mem>>
      %dma_start3A = arith.constant 0 : i32
      %dma_start3A_21 = tpu.memref_slice %arg12[%mul3A_2, %dma_start3A] : memref<10112x128xf32, #tpu.memory_space<vmem_shared>> -> memref<632x128xf32, #tpu.memory_space<vmem_shared>>
      %dma_start3A_22 = arith.constant 0 : i32
      %dma_start3A_23 = tpu.memref_slice %arg6[%mul3A_0, %dma_start3A_22] : memref<10112x128xf32, #tpu.memory_space<hbm>> -> memref<632x128xf32, #tpu.memory_space<hbm>>
      tpu.enqueue_dma source(%dma_start3A_23 : memref<632x128xf32, #tpu.memory_space<hbm>>) target(%dma_start3A_21 : memref<632x128xf32, #tpu.memory_space<vmem_shared>>) target_semaphore(%run_scoped3A : memref<!tpu.dma_semaphore, #tpu.memory_space<semaphore_mem>>)
      %dma_wait3A = arith.constant 0 : i32
      %dma_wait3A_24 = tpu.memref_slice %arg12[%mul3A_2, %dma_wait3A] : memref<10112x128xf32, #tpu.memory_space<vmem_shared>> -> memref<632x128xf32, #tpu.memory_space<vmem_shared>>
      %dma_wait3A_25 = arith.constant 0 : i32
      %dma_wait3A_26 = tpu.memref_slice %arg6[%mul3A_0, %dma_wait3A_25] : memref<10112x128xf32, #tpu.memory_space<hbm>> -> memref<632x128xf32, #tpu.memory_space<hbm>>
      tpu.wait_dma2 semaphore(%run_scoped3A : memref<!tpu.dma_semaphore, #tpu.memory_space<semaphore_mem>>) src(%dma_wait3A_26 : memref<632x128xf32, #tpu.memory_space<hbm>>) dst(%dma_wait3A_24 : memref<632x128xf32, #tpu.memory_space<vmem_shared>>)
      tpu.yield
    }) : () -> ()
    %barrier3A = arith.constant 0 : index
    tpu.barrier barrier_id(%barrier3A)
    %eq3A = arith.constant 0 : i32
    %eq3A_3 = arith.cmpi eq, %arg0, %eq3A : i32
    %convert_element_type3A = arith.extui %eq3A_3 : i1 to i32
    %cond3A = arith.constant 0 : i32
    %cond3A_4 = arith.cmpi ne, %convert_element_type3A, %cond3A : i32
    scf.if %cond3A_4 {
      %scan3A = arith.constant 0 : i32
      %scan3A_21 = arith.constant 0 : i32
      %scan3A_22 = arith.constant 2 : i32
      %scan3A_23 = arith.addi %scan3A_21, %scan3A_22 : i32
      %scan3A_24 = arith.constant 1 : i32
      scf.for %scan3A_26 = %scan3A_21 to %scan3A_23 step %scan3A_24  : i32 {
        %mul3A_27 = arith.constant 40 : i32
        %mul3A_28 = arith.muli %scan3A_26, %mul3A_27 : i32
        "tpu.region"() ({
          %run_scoped3A = tpu.sem_alloc : memref<!tpu.dma_semaphore, #tpu.memory_space<semaphore_mem>>
          %dma_start3A_50 = arith.constant 0 : i32
          %dma_start3A_51 = arith.constant 0 : i32
          %dma_start3A_52 = tpu.memref_slice %arg4[%arg1, %dma_start3A_50, %dma_start3A_51] : memref<16x80x128xi32, #tpu.memory_space<hbm>> -> memref<1x80x128xi32, #tpu.memory_space<hbm>>
          %dma_start3A_53 = tpu.memref_squeeze %dma_start3A_52 : memref<1x80x128xi32, #tpu.memory_space<hbm>> -> memref<80x128xi32, #tpu.memory_space<hbm>>
          %dma_start3A_54 = arith.constant 0 : i32
          %dma_start3A_55 = tpu.memref_slice %dma_start3A_53[%mul3A_28, %dma_start3A_54] : memref<80x128xi32, #tpu.memory_space<hbm>> -> memref<40x128xi32, #tpu.memory_space<hbm>>
          %dma_start3A_56 = arith.constant 0 : i32
          %dma_start3A_57 = arith.constant 0 : i32
          %dma_start3A_58 = tpu.memref_slice %arg4[%arg1, %dma_start3A_56, %dma_start3A_57] : memref<16x80x128xi32, #tpu.memory_space<hbm>> -> memref<1x80x128xi32, #tpu.memory_space<hbm>>
          %dma_start3A_59 = tpu.memref_squeeze %dma_start3A_58 : memref<1x80x128xi32, #tpu.memory_space<hbm>> -> memref<80x128xi32, #tpu.memory_space<hbm>>
          %dma_start3A_60 = arith.constant 0 : i32
          %dma_start3A_61 = tpu.memref_slice %dma_start3A_59[%mul3A_28, %dma_start3A_60] : memref<80x128xi32, #tpu.memory_space<hbm>> -> memref<40x128xi32, #tpu.memory_space<hbm>>
          tpu.enqueue_dma source(%dma_start3A_61 : memref<40x128xi32, #tpu.memory_space<hbm>>) target(%arg8 : memref<40x128xi32, #tpu.memory_space<vmem>>) target_semaphore(%run_scoped3A : memref<!tpu.dma_semaphore, #tpu.memory_space<semaphore_mem>>)
          %dma_wait3A = arith.constant 0 : i32
          %dma_wait3A_62 = arith.constant 0 : i32
          %dma_wait3A_63 = tpu.memref_slice %arg4[%arg1, %dma_wait3A, %dma_wait3A_62] : memref<16x80x128xi32, #tpu.memory_space<hbm>> -> memref<1x80x128xi32, #tpu.memory_space<hbm>>
          %dma_wait3A_64 = tpu.memref_squeeze %dma_wait3A_63 : memref<1x80x128xi32, #tpu.memory_space<hbm>> -> memref<80x128xi32, #tpu.memory_space<hbm>>
          %dma_wait3A_65 = arith.constant 0 : i32
          %dma_wait3A_66 = tpu.memref_slice %dma_wait3A_64[%mul3A_28, %dma_wait3A_65] : memref<80x128xi32, #tpu.memory_space<hbm>> -> memref<40x128xi32, #tpu.memory_space<hbm>>
          %dma_wait3A_67 = arith.constant 0 : i32
          %dma_wait3A_68 = arith.constant 0 : i32
          %dma_wait3A_69 = tpu.memref_slice %arg4[%arg1, %dma_wait3A_67, %dma_wait3A_68] : memref<16x80x128xi32, #tpu.memory_space<hbm>> -> memref<1x80x128xi32, #tpu.memory_space<hbm>>
          %dma_wait3A_70 = tpu.memref_squeeze %dma_wait3A_69 : memref<1x80x128xi32, #tpu.memory_space<hbm>> -> memref<80x128xi32, #tpu.memory_space<hbm>>
          %dma_wait3A_71 = arith.constant 0 : i32
          %dma_wait3A_72 = tpu.memref_slice %dma_wait3A_70[%mul3A_28, %dma_wait3A_71] : memref<80x128xi32, #tpu.memory_space<hbm>> -> memref<40x128xi32, #tpu.memory_space<hbm>>
          tpu.wait_dma2 semaphore(%run_scoped3A : memref<!tpu.dma_semaphore, #tpu.memory_space<semaphore_mem>>) src(%dma_wait3A_72 : memref<40x128xi32, #tpu.memory_space<hbm>>) dst(%arg8 : memref<40x128xi32, #tpu.memory_space<vmem>>)
          tpu.yield
        }) : () -> ()
        %mul3A_29 = arith.constant 40 : i32
        %mul3A_30 = arith.muli %scan3A_26, %mul3A_29 : i32
        "tpu.region"() ({
          %run_scoped3A = tpu.sem_alloc : memref<!tpu.dma_semaphore, #tpu.memory_space<semaphore_mem>>
          %dma_start3A_50 = arith.constant 0 : i32
          %dma_start3A_51 = arith.constant 0 : i32
          %dma_start3A_52 = tpu.memref_slice %arg5[%arg1, %dma_start3A_50, %dma_start3A_51] : memref<16x80x128xi32, #tpu.memory_space<hbm>> -> memref<1x80x128xi32, #tpu.memory_space<hbm>>
          %dma_start3A_53 = tpu.memref_squeeze %dma_start3A_52 : memref<1x80x128xi32, #tpu.memory_space<hbm>> -> memref<80x128xi32, #tpu.memory_space<hbm>>
          %dma_start3A_54 = arith.constant 0 : i32
          %dma_start3A_55 = tpu.memref_slice %dma_start3A_53[%mul3A_30, %dma_start3A_54] : memref<80x128xi32, #tpu.memory_space<hbm>> -> memref<40x128xi32, #tpu.memory_space<hbm>>
          %dma_start3A_56 = arith.constant 0 : i32
          %dma_start3A_57 = arith.constant 0 : i32
          %dma_start3A_58 = tpu.memref_slice %arg5[%arg1, %dma_start3A_56, %dma_start3A_57] : memref<16x80x128xi32, #tpu.memory_space<hbm>> -> memref<1x80x128xi32, #tpu.memory_space<hbm>>
          %dma_start3A_59 = tpu.memref_squeeze %dma_start3A_58 : memref<1x80x128xi32, #tpu.memory_space<hbm>> -> memref<80x128xi32, #tpu.memory_space<hbm>>
          %dma_start3A_60 = arith.constant 0 : i32
          %dma_start3A_61 = tpu.memref_slice %dma_start3A_59[%mul3A_30, %dma_start3A_60] : memref<80x128xi32, #tpu.memory_space<hbm>> -> memref<40x128xi32, #tpu.memory_space<hbm>>
          tpu.enqueue_dma source(%dma_start3A_61 : memref<40x128xi32, #tpu.memory_space<hbm>>) target(%arg9 : memref<40x128xi32, #tpu.memory_space<vmem>>) target_semaphore(%run_scoped3A : memref<!tpu.dma_semaphore, #tpu.memory_space<semaphore_mem>>)
          %dma_wait3A = arith.constant 0 : i32
          %dma_wait3A_62 = arith.constant 0 : i32
          %dma_wait3A_63 = tpu.memref_slice %arg5[%arg1, %dma_wait3A, %dma_wait3A_62] : memref<16x80x128xi32, #tpu.memory_space<hbm>> -> memref<1x80x128xi32, #tpu.memory_space<hbm>>
          %dma_wait3A_64 = tpu.memref_squeeze %dma_wait3A_63 : memref<1x80x128xi32, #tpu.memory_space<hbm>> -> memref<80x128xi32, #tpu.memory_space<hbm>>
          %dma_wait3A_65 = arith.constant 0 : i32
          %dma_wait3A_66 = tpu.memref_slice %dma_wait3A_64[%mul3A_30, %dma_wait3A_65] : memref<80x128xi32, #tpu.memory_space<hbm>> -> memref<40x128xi32, #tpu.memory_space<hbm>>
          %dma_wait3A_67 = arith.constant 0 : i32
          %dma_wait3A_68 = arith.constant 0 : i32
          %dma_wait3A_69 = tpu.memref_slice %arg5[%arg1, %dma_wait3A_67, %dma_wait3A_68] : memref<16x80x128xi32, #tpu.memory_space<hbm>> -> memref<1x80x128xi32, #tpu.memory_space<hbm>>
          %dma_wait3A_70 = tpu.memref_squeeze %dma_wait3A_69 : memref<1x80x128xi32, #tpu.memory_space<hbm>> -> memref<80x128xi32, #tpu.memory_space<hbm>>
          %dma_wait3A_71 = arith.constant 0 : i32
          %dma_wait3A_72 = tpu.memref_slice %dma_wait3A_70[%mul3A_30, %dma_wait3A_71] : memref<80x128xi32, #tpu.memory_space<hbm>> -> memref<40x128xi32, #tpu.memory_space<hbm>>
          tpu.wait_dma2 semaphore(%run_scoped3A : memref<!tpu.dma_semaphore, #tpu.memory_space<semaphore_mem>>) src(%dma_wait3A_72 : memref<40x128xi32, #tpu.memory_space<hbm>>) dst(%arg9 : memref<40x128xi32, #tpu.memory_space<vmem>>)
          tpu.yield
        }) : () -> ()
        %dma_start3A = arith.constant 0 : i32
        %dma_start3A_31 = arith.constant 0 : i32
        %dma_start3A_32 = tpu.memref_slice %arg8[%dma_start3A, %dma_start3A_31] : memref<40x128xi32, #tpu.memory_space<vmem>> -> memref<1x128xi32, #tpu.memory_space<vmem>>
        %dma_start3A_33 = tpu.memref_squeeze %dma_start3A_32 : memref<1x128xi32, #tpu.memory_space<vmem>> -> memref<128xi32, #tpu.memory_space<vmem>>
        %dma_start3A_34 = arith.constant 0 : i32
        %dma_start3A_35 = arith.constant 0 : i32
        %dma_start3A_36 = tpu.memref_slice %arg2[%dma_start3A_34, %dma_start3A_35] : memref<10000x128xf32, #tpu.memory_space<hbm>> -> memref<10000x128xf32, #tpu.memory_space<hbm>>
        tpu.enqueue_indirect_dma source(%dma_start3A_36 : memref<10000x128xf32, #tpu.memory_space<hbm>>) target(%arg10 : memref<128x128xf32, #tpu.memory_space<vmem>>) offsets(%dma_start3A_33 : memref<128xi32, #tpu.memory_space<vmem>>) semaphore(%arg13 : memref<!tpu.dma_semaphore, #tpu.memory_space<semaphore_mem>>)
        %dma_start3A_37 = arith.constant 1 : i32
        %dma_start3A_38 = arith.constant 0 : i32
        %dma_start3A_39 = tpu.memref_slice %arg8[%dma_start3A_37, %dma_start3A_38] : memref<40x128xi32, #tpu.memory_space<vmem>> -> memref<1x128xi32, #tpu.memory_space<vmem>>
        %dma_start3A_40 = tpu.memref_squeeze %dma_start3A_39 : memref<1x128xi32, #tpu.memory_space<vmem>> -> memref<128xi32, #tpu.memory_space<vmem>>
        %dma_start3A_41 = arith.constant 0 : i32
        %dma_start3A_42 = arith.constant 0 : i32
        %dma_start3A_43 = tpu.memref_slice %arg2[%dma_start3A_41, %dma_start3A_42] : memref<10000x128xf32, #tpu.memory_space<hbm>> -> memref<10000x128xf32, #tpu.memory_space<hbm>>
        tpu.enqueue_indirect_dma source(%dma_start3A_43 : memref<10000x128xf32, #tpu.memory_space<hbm>>) target(%arg11 : memref<128x128xf32, #tpu.memory_space<vmem>>) offsets(%dma_start3A_40 : memref<128xi32, #tpu.memory_space<vmem>>) semaphore(%arg14 : memref<!tpu.dma_semaphore, #tpu.memory_space<semaphore_mem>>)
        %scan3A_44 = arith.constant 0 : i32
        %scan3A_45 = arith.constant 0 : i32
        %scan3A_46 = arith.constant 20 : i32
        %scan3A_47 = arith.addi %scan3A_45, %scan3A_46 : i32
        %scan3A_48 = arith.constant 1 : i32
        scf.for %scan3A_50 = %scan3A_45 to %scan3A_47 step %scan3A_48  : i32 {
          %mul3A_51 = arith.constant 2 : i32
          %mul3A_52 = arith.muli %mul3A_51, %scan3A_50 : i32
          %dma_wait3A = arith.constant 0 : i32
          %dma_wait3A_53 = tpu.memref_slice %arg8[%mul3A_52, %dma_wait3A] : memref<40x128xi32, #tpu.memory_space<vmem>> -> memref<1x128xi32, #tpu.memory_space<vmem>>
          %dma_wait3A_54 = tpu.memref_squeeze %dma_wait3A_53 : memref<1x128xi32, #tpu.memory_space<vmem>> -> memref<128xi32, #tpu.memory_space<vmem>>
          %dma_wait3A_55 = arith.constant 0 : i32
          %dma_wait3A_56 = arith.constant 0 : i32
          %dma_wait3A_57 = tpu.memref_slice %arg2[%dma_wait3A_55, %dma_wait3A_56] : memref<10000x128xf32, #tpu.memory_space<hbm>> -> memref<10000x128xf32, #tpu.memory_space<hbm>>
          tpu.wait_indirect_dma semaphore(%arg13 : memref<!tpu.dma_semaphore, #tpu.memory_space<semaphore_mem>>) src(%dma_wait3A_57 : memref<10000x128xf32, #tpu.memory_space<hbm>>) dst(%arg10 : memref<128x128xf32, #tpu.memory_space<vmem>>)
          %mul3A_58 = arith.constant 2 : i32
          %mul3A_59 = arith.muli %mul3A_58, %scan3A_50 : i32
          "tpu.region"() ({
            %run_scoped3A = tpu.sem_alloc : memref<!tpu.dma_semaphore, #tpu.memory_space<semaphore_mem>>
            %dma_start3A_82 = arith.constant 0 : i32
            %dma_start3A_83 = tpu.memref_slice %arg9[%mul3A_59, %dma_start3A_82] : memref<40x128xi32, #tpu.memory_space<vmem>> -> memref<1x128xi32, #tpu.memory_space<vmem>>
            %dma_start3A_84 = tpu.memref_squeeze %dma_start3A_83 : memref<1x128xi32, #tpu.memory_space<vmem>> -> memref<128xi32, #tpu.memory_space<vmem>>
            %dma_start3A_85 = arith.constant 0 : i32
            %dma_start3A_86 = arith.constant 0 : i32
            %dma_start3A_87 = tpu.memref_slice %arg12[%dma_start3A_85, %dma_start3A_86] : memref<10112x128xf32, #tpu.memory_space<vmem_shared>> -> memref<10112x128xf32, #tpu.memory_space<vmem_shared>>
            tpu.enqueue_indirect_dma source(%arg10 : memref<128x128xf32, #tpu.memory_space<vmem>>) target(%dma_start3A_87 : memref<10112x128xf32, #tpu.memory_space<vmem_shared>>) offsets(%dma_start3A_84 : memref<128xi32, #tpu.memory_space<vmem>>) semaphore(%run_scoped3A : memref<!tpu.dma_semaphore, #tpu.memory_space<semaphore_mem>>) {add = true}
            %dma_wait3A_88 = arith.constant 0 : i32
            %dma_wait3A_89 = tpu.memref_slice %arg9[%mul3A_59, %dma_wait3A_88] : memref<40x128xi32, #tpu.memory_space<vmem>> -> memref<1x128xi32, #tpu.memory_space<vmem>>
            %dma_wait3A_90 = tpu.memref_squeeze %dma_wait3A_89 : memref<1x128xi32, #tpu.memory_space<vmem>> -> memref<128xi32, #tpu.memory_space<vmem>>
            %dma_wait3A_91 = arith.constant 0 : i32
            %dma_wait3A_92 = arith.constant 0 : i32
            %dma_wait3A_93 = tpu.memref_slice %arg12[%dma_wait3A_91, %dma_wait3A_92] : memref<10112x128xf32, #tpu.memory_space<vmem_shared>> -> memref<10112x128xf32, #tpu.memory_space<vmem_shared>>
            tpu.wait_indirect_dma semaphore(%run_scoped3A : memref<!tpu.dma_semaphore, #tpu.memory_space<semaphore_mem>>) src(%arg10 : memref<128x128xf32, #tpu.memory_space<vmem>>) dst(%dma_wait3A_93 : memref<10112x128xf32, #tpu.memory_space<vmem_shared>>)
            tpu.yield
          }) : () -> ()
          %lt3A = arith.constant 19 : i32
          %lt3A_60 = arith.cmpi slt, %scan3A_50, %lt3A : i32
          %convert_element_type3A_61 = arith.extui %lt3A_60 : i1 to i32
          %cond3A_62 = arith.constant 0 : i32
          %cond3A_63 = arith.cmpi ne, %convert_element_type3A_61, %cond3A_62 : i32
          scf.if %cond3A_63 {
            %mul3A_82 = arith.constant 2 : i32
            %mul3A_83 = arith.muli %mul3A_82, %scan3A_50 : i32
            %add3A_84 = arith.constant 2 : i32
            %add3A_85 = arith.addi %mul3A_83, %add3A_84 : i32
            %dma_start3A_86 = arith.constant 0 : i32
            %dma_start3A_87 = tpu.memref_slice %arg8[%add3A_85, %dma_start3A_86] : memref<40x128xi32, #tpu.memory_space<vmem>> -> memref<1x128xi32, #tpu.memory_space<vmem>>
            %dma_start3A_88 = tpu.memref_squeeze %dma_start3A_87 : memref<1x128xi32, #tpu.memory_space<vmem>> -> memref<128xi32, #tpu.memory_space<vmem>>
            %dma_start3A_89 = arith.constant 0 : i32
            %dma_start3A_90 = arith.constant 0 : i32
            %dma_start3A_91 = tpu.memref_slice %arg2[%dma_start3A_89, %dma_start3A_90] : memref<10000x128xf32, #tpu.memory_space<hbm>> -> memref<10000x128xf32, #tpu.memory_space<hbm>>
            tpu.enqueue_indirect_dma source(%dma_start3A_91 : memref<10000x128xf32, #tpu.memory_space<hbm>>) target(%arg10 : memref<128x128xf32, #tpu.memory_space<vmem>>) offsets(%dma_start3A_88 : memref<128xi32, #tpu.memory_space<vmem>>) semaphore(%arg13 : memref<!tpu.dma_semaphore, #tpu.memory_space<semaphore_mem>>)
          } else {
          }
          %mul3A_64 = arith.constant 2 : i32
          %mul3A_65 = arith.muli %mul3A_64, %scan3A_50 : i32
          %add3A = arith.constant 1 : i32
          %add3A_66 = arith.addi %mul3A_65, %add3A : i32
          %dma_wait3A_67 = arith.constant 0 : i32
          %dma_wait3A_68 = tpu.memref_slice %arg8[%add3A_66, %dma_wait3A_67] : memref<40x128xi32, #tpu.memory_space<vmem>> -> memref<1x128xi32, #tpu.memory_space<vmem>>
          %dma_wait3A_69 = tpu.memref_squeeze %dma_wait3A_68 : memref<1x128xi32, #tpu.memory_space<vmem>> -> memref<128xi32, #tpu.memory_space<vmem>>
          %dma_wait3A_70 = arith.constant 0 : i32
          %dma_wait3A_71 = arith.constant 0 : i32
          %dma_wait3A_72 = tpu.memref_slice %arg2[%dma_wait3A_70, %dma_wait3A_71] : memref<10000x128xf32, #tpu.memory_space<hbm>> -> memref<10000x128xf32, #tpu.memory_space<hbm>>
          tpu.wait_indirect_dma semaphore(%arg14 : memref<!tpu.dma_semaphore, #tpu.memory_space<semaphore_mem>>) src(%dma_wait3A_72 : memref<10000x128xf32, #tpu.memory_space<hbm>>) dst(%arg11 : memref<128x128xf32, #tpu.memory_space<vmem>>)
          %mul3A_73 = arith.constant 2 : i32
          %mul3A_74 = arith.muli %mul3A_73, %scan3A_50 : i32
          %add3A_75 = arith.constant 1 : i32
          %add3A_76 = arith.addi %mul3A_74, %add3A_75 : i32
          "tpu.region"() ({
            %run_scoped3A = tpu.sem_alloc : memref<!tpu.dma_semaphore, #tpu.memory_space<semaphore_mem>>
            %dma_start3A_82 = arith.constant 0 : i32
            %dma_start3A_83 = tpu.memref_slice %arg9[%add3A_76, %dma_start3A_82] : memref<40x128xi32, #tpu.memory_space<vmem>> -> memref<1x128xi32, #tpu.memory_space<vmem>>
            %dma_start3A_84 = tpu.memref_squeeze %dma_start3A_83 : memref<1x128xi32, #tpu.memory_space<vmem>> -> memref<128xi32, #tpu.memory_space<vmem>>
            %dma_start3A_85 = arith.constant 0 : i32
            %dma_start3A_86 = arith.constant 0 : i32
            %dma_start3A_87 = tpu.memref_slice %arg12[%dma_start3A_85, %dma_start3A_86] : memref<10112x128xf32, #tpu.memory_space<vmem_shared>> -> memref<10112x128xf32, #tpu.memory_space<vmem_shared>>
            tpu.enqueue_indirect_dma source(%arg11 : memref<128x128xf32, #tpu.memory_space<vmem>>) target(%dma_start3A_87 : memref<10112x128xf32, #tpu.memory_space<vmem_shared>>) offsets(%dma_start3A_84 : memref<128xi32, #tpu.memory_space<vmem>>) semaphore(%run_scoped3A : memref<!tpu.dma_semaphore, #tpu.memory_space<semaphore_mem>>) {add = true}
            %dma_wait3A_88 = arith.constant 0 : i32
            %dma_wait3A_89 = tpu.memref_slice %arg9[%add3A_76, %dma_wait3A_88] : memref<40x128xi32, #tpu.memory_space<vmem>> -> memref<1x128xi32, #tpu.memory_space<vmem>>
            %dma_wait3A_90 = tpu.memref_squeeze %dma_wait3A_89 : memref<1x128xi32, #tpu.memory_space<vmem>> -> memref<128xi32, #tpu.memory_space<vmem>>
            %dma_wait3A_91 = arith.constant 0 : i32
            %dma_wait3A_92 = arith.constant 0 : i32
            %dma_wait3A_93 = tpu.memref_slice %arg12[%dma_wait3A_91, %dma_wait3A_92] : memref<10112x128xf32, #tpu.memory_space<vmem_shared>> -> memref<10112x128xf32, #tpu.memory_space<vmem_shared>>
            tpu.wait_indirect_dma semaphore(%run_scoped3A : memref<!tpu.dma_semaphore, #tpu.memory_space<semaphore_mem>>) src(%arg11 : memref<128x128xf32, #tpu.memory_space<vmem>>) dst(%dma_wait3A_93 : memref<10112x128xf32, #tpu.memory_space<vmem_shared>>)
            tpu.yield
          }) : () -> ()
          %lt3A_77 = arith.constant 19 : i32
          %lt3A_78 = arith.cmpi slt, %scan3A_50, %lt3A_77 : i32
          %convert_element_type3A_79 = arith.extui %lt3A_78 : i1 to i32
          %cond3A_80 = arith.constant 0 : i32
          %cond3A_81 = arith.cmpi ne, %convert_element_type3A_79, %cond3A_80 : i32
          scf.if %cond3A_81 {
            %mul3A_82 = arith.constant 2 : i32
            %mul3A_83 = arith.muli %mul3A_82, %scan3A_50 : i32
            %add3A_84 = arith.constant 3 : i32
            %add3A_85 = arith.addi %mul3A_83, %add3A_84 : i32
            %dma_start3A_86 = arith.constant 0 : i32
            %dma_start3A_87 = tpu.memref_slice %arg8[%add3A_85, %dma_start3A_86] : memref<40x128xi32, #tpu.memory_space<vmem>> -> memref<1x128xi32, #tpu.memory_space<vmem>>
            %dma_start3A_88 = tpu.memref_squeeze %dma_start3A_87 : memref<1x128xi32, #tpu.memory_space<vmem>> -> memref<128xi32, #tpu.memory_space<vmem>>
            %dma_start3A_89 = arith.constant 0 : i32
            %dma_start3A_90 = arith.constant 0 : i32
            %dma_start3A_91 = tpu.memref_slice %arg2[%dma_start3A_89, %dma_start3A_90] : memref<10000x128xf32, #tpu.memory_space<hbm>> -> memref<10000x128xf32, #tpu.memory_space<hbm>>
            tpu.enqueue_indirect_dma source(%dma_start3A_91 : memref<10000x128xf32, #tpu.memory_space<hbm>>) target(%arg11 : memref<128x128xf32, #tpu.memory_space<vmem>>) offsets(%dma_start3A_88 : memref<128xi32, #tpu.memory_space<vmem>>) semaphore(%arg14 : memref<!tpu.dma_semaphore, #tpu.memory_space<semaphore_mem>>)
          } else {
          }
        }
        %scan3A_49 = arith.constant 20 : i32
      }
      %scan3A_25 = arith.constant 2 : i32
    } else {
    }
    %eq3A_5 = arith.constant 1 : i32
    %eq3A_6 = arith.cmpi eq, %arg0, %eq3A_5 : i32
    %convert_element_type3A_7 = arith.extui %eq3A_6 : i1 to i32
    %cond3A_8 = arith.constant 0 : i32
    %cond3A_9 = arith.cmpi ne, %convert_element_type3A_7, %cond3A_8 : i32
    scf.if %cond3A_9 {
      %scan3A = arith.constant 0 : i32
      %scan3A_21 = arith.constant 0 : i32
      %scan3A_22 = arith.constant 2 : i32
      %scan3A_23 = arith.addi %scan3A_21, %scan3A_22 : i32
      %scan3A_24 = arith.constant 1 : i32
      scf.for %scan3A_26 = %scan3A_21 to %scan3A_23 step %scan3A_24  : i32 {
        %mul3A_27 = arith.constant 40 : i32
        %mul3A_28 = arith.muli %scan3A_26, %mul3A_27 : i32
        "tpu.region"() ({
          %run_scoped3A = tpu.sem_alloc : memref<!tpu.dma_semaphore, #tpu.memory_space<semaphore_mem>>
          %dma_start3A_50 = arith.constant 0 : i32
          %dma_start3A_51 = arith.constant 0 : i32
          %dma_start3A_52 = tpu.memref_slice %arg4[%arg1, %dma_start3A_50, %dma_start3A_51] : memref<16x80x128xi32, #tpu.memory_space<hbm>> -> memref<1x80x128xi32, #tpu.memory_space<hbm>>
          %dma_start3A_53 = tpu.memref_squeeze %dma_start3A_52 : memref<1x80x128xi32, #tpu.memory_space<hbm>> -> memref<80x128xi32, #tpu.memory_space<hbm>>
          %dma_start3A_54 = arith.constant 0 : i32
          %dma_start3A_55 = tpu.memref_slice %dma_start3A_53[%mul3A_28, %dma_start3A_54] : memref<80x128xi32, #tpu.memory_space<hbm>> -> memref<40x128xi32, #tpu.memory_space<hbm>>
          %dma_start3A_56 = arith.constant 0 : i32
          %dma_start3A_57 = arith.constant 0 : i32
          %dma_start3A_58 = tpu.memref_slice %arg4[%arg1, %dma_start3A_56, %dma_start3A_57] : memref<16x80x128xi32, #tpu.memory_space<hbm>> -> memref<1x80x128xi32, #tpu.memory_space<hbm>>
          %dma_start3A_59 = tpu.memref_squeeze %dma_start3A_58 : memref<1x80x128xi32, #tpu.memory_space<hbm>> -> memref<80x128xi32, #tpu.memory_space<hbm>>
          %dma_start3A_60 = arith.constant 0 : i32
          %dma_start3A_61 = tpu.memref_slice %dma_start3A_59[%mul3A_28, %dma_start3A_60] : memref<80x128xi32, #tpu.memory_space<hbm>> -> memref<40x128xi32, #tpu.memory_space<hbm>>
          tpu.enqueue_dma source(%dma_start3A_61 : memref<40x128xi32, #tpu.memory_space<hbm>>) target(%arg8 : memref<40x128xi32, #tpu.memory_space<vmem>>) target_semaphore(%run_scoped3A : memref<!tpu.dma_semaphore, #tpu.memory_space<semaphore_mem>>)
          %dma_wait3A = arith.constant 0 : i32
          %dma_wait3A_62 = arith.constant 0 : i32
          %dma_wait3A_63 = tpu.memref_slice %arg4[%arg1, %dma_wait3A, %dma_wait3A_62] : memref<16x80x128xi32, #tpu.memory_space<hbm>> -> memref<1x80x128xi32, #tpu.memory_space<hbm>>
          %dma_wait3A_64 = tpu.memref_squeeze %dma_wait3A_63 : memref<1x80x128xi32, #tpu.memory_space<hbm>> -> memref<80x128xi32, #tpu.memory_space<hbm>>
          %dma_wait3A_65 = arith.constant 0 : i32
          %dma_wait3A_66 = tpu.memref_slice %dma_wait3A_64[%mul3A_28, %dma_wait3A_65] : memref<80x128xi32, #tpu.memory_space<hbm>> -> memref<40x128xi32, #tpu.memory_space<hbm>>
          %dma_wait3A_67 = arith.constant 0 : i32
          %dma_wait3A_68 = arith.constant 0 : i32
          %dma_wait3A_69 = tpu.memref_slice %arg4[%arg1, %dma_wait3A_67, %dma_wait3A_68] : memref<16x80x128xi32, #tpu.memory_space<hbm>> -> memref<1x80x128xi32, #tpu.memory_space<hbm>>
          %dma_wait3A_70 = tpu.memref_squeeze %dma_wait3A_69 : memref<1x80x128xi32, #tpu.memory_space<hbm>> -> memref<80x128xi32, #tpu.memory_space<hbm>>
          %dma_wait3A_71 = arith.constant 0 : i32
          %dma_wait3A_72 = tpu.memref_slice %dma_wait3A_70[%mul3A_28, %dma_wait3A_71] : memref<80x128xi32, #tpu.memory_space<hbm>> -> memref<40x128xi32, #tpu.memory_space<hbm>>
          tpu.wait_dma2 semaphore(%run_scoped3A : memref<!tpu.dma_semaphore, #tpu.memory_space<semaphore_mem>>) src(%dma_wait3A_72 : memref<40x128xi32, #tpu.memory_space<hbm>>) dst(%arg8 : memref<40x128xi32, #tpu.memory_space<vmem>>)
          tpu.yield
        }) : () -> ()
        %mul3A_29 = arith.constant 40 : i32
        %mul3A_30 = arith.muli %scan3A_26, %mul3A_29 : i32
        "tpu.region"() ({
          %run_scoped3A = tpu.sem_alloc : memref<!tpu.dma_semaphore, #tpu.memory_space<semaphore_mem>>
          %dma_start3A_50 = arith.constant 0 : i32
          %dma_start3A_51 = arith.constant 0 : i32
          %dma_start3A_52 = tpu.memref_slice %arg5[%arg1, %dma_start3A_50, %dma_start3A_51] : memref<16x80x128xi32, #tpu.memory_space<hbm>> -> memref<1x80x128xi32, #tpu.memory_space<hbm>>
          %dma_start3A_53 = tpu.memref_squeeze %dma_start3A_52 : memref<1x80x128xi32, #tpu.memory_space<hbm>> -> memref<80x128xi32, #tpu.memory_space<hbm>>
          %dma_start3A_54 = arith.constant 0 : i32
          %dma_start3A_55 = tpu.memref_slice %dma_start3A_53[%mul3A_30, %dma_start3A_54] : memref<80x128xi32, #tpu.memory_space<hbm>> -> memref<40x128xi32, #tpu.memory_space<hbm>>
          %dma_start3A_56 = arith.constant 0 : i32
          %dma_start3A_57 = arith.constant 0 : i32
          %dma_start3A_58 = tpu.memref_slice %arg5[%arg1, %dma_start3A_56, %dma_start3A_57] : memref<16x80x128xi32, #tpu.memory_space<hbm>> -> memref<1x80x128xi32, #tpu.memory_space<hbm>>
          %dma_start3A_59 = tpu.memref_squeeze %dma_start3A_58 : memref<1x80x128xi32, #tpu.memory_space<hbm>> -> memref<80x128xi32, #tpu.memory_space<hbm>>
          %dma_start3A_60 = arith.constant 0 : i32
          %dma_start3A_61 = tpu.memref_slice %dma_start3A_59[%mul3A_30, %dma_start3A_60] : memref<80x128xi32, #tpu.memory_space<hbm>> -> memref<40x128xi32, #tpu.memory_space<hbm>>
          tpu.enqueue_dma source(%dma_start3A_61 : memref<40x128xi32, #tpu.memory_space<hbm>>) target(%arg9 : memref<40x128xi32, #tpu.memory_space<vmem>>) target_semaphore(%run_scoped3A : memref<!tpu.dma_semaphore, #tpu.memory_space<semaphore_mem>>)
          %dma_wait3A = arith.constant 0 : i32
          %dma_wait3A_62 = arith.constant 0 : i32
          %dma_wait3A_63 = tpu.memref_slice %arg5[%arg1, %dma_wait3A, %dma_wait3A_62] : memref<16x80x128xi32, #tpu.memory_space<hbm>> -> memref<1x80x128xi32, #tpu.memory_space<hbm>>
          %dma_wait3A_64 = tpu.memref_squeeze %dma_wait3A_63 : memref<1x80x128xi32, #tpu.memory_space<hbm>> -> memref<80x128xi32, #tpu.memory_space<hbm>>
          %dma_wait3A_65 = arith.constant 0 : i32
          %dma_wait3A_66 = tpu.memref_slice %dma_wait3A_64[%mul3A_30, %dma_wait3A_65] : memref<80x128xi32, #tpu.memory_space<hbm>> -> memref<40x128xi32, #tpu.memory_space<hbm>>
          %dma_wait3A_67 = arith.constant 0 : i32
          %dma_wait3A_68 = arith.constant 0 : i32
          %dma_wait3A_69 = tpu.memref_slice %arg5[%arg1, %dma_wait3A_67, %dma_wait3A_68] : memref<16x80x128xi32, #tpu.memory_space<hbm>> -> memref<1x80x128xi32, #tpu.memory_space<hbm>>
          %dma_wait3A_70 = tpu.memref_squeeze %dma_wait3A_69 : memref<1x80x128xi32, #tpu.memory_space<hbm>> -> memref<80x128xi32, #tpu.memory_space<hbm>>
          %dma_wait3A_71 = arith.constant 0 : i32
          %dma_wait3A_72 = tpu.memref_slice %dma_wait3A_70[%mul3A_30, %dma_wait3A_71] : memref<80x128xi32, #tpu.memory_space<hbm>> -> memref<40x128xi32, #tpu.memory_space<hbm>>
          tpu.wait_dma2 semaphore(%run_scoped3A : memref<!tpu.dma_semaphore, #tpu.memory_space<semaphore_mem>>) src(%dma_wait3A_72 : memref<40x128xi32, #tpu.memory_space<hbm>>) dst(%arg9 : memref<40x128xi32, #tpu.memory_space<vmem>>)
          tpu.yield
        }) : () -> ()
        %dma_start3A = arith.constant 0 : i32
        %dma_start3A_31 = arith.constant 0 : i32
        %dma_start3A_32 = tpu.memref_slice %arg8[%dma_start3A, %dma_start3A_31] : memref<40x128xi32, #tpu.memory_space<vmem>> -> memref<1x128xi32, #tpu.memory_space<vmem>>
        %dma_start3A_33 = tpu.memref_squeeze %dma_start3A_32 : memref<1x128xi32, #tpu.memory_space<vmem>> -> memref<128xi32, #tpu.memory_space<vmem>>
        %dma_start3A_34 = arith.constant 0 : i32
        %dma_start3A_35 = arith.constant 0 : i32
        %dma_start3A_36 = tpu.memref_slice %arg3[%dma_start3A_34, %dma_start3A_35] : memref<10000x128xf32, #tpu.memory_space<hbm>> -> memref<10000x128xf32, #tpu.memory_space<hbm>>
        tpu.enqueue_indirect_dma source(%dma_start3A_36 : memref<10000x128xf32, #tpu.memory_space<hbm>>) target(%arg10 : memref<128x128xf32, #tpu.memory_space<vmem>>) offsets(%dma_start3A_33 : memref<128xi32, #tpu.memory_space<vmem>>) semaphore(%arg13 : memref<!tpu.dma_semaphore, #tpu.memory_space<semaphore_mem>>)
        %dma_start3A_37 = arith.constant 1 : i32
        %dma_start3A_38 = arith.constant 0 : i32
        %dma_start3A_39 = tpu.memref_slice %arg8[%dma_start3A_37, %dma_start3A_38] : memref<40x128xi32, #tpu.memory_space<vmem>> -> memref<1x128xi32, #tpu.memory_space<vmem>>
        %dma_start3A_40 = tpu.memref_squeeze %dma_start3A_39 : memref<1x128xi32, #tpu.memory_space<vmem>> -> memref<128xi32, #tpu.memory_space<vmem>>
        %dma_start3A_41 = arith.constant 0 : i32
        %dma_start3A_42 = arith.constant 0 : i32
        %dma_start3A_43 = tpu.memref_slice %arg3[%dma_start3A_41, %dma_start3A_42] : memref<10000x128xf32, #tpu.memory_space<hbm>> -> memref<10000x128xf32, #tpu.memory_space<hbm>>
        tpu.enqueue_indirect_dma source(%dma_start3A_43 : memref<10000x128xf32, #tpu.memory_space<hbm>>) target(%arg11 : memref<128x128xf32, #tpu.memory_space<vmem>>) offsets(%dma_start3A_40 : memref<128xi32, #tpu.memory_space<vmem>>) semaphore(%arg14 : memref<!tpu.dma_semaphore, #tpu.memory_space<semaphore_mem>>)
        %scan3A_44 = arith.constant 0 : i32
        %scan3A_45 = arith.constant 0 : i32
        %scan3A_46 = arith.constant 20 : i32
        %scan3A_47 = arith.addi %scan3A_45, %scan3A_46 : i32
        %scan3A_48 = arith.constant 1 : i32
        scf.for %scan3A_50 = %scan3A_45 to %scan3A_47 step %scan3A_48  : i32 {
          %mul3A_51 = arith.constant 2 : i32
          %mul3A_52 = arith.muli %mul3A_51, %scan3A_50 : i32
          %dma_wait3A = arith.constant 0 : i32
          %dma_wait3A_53 = tpu.memref_slice %arg8[%mul3A_52, %dma_wait3A] : memref<40x128xi32, #tpu.memory_space<vmem>> -> memref<1x128xi32, #tpu.memory_space<vmem>>
          %dma_wait3A_54 = tpu.memref_squeeze %dma_wait3A_53 : memref<1x128xi32, #tpu.memory_space<vmem>> -> memref<128xi32, #tpu.memory_space<vmem>>
          %dma_wait3A_55 = arith.constant 0 : i32
          %dma_wait3A_56 = arith.constant 0 : i32
          %dma_wait3A_57 = tpu.memref_slice %arg3[%dma_wait3A_55, %dma_wait3A_56] : memref<10000x128xf32, #tpu.memory_space<hbm>> -> memref<10000x128xf32, #tpu.memory_space<hbm>>
          tpu.wait_indirect_dma semaphore(%arg13 : memref<!tpu.dma_semaphore, #tpu.memory_space<semaphore_mem>>) src(%dma_wait3A_57 : memref<10000x128xf32, #tpu.memory_space<hbm>>) dst(%arg10 : memref<128x128xf32, #tpu.memory_space<vmem>>)
          %mul3A_58 = arith.constant 2 : i32
          %mul3A_59 = arith.muli %mul3A_58, %scan3A_50 : i32
          "tpu.region"() ({
            %run_scoped3A = tpu.sem_alloc : memref<!tpu.dma_semaphore, #tpu.memory_space<semaphore_mem>>
            %dma_start3A_82 = arith.constant 0 : i32
            %dma_start3A_83 = tpu.memref_slice %arg9[%mul3A_59, %dma_start3A_82] : memref<40x128xi32, #tpu.memory_space<vmem>> -> memref<1x128xi32, #tpu.memory_space<vmem>>
            %dma_start3A_84 = tpu.memref_squeeze %dma_start3A_83 : memref<1x128xi32, #tpu.memory_space<vmem>> -> memref<128xi32, #tpu.memory_space<vmem>>
            %dma_start3A_85 = arith.constant 0 : i32
            %dma_start3A_86 = arith.constant 0 : i32
            %dma_start3A_87 = tpu.memref_slice %arg12[%dma_start3A_85, %dma_start3A_86] : memref<10112x128xf32, #tpu.memory_space<vmem_shared>> -> memref<10112x128xf32, #tpu.memory_space<vmem_shared>>
            tpu.enqueue_indirect_dma source(%arg10 : memref<128x128xf32, #tpu.memory_space<vmem>>) target(%dma_start3A_87 : memref<10112x128xf32, #tpu.memory_space<vmem_shared>>) offsets(%dma_start3A_84 : memref<128xi32, #tpu.memory_space<vmem>>) semaphore(%run_scoped3A : memref<!tpu.dma_semaphore, #tpu.memory_space<semaphore_mem>>) {add = true}
            %dma_wait3A_88 = arith.constant 0 : i32
            %dma_wait3A_89 = tpu.memref_slice %arg9[%mul3A_59, %dma_wait3A_88] : memref<40x128xi32, #tpu.memory_space<vmem>> -> memref<1x128xi32, #tpu.memory_space<vmem>>
            %dma_wait3A_90 = tpu.memref_squeeze %dma_wait3A_89 : memref<1x128xi32, #tpu.memory_space<vmem>> -> memref<128xi32, #tpu.memory_space<vmem>>
            %dma_wait3A_91 = arith.constant 0 : i32
            %dma_wait3A_92 = arith.constant 0 : i32
            %dma_wait3A_93 = tpu.memref_slice %arg12[%dma_wait3A_91, %dma_wait3A_92] : memref<10112x128xf32, #tpu.memory_space<vmem_shared>> -> memref<10112x128xf32, #tpu.memory_space<vmem_shared>>
            tpu.wait_indirect_dma semaphore(%run_scoped3A : memref<!tpu.dma_semaphore, #tpu.memory_space<semaphore_mem>>) src(%arg10 : memref<128x128xf32, #tpu.memory_space<vmem>>) dst(%dma_wait3A_93 : memref<10112x128xf32, #tpu.memory_space<vmem_shared>>)
            tpu.yield
          }) : () -> ()
          %lt3A = arith.constant 19 : i32
          %lt3A_60 = arith.cmpi slt, %scan3A_50, %lt3A : i32
          %convert_element_type3A_61 = arith.extui %lt3A_60 : i1 to i32
          %cond3A_62 = arith.constant 0 : i32
          %cond3A_63 = arith.cmpi ne, %convert_element_type3A_61, %cond3A_62 : i32
          scf.if %cond3A_63 {
            %mul3A_82 = arith.constant 2 : i32
            %mul3A_83 = arith.muli %mul3A_82, %scan3A_50 : i32
            %add3A_84 = arith.constant 2 : i32
            %add3A_85 = arith.addi %mul3A_83, %add3A_84 : i32
            %dma_start3A_86 = arith.constant 0 : i32
            %dma_start3A_87 = tpu.memref_slice %arg8[%add3A_85, %dma_start3A_86] : memref<40x128xi32, #tpu.memory_space<vmem>> -> memref<1x128xi32, #tpu.memory_space<vmem>>
            %dma_start3A_88 = tpu.memref_squeeze %dma_start3A_87 : memref<1x128xi32, #tpu.memory_space<vmem>> -> memref<128xi32, #tpu.memory_space<vmem>>
            %dma_start3A_89 = arith.constant 0 : i32
            %dma_start3A_90 = arith.constant 0 : i32
            %dma_start3A_91 = tpu.memref_slice %arg3[%dma_start3A_89, %dma_start3A_90] : memref<10000x128xf32, #tpu.memory_space<hbm>> -> memref<10000x128xf32, #tpu.memory_space<hbm>>
            tpu.enqueue_indirect_dma source(%dma_start3A_91 : memref<10000x128xf32, #tpu.memory_space<hbm>>) target(%arg10 : memref<128x128xf32, #tpu.memory_space<vmem>>) offsets(%dma_start3A_88 : memref<128xi32, #tpu.memory_space<vmem>>) semaphore(%arg13 : memref<!tpu.dma_semaphore, #tpu.memory_space<semaphore_mem>>)
          } else {
          }
          %mul3A_64 = arith.constant 2 : i32
          %mul3A_65 = arith.muli %mul3A_64, %scan3A_50 : i32
          %add3A = arith.constant 1 : i32
          %add3A_66 = arith.addi %mul3A_65, %add3A : i32
          %dma_wait3A_67 = arith.constant 0 : i32
          %dma_wait3A_68 = tpu.memref_slice %arg8[%add3A_66, %dma_wait3A_67] : memref<40x128xi32, #tpu.memory_space<vmem>> -> memref<1x128xi32, #tpu.memory_space<vmem>>
          %dma_wait3A_69 = tpu.memref_squeeze %dma_wait3A_68 : memref<1x128xi32, #tpu.memory_space<vmem>> -> memref<128xi32, #tpu.memory_space<vmem>>
          %dma_wait3A_70 = arith.constant 0 : i32
          %dma_wait3A_71 = arith.constant 0 : i32
          %dma_wait3A_72 = tpu.memref_slice %arg3[%dma_wait3A_70, %dma_wait3A_71] : memref<10000x128xf32, #tpu.memory_space<hbm>> -> memref<10000x128xf32, #tpu.memory_space<hbm>>
          tpu.wait_indirect_dma semaphore(%arg14 : memref<!tpu.dma_semaphore, #tpu.memory_space<semaphore_mem>>) src(%dma_wait3A_72 : memref<10000x128xf32, #tpu.memory_space<hbm>>) dst(%arg11 : memref<128x128xf32, #tpu.memory_space<vmem>>)
          %mul3A_73 = arith.constant 2 : i32
          %mul3A_74 = arith.muli %mul3A_73, %scan3A_50 : i32
          %add3A_75 = arith.constant 1 : i32
          %add3A_76 = arith.addi %mul3A_74, %add3A_75 : i32
          "tpu.region"() ({
            %run_scoped3A = tpu.sem_alloc : memref<!tpu.dma_semaphore, #tpu.memory_space<semaphore_mem>>
            %dma_start3A_82 = arith.constant 0 : i32
            %dma_start3A_83 = tpu.memref_slice %arg9[%add3A_76, %dma_start3A_82] : memref<40x128xi32, #tpu.memory_space<vmem>> -> memref<1x128xi32, #tpu.memory_space<vmem>>
            %dma_start3A_84 = tpu.memref_squeeze %dma_start3A_83 : memref<1x128xi32, #tpu.memory_space<vmem>> -> memref<128xi32, #tpu.memory_space<vmem>>
            %dma_start3A_85 = arith.constant 0 : i32
            %dma_start3A_86 = arith.constant 0 : i32
            %dma_start3A_87 = tpu.memref_slice %arg12[%dma_start3A_85, %dma_start3A_86] : memref<10112x128xf32, #tpu.memory_space<vmem_shared>> -> memref<10112x128xf32, #tpu.memory_space<vmem_shared>>
            tpu.enqueue_indirect_dma source(%arg11 : memref<128x128xf32, #tpu.memory_space<vmem>>) target(%dma_start3A_87 : memref<10112x128xf32, #tpu.memory_space<vmem_shared>>) offsets(%dma_start3A_84 : memref<128xi32, #tpu.memory_space<vmem>>) semaphore(%run_scoped3A : memref<!tpu.dma_semaphore, #tpu.memory_space<semaphore_mem>>) {add = true}
            %dma_wait3A_88 = arith.constant 0 : i32
            %dma_wait3A_89 = tpu.memref_slice %arg9[%add3A_76, %dma_wait3A_88] : memref<40x128xi32, #tpu.memory_space<vmem>> -> memref<1x128xi32, #tpu.memory_space<vmem>>
            %dma_wait3A_90 = tpu.memref_squeeze %dma_wait3A_89 : memref<1x128xi32, #tpu.memory_space<vmem>> -> memref<128xi32, #tpu.memory_space<vmem>>
            %dma_wait3A_91 = arith.constant 0 : i32
            %dma_wait3A_92 = arith.constant 0 : i32
            %dma_wait3A_93 = tpu.memref_slice %arg12[%dma_wait3A_91, %dma_wait3A_92] : memref<10112x128xf32, #tpu.memory_space<vmem_shared>> -> memref<10112x128xf32, #tpu.memory_space<vmem_shared>>
            tpu.wait_indirect_dma semaphore(%run_scoped3A : memref<!tpu.dma_semaphore, #tpu.memory_space<semaphore_mem>>) src(%arg11 : memref<128x128xf32, #tpu.memory_space<vmem>>) dst(%dma_wait3A_93 : memref<10112x128xf32, #tpu.memory_space<vmem_shared>>)
            tpu.yield
          }) : () -> ()
          %lt3A_77 = arith.constant 19 : i32
          %lt3A_78 = arith.cmpi slt, %scan3A_50, %lt3A_77 : i32
          %convert_element_type3A_79 = arith.extui %lt3A_78 : i1 to i32
          %cond3A_80 = arith.constant 0 : i32
          %cond3A_81 = arith.cmpi ne, %convert_element_type3A_79, %cond3A_80 : i32
          scf.if %cond3A_81 {
            %mul3A_82 = arith.constant 2 : i32
            %mul3A_83 = arith.muli %mul3A_82, %scan3A_50 : i32
            %add3A_84 = arith.constant 3 : i32
            %add3A_85 = arith.addi %mul3A_83, %add3A_84 : i32
            %dma_start3A_86 = arith.constant 0 : i32
            %dma_start3A_87 = tpu.memref_slice %arg8[%add3A_85, %dma_start3A_86] : memref<40x128xi32, #tpu.memory_space<vmem>> -> memref<1x128xi32, #tpu.memory_space<vmem>>
            %dma_start3A_88 = tpu.memref_squeeze %dma_start3A_87 : memref<1x128xi32, #tpu.memory_space<vmem>> -> memref<128xi32, #tpu.memory_space<vmem>>
            %dma_start3A_89 = arith.constant 0 : i32
            %dma_start3A_90 = arith.constant 0 : i32
            %dma_start3A_91 = tpu.memref_slice %arg3[%dma_start3A_89, %dma_start3A_90] : memref<10000x128xf32, #tpu.memory_space<hbm>> -> memref<10000x128xf32, #tpu.memory_space<hbm>>
            tpu.enqueue_indirect_dma source(%dma_start3A_91 : memref<10000x128xf32, #tpu.memory_space<hbm>>) target(%arg11 : memref<128x128xf32, #tpu.memory_space<vmem>>) offsets(%dma_start3A_88 : memref<128xi32, #tpu.memory_space<vmem>>) semaphore(%arg14 : memref<!tpu.dma_semaphore, #tpu.memory_space<semaphore_mem>>)
          } else {
          }
        }
        %scan3A_49 = arith.constant 20 : i32
      }
      %scan3A_25 = arith.constant 2 : i32
    } else {
    }
    %barrier3A_10 = arith.constant 0 : index
    tpu.barrier barrier_id(%barrier3A_10)
    %eq3A_11 = arith.constant 0 : i32
    %eq3A_12 = arith.cmpi eq, %arg0, %eq3A_11 : i32
    %convert_element_type3A_13 = arith.extui %eq3A_12 : i1 to i32
    %cond3A_14 = arith.constant 0 : i32
    %cond3A_15 = arith.cmpi ne, %convert_element_type3A_13, %cond3A_14 : i32
    scf.if %cond3A_15 {
      %mul3A_21 = arith.constant 632 : i32
      %mul3A_22 = arith.muli %arg1, %mul3A_21 : i32
      %mul3A_23 = arith.constant 632 : i32
      %mul3A_24 = arith.muli %arg1, %mul3A_23 : i32
      %run_scoped3A = arith.constant 0 : i32
      "tpu.region"() ({
        %run_scoped3A_25 = tpu.sem_alloc : memref<!tpu.dma_semaphore, #tpu.memory_space<semaphore_mem>>
        %dma_start3A = arith.constant 0 : i32
        %dma_start3A_26 = arith.constant 0 : i32
        %dma_start3A_27 = tpu.memref_slice %arg7[%run_scoped3A, %dma_start3A, %dma_start3A_26] : memref<2x10112x128xf32, #tpu.memory_space<hbm>> -> memref<1x10112x128xf32, #tpu.memory_space<hbm>>
        %dma_start3A_28 = tpu.memref_squeeze %dma_start3A_27 : memref<1x10112x128xf32, #tpu.memory_space<hbm>> -> memref<10112x128xf32, #tpu.memory_space<hbm>>
        %dma_start3A_29 = arith.constant 0 : i32
        %dma_start3A_30 = tpu.memref_slice %dma_start3A_28[%mul3A_24, %dma_start3A_29] : memref<10112x128xf32, #tpu.memory_space<hbm>> -> memref<632x128xf32, #tpu.memory_space<hbm>>
        %dma_start3A_31 = arith.constant 0 : i32
        %dma_start3A_32 = tpu.memref_slice %arg12[%mul3A_22, %dma_start3A_31] : memref<10112x128xf32, #tpu.memory_space<vmem_shared>> -> memref<632x128xf32, #tpu.memory_space<vmem_shared>>
        tpu.enqueue_dma source(%dma_start3A_32 : memref<632x128xf32, #tpu.memory_space<vmem_shared>>) target(%dma_start3A_30 : memref<632x128xf32, #tpu.memory_space<hbm>>) target_semaphore(%run_scoped3A_25 : memref<!tpu.dma_semaphore, #tpu.memory_space<semaphore_mem>>)
        %dma_wait3A = arith.constant 0 : i32
        %dma_wait3A_33 = arith.constant 0 : i32
        %dma_wait3A_34 = tpu.memref_slice %arg7[%run_scoped3A, %dma_wait3A, %dma_wait3A_33] : memref<2x10112x128xf32, #tpu.memory_space<hbm>> -> memref<1x10112x128xf32, #tpu.memory_space<hbm>>
        %dma_wait3A_35 = tpu.memref_squeeze %dma_wait3A_34 : memref<1x10112x128xf32, #tpu.memory_space<hbm>> -> memref<10112x128xf32, #tpu.memory_space<hbm>>
        %dma_wait3A_36 = arith.constant 0 : i32
        %dma_wait3A_37 = tpu.memref_slice %dma_wait3A_35[%mul3A_24, %dma_wait3A_36] : memref<10112x128xf32, #tpu.memory_space<hbm>> -> memref<632x128xf32, #tpu.memory_space<hbm>>
        %dma_wait3A_38 = arith.constant 0 : i32
        %dma_wait3A_39 = tpu.memref_slice %arg12[%mul3A_22, %dma_wait3A_38] : memref<10112x128xf32, #tpu.memory_space<vmem_shared>> -> memref<632x128xf32, #tpu.memory_space<vmem_shared>>
        tpu.wait_dma2 semaphore(%run_scoped3A_25 : memref<!tpu.dma_semaphore, #tpu.memory_space<semaphore_mem>>) src(%dma_wait3A_39 : memref<632x128xf32, #tpu.memory_space<vmem_shared>>) dst(%dma_wait3A_37 : memref<632x128xf32, #tpu.memory_space<hbm>>)
        tpu.yield
      }) : () -> ()
    } else {
    }
    %eq3A_16 = arith.constant 1 : i32
    %eq3A_17 = arith.cmpi eq, %arg0, %eq3A_16 : i32
    %convert_element_type3A_18 = arith.extui %eq3A_17 : i1 to i32
    %cond3A_19 = arith.constant 0 : i32
    %cond3A_20 = arith.cmpi ne, %convert_element_type3A_18, %cond3A_19 : i32
    scf.if %cond3A_20 {
      %mul3A_21 = arith.constant 632 : i32
      %mul3A_22 = arith.muli %arg1, %mul3A_21 : i32
      %mul3A_23 = arith.constant 632 : i32
      %mul3A_24 = arith.muli %arg1, %mul3A_23 : i32
      %run_scoped3A = arith.constant 1 : i32
      "tpu.region"() ({
        %run_scoped3A_25 = tpu.sem_alloc : memref<!tpu.dma_semaphore, #tpu.memory_space<semaphore_mem>>
        %dma_start3A = arith.constant 0 : i32
        %dma_start3A_26 = arith.constant 0 : i32
        %dma_start3A_27 = tpu.memref_slice %arg7[%run_scoped3A, %dma_start3A, %dma_start3A_26] : memref<2x10112x128xf32, #tpu.memory_space<hbm>> -> memref<1x10112x128xf32, #tpu.memory_space<hbm>>
        %dma_start3A_28 = tpu.memref_squeeze %dma_start3A_27 : memref<1x10112x128xf32, #tpu.memory_space<hbm>> -> memref<10112x128xf32, #tpu.memory_space<hbm>>
        %dma_start3A_29 = arith.constant 0 : i32
        %dma_start3A_30 = tpu.memref_slice %dma_start3A_28[%mul3A_24, %dma_start3A_29] : memref<10112x128xf32, #tpu.memory_space<hbm>> -> memref<632x128xf32, #tpu.memory_space<hbm>>
        %dma_start3A_31 = arith.constant 0 : i32
        %dma_start3A_32 = tpu.memref_slice %arg12[%mul3A_22, %dma_start3A_31] : memref<10112x128xf32, #tpu.memory_space<vmem_shared>> -> memref<632x128xf32, #tpu.memory_space<vmem_shared>>
        tpu.enqueue_dma source(%dma_start3A_32 : memref<632x128xf32, #tpu.memory_space<vmem_shared>>) target(%dma_start3A_30 : memref<632x128xf32, #tpu.memory_space<hbm>>) target_semaphore(%run_scoped3A_25 : memref<!tpu.dma_semaphore, #tpu.memory_space<semaphore_mem>>)
        %dma_wait3A = arith.constant 0 : i32
        %dma_wait3A_33 = arith.constant 0 : i32
        %dma_wait3A_34 = tpu.memref_slice %arg7[%run_scoped3A, %dma_wait3A, %dma_wait3A_33] : memref<2x10112x128xf32, #tpu.memory_space<hbm>> -> memref<1x10112x128xf32, #tpu.memory_space<hbm>>
        %dma_wait3A_35 = tpu.memref_squeeze %dma_wait3A_34 : memref<1x10112x128xf32, #tpu.memory_space<hbm>> -> memref<10112x128xf32, #tpu.memory_space<hbm>>
        %dma_wait3A_36 = arith.constant 0 : i32
        %dma_wait3A_37 = tpu.memref_slice %dma_wait3A_35[%mul3A_24, %dma_wait3A_36] : memref<10112x128xf32, #tpu.memory_space<hbm>> -> memref<632x128xf32, #tpu.memory_space<hbm>>
        %dma_wait3A_38 = arith.constant 0 : i32
        %dma_wait3A_39 = tpu.memref_slice %arg12[%mul3A_22, %dma_wait3A_38] : memref<10112x128xf32, #tpu.memory_space<vmem_shared>> -> memref<632x128xf32, #tpu.memory_space<vmem_shared>>
        tpu.wait_dma2 semaphore(%run_scoped3A_25 : memref<!tpu.dma_semaphore, #tpu.memory_space<semaphore_mem>>) src(%dma_wait3A_39 : memref<632x128xf32, #tpu.memory_space<vmem_shared>>) dst(%dma_wait3A_37 : memref<632x128xf32, #tpu.memory_space<hbm>>)
        tpu.yield
      }) : () -> ()
    } else {
    }
    return
  }
}

#map = affine_map<(d0, d1) -> (0, 0)>
#map1 = affine_map<(d0, d1) -> (0, 0, 0)>
module attributes {stable_mosaic.version = 14 : i64} {
  func.func @_agg_body(%arg0: i32, %arg1: i32, %arg2: memref<10000x128xf32, #tpu.memory_space<hbm>>, %arg3: memref<10000x128xf32, #tpu.memory_space<hbm>>, %arg4: memref<16x80x128xi32, #tpu.memory_space<hbm>>, %arg5: memref<16x80x128xi32, #tpu.memory_space<hbm>>, %arg6: memref<10112x128xf32, #tpu.memory_space<hbm>>, %arg7: memref<2x10112x128xf32, #tpu.memory_space<hbm>>, %arg8: memref<40x128xi32, #tpu.memory_space<vmem>>, %arg9: memref<40x128xi32, #tpu.memory_space<vmem>>, %arg10: memref<128x128xf32, #tpu.memory_space<vmem>>, %arg11: memref<128x128xf32, #tpu.memory_space<vmem>>, %arg12: memref<10112x128xf32, #tpu.memory_space<vmem_shared>>, %arg13: memref<!tpu.dma_semaphore, #tpu.memory_space<semaphore_mem>>, %arg14: memref<!tpu.dma_semaphore, #tpu.memory_space<semaphore_mem>>) attributes {dimension_semantics = [#tpu.dimension_semantics<core_parallel>, #tpu.dimension_semantics<subcore_parallel>], iteration_bounds = array<i64: 2, 16>, scalar_prefetch = 0 : i64, scratch_operands = 7 : i64, tpu.core_type = #tpu.core_type<sc_vector_subcore>, window_params = [{transform_indices = #map}, {transform_indices = #map}, {transform_indices = #map1}, {transform_indices = #map1}, {transform_indices = #map}, {transform_indices = #map1}]} {
    %mul3A = arith.constant 632 : i32
    %mul3A_0 = arith.muli %arg1, %mul3A : i32
    %mul3A_1 = arith.constant 632 : i32
    %mul3A_2 = arith.muli %arg1, %mul3A_1 : i32
    "tpu.region"() ({
      %run_scoped3A = tpu.sem_alloc : memref<!tpu.dma_semaphore, #tpu.memory_space<semaphore_mem>>
      %dma_start3A = arith.constant 0 : i32
      %dma_start3A_21 = tpu.memref_slice %arg12[%mul3A_2, %dma_start3A] : memref<10112x128xf32, #tpu.memory_space<vmem_shared>> -> memref<632x128xf32, #tpu.memory_space<vmem_shared>>
      %dma_start3A_22 = arith.constant 0 : i32
      %dma_start3A_23 = tpu.memref_slice %arg6[%mul3A_0, %dma_start3A_22] : memref<10112x128xf32, #tpu.memory_space<hbm>> -> memref<632x128xf32, #tpu.memory_space<hbm>>
      tpu.enqueue_dma source(%dma_start3A_23 : memref<632x128xf32, #tpu.memory_space<hbm>>) target(%dma_start3A_21 : memref<632x128xf32, #tpu.memory_space<vmem_shared>>) target_semaphore(%run_scoped3A : memref<!tpu.dma_semaphore, #tpu.memory_space<semaphore_mem>>)
      %dma_wait3A = arith.constant 0 : i32
      %dma_wait3A_24 = tpu.memref_slice %arg12[%mul3A_2, %dma_wait3A] : memref<10112x128xf32, #tpu.memory_space<vmem_shared>> -> memref<632x128xf32, #tpu.memory_space<vmem_shared>>
      %dma_wait3A_25 = arith.constant 0 : i32
      %dma_wait3A_26 = tpu.memref_slice %arg6[%mul3A_0, %dma_wait3A_25] : memref<10112x128xf32, #tpu.memory_space<hbm>> -> memref<632x128xf32, #tpu.memory_space<hbm>>
      tpu.wait_dma2 semaphore(%run_scoped3A : memref<!tpu.dma_semaphore, #tpu.memory_space<semaphore_mem>>) src(%dma_wait3A_26 : memref<632x128xf32, #tpu.memory_space<hbm>>) dst(%dma_wait3A_24 : memref<632x128xf32, #tpu.memory_space<vmem_shared>>)
      tpu.yield
    }) : () -> ()
    %barrier3A = arith.constant 0 : index
    tpu.barrier barrier_id(%barrier3A)
    %eq3A = arith.constant 0 : i32
    %eq3A_3 = arith.cmpi eq, %arg0, %eq3A : i32
    %convert_element_type3A = arith.extui %eq3A_3 : i1 to i32
    %cond3A = arith.constant 0 : i32
    %cond3A_4 = arith.cmpi ne, %convert_element_type3A, %cond3A : i32
    scf.if %cond3A_4 {
      %scan3A = arith.constant 0 : i32
      %scan3A_21 = arith.constant 0 : i32
      %scan3A_22 = arith.constant 2 : i32
      %scan3A_23 = arith.addi %scan3A_21, %scan3A_22 : i32
      %scan3A_24 = arith.constant 1 : i32
      scf.for %scan3A_26 = %scan3A_21 to %scan3A_23 step %scan3A_24  : i32 {
        %mul3A_27 = arith.constant 40 : i32
        %mul3A_28 = arith.muli %scan3A_26, %mul3A_27 : i32
        "tpu.region"() ({
          %run_scoped3A = tpu.sem_alloc : memref<!tpu.dma_semaphore, #tpu.memory_space<semaphore_mem>>
          %dma_start3A_50 = arith.constant 0 : i32
          %dma_start3A_51 = arith.constant 0 : i32
          %dma_start3A_52 = tpu.memref_slice %arg4[%arg1, %dma_start3A_50, %dma_start3A_51] : memref<16x80x128xi32, #tpu.memory_space<hbm>> -> memref<1x80x128xi32, #tpu.memory_space<hbm>>
          %dma_start3A_53 = tpu.memref_squeeze %dma_start3A_52 : memref<1x80x128xi32, #tpu.memory_space<hbm>> -> memref<80x128xi32, #tpu.memory_space<hbm>>
          %dma_start3A_54 = arith.constant 0 : i32
          %dma_start3A_55 = tpu.memref_slice %dma_start3A_53[%mul3A_28, %dma_start3A_54] : memref<80x128xi32, #tpu.memory_space<hbm>> -> memref<40x128xi32, #tpu.memory_space<hbm>>
          %dma_start3A_56 = arith.constant 0 : i32
          %dma_start3A_57 = arith.constant 0 : i32
          %dma_start3A_58 = tpu.memref_slice %arg4[%arg1, %dma_start3A_56, %dma_start3A_57] : memref<16x80x128xi32, #tpu.memory_space<hbm>> -> memref<1x80x128xi32, #tpu.memory_space<hbm>>
          %dma_start3A_59 = tpu.memref_squeeze %dma_start3A_58 : memref<1x80x128xi32, #tpu.memory_space<hbm>> -> memref<80x128xi32, #tpu.memory_space<hbm>>
          %dma_start3A_60 = arith.constant 0 : i32
          %dma_start3A_61 = tpu.memref_slice %dma_start3A_59[%mul3A_28, %dma_start3A_60] : memref<80x128xi32, #tpu.memory_space<hbm>> -> memref<40x128xi32, #tpu.memory_space<hbm>>
          tpu.enqueue_dma source(%dma_start3A_61 : memref<40x128xi32, #tpu.memory_space<hbm>>) target(%arg8 : memref<40x128xi32, #tpu.memory_space<vmem>>) target_semaphore(%run_scoped3A : memref<!tpu.dma_semaphore, #tpu.memory_space<semaphore_mem>>)
          %dma_wait3A = arith.constant 0 : i32
          %dma_wait3A_62 = arith.constant 0 : i32
          %dma_wait3A_63 = tpu.memref_slice %arg4[%arg1, %dma_wait3A, %dma_wait3A_62] : memref<16x80x128xi32, #tpu.memory_space<hbm>> -> memref<1x80x128xi32, #tpu.memory_space<hbm>>
          %dma_wait3A_64 = tpu.memref_squeeze %dma_wait3A_63 : memref<1x80x128xi32, #tpu.memory_space<hbm>> -> memref<80x128xi32, #tpu.memory_space<hbm>>
          %dma_wait3A_65 = arith.constant 0 : i32
          %dma_wait3A_66 = tpu.memref_slice %dma_wait3A_64[%mul3A_28, %dma_wait3A_65] : memref<80x128xi32, #tpu.memory_space<hbm>> -> memref<40x128xi32, #tpu.memory_space<hbm>>
          %dma_wait3A_67 = arith.constant 0 : i32
          %dma_wait3A_68 = arith.constant 0 : i32
          %dma_wait3A_69 = tpu.memref_slice %arg4[%arg1, %dma_wait3A_67, %dma_wait3A_68] : memref<16x80x128xi32, #tpu.memory_space<hbm>> -> memref<1x80x128xi32, #tpu.memory_space<hbm>>
          %dma_wait3A_70 = tpu.memref_squeeze %dma_wait3A_69 : memref<1x80x128xi32, #tpu.memory_space<hbm>> -> memref<80x128xi32, #tpu.memory_space<hbm>>
          %dma_wait3A_71 = arith.constant 0 : i32
          %dma_wait3A_72 = tpu.memref_slice %dma_wait3A_70[%mul3A_28, %dma_wait3A_71] : memref<80x128xi32, #tpu.memory_space<hbm>> -> memref<40x128xi32, #tpu.memory_space<hbm>>
          tpu.wait_dma2 semaphore(%run_scoped3A : memref<!tpu.dma_semaphore, #tpu.memory_space<semaphore_mem>>) src(%dma_wait3A_72 : memref<40x128xi32, #tpu.memory_space<hbm>>) dst(%arg8 : memref<40x128xi32, #tpu.memory_space<vmem>>)
          tpu.yield
        }) : () -> ()
        %mul3A_29 = arith.constant 40 : i32
        %mul3A_30 = arith.muli %scan3A_26, %mul3A_29 : i32
        "tpu.region"() ({
          %run_scoped3A = tpu.sem_alloc : memref<!tpu.dma_semaphore, #tpu.memory_space<semaphore_mem>>
          %dma_start3A_50 = arith.constant 0 : i32
          %dma_start3A_51 = arith.constant 0 : i32
          %dma_start3A_52 = tpu.memref_slice %arg5[%arg1, %dma_start3A_50, %dma_start3A_51] : memref<16x80x128xi32, #tpu.memory_space<hbm>> -> memref<1x80x128xi32, #tpu.memory_space<hbm>>
          %dma_start3A_53 = tpu.memref_squeeze %dma_start3A_52 : memref<1x80x128xi32, #tpu.memory_space<hbm>> -> memref<80x128xi32, #tpu.memory_space<hbm>>
          %dma_start3A_54 = arith.constant 0 : i32
          %dma_start3A_55 = tpu.memref_slice %dma_start3A_53[%mul3A_30, %dma_start3A_54] : memref<80x128xi32, #tpu.memory_space<hbm>> -> memref<40x128xi32, #tpu.memory_space<hbm>>
          %dma_start3A_56 = arith.constant 0 : i32
          %dma_start3A_57 = arith.constant 0 : i32
          %dma_start3A_58 = tpu.memref_slice %arg5[%arg1, %dma_start3A_56, %dma_start3A_57] : memref<16x80x128xi32, #tpu.memory_space<hbm>> -> memref<1x80x128xi32, #tpu.memory_space<hbm>>
          %dma_start3A_59 = tpu.memref_squeeze %dma_start3A_58 : memref<1x80x128xi32, #tpu.memory_space<hbm>> -> memref<80x128xi32, #tpu.memory_space<hbm>>
          %dma_start3A_60 = arith.constant 0 : i32
          %dma_start3A_61 = tpu.memref_slice %dma_start3A_59[%mul3A_30, %dma_start3A_60] : memref<80x128xi32, #tpu.memory_space<hbm>> -> memref<40x128xi32, #tpu.memory_space<hbm>>
          tpu.enqueue_dma source(%dma_start3A_61 : memref<40x128xi32, #tpu.memory_space<hbm>>) target(%arg9 : memref<40x128xi32, #tpu.memory_space<vmem>>) target_semaphore(%run_scoped3A : memref<!tpu.dma_semaphore, #tpu.memory_space<semaphore_mem>>)
          %dma_wait3A = arith.constant 0 : i32
          %dma_wait3A_62 = arith.constant 0 : i32
          %dma_wait3A_63 = tpu.memref_slice %arg5[%arg1, %dma_wait3A, %dma_wait3A_62] : memref<16x80x128xi32, #tpu.memory_space<hbm>> -> memref<1x80x128xi32, #tpu.memory_space<hbm>>
          %dma_wait3A_64 = tpu.memref_squeeze %dma_wait3A_63 : memref<1x80x128xi32, #tpu.memory_space<hbm>> -> memref<80x128xi32, #tpu.memory_space<hbm>>
          %dma_wait3A_65 = arith.constant 0 : i32
          %dma_wait3A_66 = tpu.memref_slice %dma_wait3A_64[%mul3A_30, %dma_wait3A_65] : memref<80x128xi32, #tpu.memory_space<hbm>> -> memref<40x128xi32, #tpu.memory_space<hbm>>
          %dma_wait3A_67 = arith.constant 0 : i32
          %dma_wait3A_68 = arith.constant 0 : i32
          %dma_wait3A_69 = tpu.memref_slice %arg5[%arg1, %dma_wait3A_67, %dma_wait3A_68] : memref<16x80x128xi32, #tpu.memory_space<hbm>> -> memref<1x80x128xi32, #tpu.memory_space<hbm>>
          %dma_wait3A_70 = tpu.memref_squeeze %dma_wait3A_69 : memref<1x80x128xi32, #tpu.memory_space<hbm>> -> memref<80x128xi32, #tpu.memory_space<hbm>>
          %dma_wait3A_71 = arith.constant 0 : i32
          %dma_wait3A_72 = tpu.memref_slice %dma_wait3A_70[%mul3A_30, %dma_wait3A_71] : memref<80x128xi32, #tpu.memory_space<hbm>> -> memref<40x128xi32, #tpu.memory_space<hbm>>
          tpu.wait_dma2 semaphore(%run_scoped3A : memref<!tpu.dma_semaphore, #tpu.memory_space<semaphore_mem>>) src(%dma_wait3A_72 : memref<40x128xi32, #tpu.memory_space<hbm>>) dst(%arg9 : memref<40x128xi32, #tpu.memory_space<vmem>>)
          tpu.yield
        }) : () -> ()
        %dma_start3A = arith.constant 0 : i32
        %dma_start3A_31 = arith.constant 0 : i32
        %dma_start3A_32 = tpu.memref_slice %arg8[%dma_start3A, %dma_start3A_31] : memref<40x128xi32, #tpu.memory_space<vmem>> -> memref<1x128xi32, #tpu.memory_space<vmem>>
        %dma_start3A_33 = tpu.memref_squeeze %dma_start3A_32 : memref<1x128xi32, #tpu.memory_space<vmem>> -> memref<128xi32, #tpu.memory_space<vmem>>
        %dma_start3A_34 = arith.constant 0 : i32
        %dma_start3A_35 = arith.constant 0 : i32
        %dma_start3A_36 = tpu.memref_slice %arg2[%dma_start3A_34, %dma_start3A_35] : memref<10000x128xf32, #tpu.memory_space<hbm>> -> memref<10000x128xf32, #tpu.memory_space<hbm>>
        tpu.enqueue_indirect_dma source(%dma_start3A_36 : memref<10000x128xf32, #tpu.memory_space<hbm>>) target(%arg10 : memref<128x128xf32, #tpu.memory_space<vmem>>) offsets(%dma_start3A_33 : memref<128xi32, #tpu.memory_space<vmem>>) semaphore(%arg13 : memref<!tpu.dma_semaphore, #tpu.memory_space<semaphore_mem>>)
        %dma_start3A_37 = arith.constant 1 : i32
        %dma_start3A_38 = arith.constant 0 : i32
        %dma_start3A_39 = tpu.memref_slice %arg8[%dma_start3A_37, %dma_start3A_38] : memref<40x128xi32, #tpu.memory_space<vmem>> -> memref<1x128xi32, #tpu.memory_space<vmem>>
        %dma_start3A_40 = tpu.memref_squeeze %dma_start3A_39 : memref<1x128xi32, #tpu.memory_space<vmem>> -> memref<128xi32, #tpu.memory_space<vmem>>
        %dma_start3A_41 = arith.constant 0 : i32
        %dma_start3A_42 = arith.constant 0 : i32
        %dma_start3A_43 = tpu.memref_slice %arg2[%dma_start3A_41, %dma_start3A_42] : memref<10000x128xf32, #tpu.memory_space<hbm>> -> memref<10000x128xf32, #tpu.memory_space<hbm>>
        tpu.enqueue_indirect_dma source(%dma_start3A_43 : memref<10000x128xf32, #tpu.memory_space<hbm>>) target(%arg11 : memref<128x128xf32, #tpu.memory_space<vmem>>) offsets(%dma_start3A_40 : memref<128xi32, #tpu.memory_space<vmem>>) semaphore(%arg14 : memref<!tpu.dma_semaphore, #tpu.memory_space<semaphore_mem>>)
        %scan3A_44 = arith.constant 0 : i32
        %scan3A_45 = arith.constant 0 : i32
        %scan3A_46 = arith.constant 20 : i32
        %scan3A_47 = arith.addi %scan3A_45, %scan3A_46 : i32
        %scan3A_48 = arith.constant 1 : i32
        scf.for %scan3A_50 = %scan3A_45 to %scan3A_47 step %scan3A_48  : i32 {
          %mul3A_51 = arith.constant 2 : i32
          %mul3A_52 = arith.muli %mul3A_51, %scan3A_50 : i32
          %dma_wait3A = arith.constant 0 : i32
          %dma_wait3A_53 = tpu.memref_slice %arg8[%mul3A_52, %dma_wait3A] : memref<40x128xi32, #tpu.memory_space<vmem>> -> memref<1x128xi32, #tpu.memory_space<vmem>>
          %dma_wait3A_54 = tpu.memref_squeeze %dma_wait3A_53 : memref<1x128xi32, #tpu.memory_space<vmem>> -> memref<128xi32, #tpu.memory_space<vmem>>
          %dma_wait3A_55 = arith.constant 0 : i32
          %dma_wait3A_56 = arith.constant 0 : i32
          %dma_wait3A_57 = tpu.memref_slice %arg2[%dma_wait3A_55, %dma_wait3A_56] : memref<10000x128xf32, #tpu.memory_space<hbm>> -> memref<10000x128xf32, #tpu.memory_space<hbm>>
          tpu.wait_indirect_dma semaphore(%arg13 : memref<!tpu.dma_semaphore, #tpu.memory_space<semaphore_mem>>) src(%dma_wait3A_57 : memref<10000x128xf32, #tpu.memory_space<hbm>>) dst(%arg10 : memref<128x128xf32, #tpu.memory_space<vmem>>)
          %mul3A_58 = arith.constant 2 : i32
          %mul3A_59 = arith.muli %mul3A_58, %scan3A_50 : i32
          "tpu.region"() ({
            %run_scoped3A = tpu.sem_alloc : memref<!tpu.dma_semaphore, #tpu.memory_space<semaphore_mem>>
            %dma_start3A_82 = arith.constant 0 : i32
            %dma_start3A_83 = tpu.memref_slice %arg9[%mul3A_59, %dma_start3A_82] : memref<40x128xi32, #tpu.memory_space<vmem>> -> memref<1x128xi32, #tpu.memory_space<vmem>>
            %dma_start3A_84 = tpu.memref_squeeze %dma_start3A_83 : memref<1x128xi32, #tpu.memory_space<vmem>> -> memref<128xi32, #tpu.memory_space<vmem>>
            %dma_start3A_85 = arith.constant 0 : i32
            %dma_start3A_86 = arith.constant 0 : i32
            %dma_start3A_87 = tpu.memref_slice %arg12[%dma_start3A_85, %dma_start3A_86] : memref<10112x128xf32, #tpu.memory_space<vmem_shared>> -> memref<10112x128xf32, #tpu.memory_space<vmem_shared>>
            tpu.enqueue_indirect_dma source(%arg10 : memref<128x128xf32, #tpu.memory_space<vmem>>) target(%dma_start3A_87 : memref<10112x128xf32, #tpu.memory_space<vmem_shared>>) offsets(%dma_start3A_84 : memref<128xi32, #tpu.memory_space<vmem>>) semaphore(%run_scoped3A : memref<!tpu.dma_semaphore, #tpu.memory_space<semaphore_mem>>) {add = true}
            %dma_wait3A_88 = arith.constant 0 : i32
            %dma_wait3A_89 = tpu.memref_slice %arg9[%mul3A_59, %dma_wait3A_88] : memref<40x128xi32, #tpu.memory_space<vmem>> -> memref<1x128xi32, #tpu.memory_space<vmem>>
            %dma_wait3A_90 = tpu.memref_squeeze %dma_wait3A_89 : memref<1x128xi32, #tpu.memory_space<vmem>> -> memref<128xi32, #tpu.memory_space<vmem>>
            %dma_wait3A_91 = arith.constant 0 : i32
            %dma_wait3A_92 = arith.constant 0 : i32
            %dma_wait3A_93 = tpu.memref_slice %arg12[%dma_wait3A_91, %dma_wait3A_92] : memref<10112x128xf32, #tpu.memory_space<vmem_shared>> -> memref<10112x128xf32, #tpu.memory_space<vmem_shared>>
            tpu.wait_indirect_dma semaphore(%run_scoped3A : memref<!tpu.dma_semaphore, #tpu.memory_space<semaphore_mem>>) src(%arg10 : memref<128x128xf32, #tpu.memory_space<vmem>>) dst(%dma_wait3A_93 : memref<10112x128xf32, #tpu.memory_space<vmem_shared>>)
            tpu.yield
          }) : () -> ()
          %lt3A = arith.constant 19 : i32
          %lt3A_60 = arith.cmpi slt, %scan3A_50, %lt3A : i32
          %convert_element_type3A_61 = arith.extui %lt3A_60 : i1 to i32
          %cond3A_62 = arith.constant 0 : i32
          %cond3A_63 = arith.cmpi ne, %convert_element_type3A_61, %cond3A_62 : i32
          scf.if %cond3A_63 {
            %mul3A_82 = arith.constant 2 : i32
            %mul3A_83 = arith.muli %mul3A_82, %scan3A_50 : i32
            %add3A_84 = arith.constant 2 : i32
            %add3A_85 = arith.addi %mul3A_83, %add3A_84 : i32
            %dma_start3A_86 = arith.constant 0 : i32
            %dma_start3A_87 = tpu.memref_slice %arg8[%add3A_85, %dma_start3A_86] : memref<40x128xi32, #tpu.memory_space<vmem>> -> memref<1x128xi32, #tpu.memory_space<vmem>>
            %dma_start3A_88 = tpu.memref_squeeze %dma_start3A_87 : memref<1x128xi32, #tpu.memory_space<vmem>> -> memref<128xi32, #tpu.memory_space<vmem>>
            %dma_start3A_89 = arith.constant 0 : i32
            %dma_start3A_90 = arith.constant 0 : i32
            %dma_start3A_91 = tpu.memref_slice %arg2[%dma_start3A_89, %dma_start3A_90] : memref<10000x128xf32, #tpu.memory_space<hbm>> -> memref<10000x128xf32, #tpu.memory_space<hbm>>
            tpu.enqueue_indirect_dma source(%dma_start3A_91 : memref<10000x128xf32, #tpu.memory_space<hbm>>) target(%arg10 : memref<128x128xf32, #tpu.memory_space<vmem>>) offsets(%dma_start3A_88 : memref<128xi32, #tpu.memory_space<vmem>>) semaphore(%arg13 : memref<!tpu.dma_semaphore, #tpu.memory_space<semaphore_mem>>)
          } else {
          }
          %mul3A_64 = arith.constant 2 : i32
          %mul3A_65 = arith.muli %mul3A_64, %scan3A_50 : i32
          %add3A = arith.constant 1 : i32
          %add3A_66 = arith.addi %mul3A_65, %add3A : i32
          %dma_wait3A_67 = arith.constant 0 : i32
          %dma_wait3A_68 = tpu.memref_slice %arg8[%add3A_66, %dma_wait3A_67] : memref<40x128xi32, #tpu.memory_space<vmem>> -> memref<1x128xi32, #tpu.memory_space<vmem>>
          %dma_wait3A_69 = tpu.memref_squeeze %dma_wait3A_68 : memref<1x128xi32, #tpu.memory_space<vmem>> -> memref<128xi32, #tpu.memory_space<vmem>>
          %dma_wait3A_70 = arith.constant 0 : i32
          %dma_wait3A_71 = arith.constant 0 : i32
          %dma_wait3A_72 = tpu.memref_slice %arg2[%dma_wait3A_70, %dma_wait3A_71] : memref<10000x128xf32, #tpu.memory_space<hbm>> -> memref<10000x128xf32, #tpu.memory_space<hbm>>
          tpu.wait_indirect_dma semaphore(%arg14 : memref<!tpu.dma_semaphore, #tpu.memory_space<semaphore_mem>>) src(%dma_wait3A_72 : memref<10000x128xf32, #tpu.memory_space<hbm>>) dst(%arg11 : memref<128x128xf32, #tpu.memory_space<vmem>>)
          %mul3A_73 = arith.constant 2 : i32
          %mul3A_74 = arith.muli %mul3A_73, %scan3A_50 : i32
          %add3A_75 = arith.constant 1 : i32
          %add3A_76 = arith.addi %mul3A_74, %add3A_75 : i32
          "tpu.region"() ({
            %run_scoped3A = tpu.sem_alloc : memref<!tpu.dma_semaphore, #tpu.memory_space<semaphore_mem>>
            %dma_start3A_82 = arith.constant 0 : i32
            %dma_start3A_83 = tpu.memref_slice %arg9[%add3A_76, %dma_start3A_82] : memref<40x128xi32, #tpu.memory_space<vmem>> -> memref<1x128xi32, #tpu.memory_space<vmem>>
            %dma_start3A_84 = tpu.memref_squeeze %dma_start3A_83 : memref<1x128xi32, #tpu.memory_space<vmem>> -> memref<128xi32, #tpu.memory_space<vmem>>
            %dma_start3A_85 = arith.constant 0 : i32
            %dma_start3A_86 = arith.constant 0 : i32
            %dma_start3A_87 = tpu.memref_slice %arg12[%dma_start3A_85, %dma_start3A_86] : memref<10112x128xf32, #tpu.memory_space<vmem_shared>> -> memref<10112x128xf32, #tpu.memory_space<vmem_shared>>
            tpu.enqueue_indirect_dma source(%arg11 : memref<128x128xf32, #tpu.memory_space<vmem>>) target(%dma_start3A_87 : memref<10112x128xf32, #tpu.memory_space<vmem_shared>>) offsets(%dma_start3A_84 : memref<128xi32, #tpu.memory_space<vmem>>) semaphore(%run_scoped3A : memref<!tpu.dma_semaphore, #tpu.memory_space<semaphore_mem>>) {add = true}
            %dma_wait3A_88 = arith.constant 0 : i32
            %dma_wait3A_89 = tpu.memref_slice %arg9[%add3A_76, %dma_wait3A_88] : memref<40x128xi32, #tpu.memory_space<vmem>> -> memref<1x128xi32, #tpu.memory_space<vmem>>
            %dma_wait3A_90 = tpu.memref_squeeze %dma_wait3A_89 : memref<1x128xi32, #tpu.memory_space<vmem>> -> memref<128xi32, #tpu.memory_space<vmem>>
            %dma_wait3A_91 = arith.constant 0 : i32
            %dma_wait3A_92 = arith.constant 0 : i32
            %dma_wait3A_93 = tpu.memref_slice %arg12[%dma_wait3A_91, %dma_wait3A_92] : memref<10112x128xf32, #tpu.memory_space<vmem_shared>> -> memref<10112x128xf32, #tpu.memory_space<vmem_shared>>
            tpu.wait_indirect_dma semaphore(%run_scoped3A : memref<!tpu.dma_semaphore, #tpu.memory_space<semaphore_mem>>) src(%arg11 : memref<128x128xf32, #tpu.memory_space<vmem>>) dst(%dma_wait3A_93 : memref<10112x128xf32, #tpu.memory_space<vmem_shared>>)
            tpu.yield
          }) : () -> ()
          %lt3A_77 = arith.constant 19 : i32
          %lt3A_78 = arith.cmpi slt, %scan3A_50, %lt3A_77 : i32
          %convert_element_type3A_79 = arith.extui %lt3A_78 : i1 to i32
          %cond3A_80 = arith.constant 0 : i32
          %cond3A_81 = arith.cmpi ne, %convert_element_type3A_79, %cond3A_80 : i32
          scf.if %cond3A_81 {
            %mul3A_82 = arith.constant 2 : i32
            %mul3A_83 = arith.muli %mul3A_82, %scan3A_50 : i32
            %add3A_84 = arith.constant 3 : i32
            %add3A_85 = arith.addi %mul3A_83, %add3A_84 : i32
            %dma_start3A_86 = arith.constant 0 : i32
            %dma_start3A_87 = tpu.memref_slice %arg8[%add3A_85, %dma_start3A_86] : memref<40x128xi32, #tpu.memory_space<vmem>> -> memref<1x128xi32, #tpu.memory_space<vmem>>
            %dma_start3A_88 = tpu.memref_squeeze %dma_start3A_87 : memref<1x128xi32, #tpu.memory_space<vmem>> -> memref<128xi32, #tpu.memory_space<vmem>>
            %dma_start3A_89 = arith.constant 0 : i32
            %dma_start3A_90 = arith.constant 0 : i32
            %dma_start3A_91 = tpu.memref_slice %arg2[%dma_start3A_89, %dma_start3A_90] : memref<10000x128xf32, #tpu.memory_space<hbm>> -> memref<10000x128xf32, #tpu.memory_space<hbm>>
            tpu.enqueue_indirect_dma source(%dma_start3A_91 : memref<10000x128xf32, #tpu.memory_space<hbm>>) target(%arg11 : memref<128x128xf32, #tpu.memory_space<vmem>>) offsets(%dma_start3A_88 : memref<128xi32, #tpu.memory_space<vmem>>) semaphore(%arg14 : memref<!tpu.dma_semaphore, #tpu.memory_space<semaphore_mem>>)
          } else {
          }
        }
        %scan3A_49 = arith.constant 20 : i32
      }
      %scan3A_25 = arith.constant 2 : i32
    } else {
    }
    %eq3A_5 = arith.constant 1 : i32
    %eq3A_6 = arith.cmpi eq, %arg0, %eq3A_5 : i32
    %convert_element_type3A_7 = arith.extui %eq3A_6 : i1 to i32
    %cond3A_8 = arith.constant 0 : i32
    %cond3A_9 = arith.cmpi ne, %convert_element_type3A_7, %cond3A_8 : i32
    scf.if %cond3A_9 {
      %scan3A = arith.constant 0 : i32
      %scan3A_21 = arith.constant 0 : i32
      %scan3A_22 = arith.constant 2 : i32
      %scan3A_23 = arith.addi %scan3A_21, %scan3A_22 : i32
      %scan3A_24 = arith.constant 1 : i32
      scf.for %scan3A_26 = %scan3A_21 to %scan3A_23 step %scan3A_24  : i32 {
        %mul3A_27 = arith.constant 40 : i32
        %mul3A_28 = arith.muli %scan3A_26, %mul3A_27 : i32
        "tpu.region"() ({
          %run_scoped3A = tpu.sem_alloc : memref<!tpu.dma_semaphore, #tpu.memory_space<semaphore_mem>>
          %dma_start3A_50 = arith.constant 0 : i32
          %dma_start3A_51 = arith.constant 0 : i32
          %dma_start3A_52 = tpu.memref_slice %arg4[%arg1, %dma_start3A_50, %dma_start3A_51] : memref<16x80x128xi32, #tpu.memory_space<hbm>> -> memref<1x80x128xi32, #tpu.memory_space<hbm>>
          %dma_start3A_53 = tpu.memref_squeeze %dma_start3A_52 : memref<1x80x128xi32, #tpu.memory_space<hbm>> -> memref<80x128xi32, #tpu.memory_space<hbm>>
          %dma_start3A_54 = arith.constant 0 : i32
          %dma_start3A_55 = tpu.memref_slice %dma_start3A_53[%mul3A_28, %dma_start3A_54] : memref<80x128xi32, #tpu.memory_space<hbm>> -> memref<40x128xi32, #tpu.memory_space<hbm>>
          %dma_start3A_56 = arith.constant 0 : i32
          %dma_start3A_57 = arith.constant 0 : i32
          %dma_start3A_58 = tpu.memref_slice %arg4[%arg1, %dma_start3A_56, %dma_start3A_57] : memref<16x80x128xi32, #tpu.memory_space<hbm>> -> memref<1x80x128xi32, #tpu.memory_space<hbm>>
          %dma_start3A_59 = tpu.memref_squeeze %dma_start3A_58 : memref<1x80x128xi32, #tpu.memory_space<hbm>> -> memref<80x128xi32, #tpu.memory_space<hbm>>
          %dma_start3A_60 = arith.constant 0 : i32
          %dma_start3A_61 = tpu.memref_slice %dma_start3A_59[%mul3A_28, %dma_start3A_60] : memref<80x128xi32, #tpu.memory_space<hbm>> -> memref<40x128xi32, #tpu.memory_space<hbm>>
          tpu.enqueue_dma source(%dma_start3A_61 : memref<40x128xi32, #tpu.memory_space<hbm>>) target(%arg8 : memref<40x128xi32, #tpu.memory_space<vmem>>) target_semaphore(%run_scoped3A : memref<!tpu.dma_semaphore, #tpu.memory_space<semaphore_mem>>)
          %dma_wait3A = arith.constant 0 : i32
          %dma_wait3A_62 = arith.constant 0 : i32
          %dma_wait3A_63 = tpu.memref_slice %arg4[%arg1, %dma_wait3A, %dma_wait3A_62] : memref<16x80x128xi32, #tpu.memory_space<hbm>> -> memref<1x80x128xi32, #tpu.memory_space<hbm>>
          %dma_wait3A_64 = tpu.memref_squeeze %dma_wait3A_63 : memref<1x80x128xi32, #tpu.memory_space<hbm>> -> memref<80x128xi32, #tpu.memory_space<hbm>>
          %dma_wait3A_65 = arith.constant 0 : i32
          %dma_wait3A_66 = tpu.memref_slice %dma_wait3A_64[%mul3A_28, %dma_wait3A_65] : memref<80x128xi32, #tpu.memory_space<hbm>> -> memref<40x128xi32, #tpu.memory_space<hbm>>
          %dma_wait3A_67 = arith.constant 0 : i32
          %dma_wait3A_68 = arith.constant 0 : i32
          %dma_wait3A_69 = tpu.memref_slice %arg4[%arg1, %dma_wait3A_67, %dma_wait3A_68] : memref<16x80x128xi32, #tpu.memory_space<hbm>> -> memref<1x80x128xi32, #tpu.memory_space<hbm>>
          %dma_wait3A_70 = tpu.memref_squeeze %dma_wait3A_69 : memref<1x80x128xi32, #tpu.memory_space<hbm>> -> memref<80x128xi32, #tpu.memory_space<hbm>>
          %dma_wait3A_71 = arith.constant 0 : i32
          %dma_wait3A_72 = tpu.memref_slice %dma_wait3A_70[%mul3A_28, %dma_wait3A_71] : memref<80x128xi32, #tpu.memory_space<hbm>> -> memref<40x128xi32, #tpu.memory_space<hbm>>
          tpu.wait_dma2 semaphore(%run_scoped3A : memref<!tpu.dma_semaphore, #tpu.memory_space<semaphore_mem>>) src(%dma_wait3A_72 : memref<40x128xi32, #tpu.memory_space<hbm>>) dst(%arg8 : memref<40x128xi32, #tpu.memory_space<vmem>>)
          tpu.yield
        }) : () -> ()
        %mul3A_29 = arith.constant 40 : i32
        %mul3A_30 = arith.muli %scan3A_26, %mul3A_29 : i32
        "tpu.region"() ({
          %run_scoped3A = tpu.sem_alloc : memref<!tpu.dma_semaphore, #tpu.memory_space<semaphore_mem>>
          %dma_start3A_50 = arith.constant 0 : i32
          %dma_start3A_51 = arith.constant 0 : i32
          %dma_start3A_52 = tpu.memref_slice %arg5[%arg1, %dma_start3A_50, %dma_start3A_51] : memref<16x80x128xi32, #tpu.memory_space<hbm>> -> memref<1x80x128xi32, #tpu.memory_space<hbm>>
          %dma_start3A_53 = tpu.memref_squeeze %dma_start3A_52 : memref<1x80x128xi32, #tpu.memory_space<hbm>> -> memref<80x128xi32, #tpu.memory_space<hbm>>
          %dma_start3A_54 = arith.constant 0 : i32
          %dma_start3A_55 = tpu.memref_slice %dma_start3A_53[%mul3A_30, %dma_start3A_54] : memref<80x128xi32, #tpu.memory_space<hbm>> -> memref<40x128xi32, #tpu.memory_space<hbm>>
          %dma_start3A_56 = arith.constant 0 : i32
          %dma_start3A_57 = arith.constant 0 : i32
          %dma_start3A_58 = tpu.memref_slice %arg5[%arg1, %dma_start3A_56, %dma_start3A_57] : memref<16x80x128xi32, #tpu.memory_space<hbm>> -> memref<1x80x128xi32, #tpu.memory_space<hbm>>
          %dma_start3A_59 = tpu.memref_squeeze %dma_start3A_58 : memref<1x80x128xi32, #tpu.memory_space<hbm>> -> memref<80x128xi32, #tpu.memory_space<hbm>>
          %dma_start3A_60 = arith.constant 0 : i32
          %dma_start3A_61 = tpu.memref_slice %dma_start3A_59[%mul3A_30, %dma_start3A_60] : memref<80x128xi32, #tpu.memory_space<hbm>> -> memref<40x128xi32, #tpu.memory_space<hbm>>
          tpu.enqueue_dma source(%dma_start3A_61 : memref<40x128xi32, #tpu.memory_space<hbm>>) target(%arg9 : memref<40x128xi32, #tpu.memory_space<vmem>>) target_semaphore(%run_scoped3A : memref<!tpu.dma_semaphore, #tpu.memory_space<semaphore_mem>>)
          %dma_wait3A = arith.constant 0 : i32
          %dma_wait3A_62 = arith.constant 0 : i32
          %dma_wait3A_63 = tpu.memref_slice %arg5[%arg1, %dma_wait3A, %dma_wait3A_62] : memref<16x80x128xi32, #tpu.memory_space<hbm>> -> memref<1x80x128xi32, #tpu.memory_space<hbm>>
          %dma_wait3A_64 = tpu.memref_squeeze %dma_wait3A_63 : memref<1x80x128xi32, #tpu.memory_space<hbm>> -> memref<80x128xi32, #tpu.memory_space<hbm>>
          %dma_wait3A_65 = arith.constant 0 : i32
          %dma_wait3A_66 = tpu.memref_slice %dma_wait3A_64[%mul3A_30, %dma_wait3A_65] : memref<80x128xi32, #tpu.memory_space<hbm>> -> memref<40x128xi32, #tpu.memory_space<hbm>>
          %dma_wait3A_67 = arith.constant 0 : i32
          %dma_wait3A_68 = arith.constant 0 : i32
          %dma_wait3A_69 = tpu.memref_slice %arg5[%arg1, %dma_wait3A_67, %dma_wait3A_68] : memref<16x80x128xi32, #tpu.memory_space<hbm>> -> memref<1x80x128xi32, #tpu.memory_space<hbm>>
          %dma_wait3A_70 = tpu.memref_squeeze %dma_wait3A_69 : memref<1x80x128xi32, #tpu.memory_space<hbm>> -> memref<80x128xi32, #tpu.memory_space<hbm>>
          %dma_wait3A_71 = arith.constant 0 : i32
          %dma_wait3A_72 = tpu.memref_slice %dma_wait3A_70[%mul3A_30, %dma_wait3A_71] : memref<80x128xi32, #tpu.memory_space<hbm>> -> memref<40x128xi32, #tpu.memory_space<hbm>>
          tpu.wait_dma2 semaphore(%run_scoped3A : memref<!tpu.dma_semaphore, #tpu.memory_space<semaphore_mem>>) src(%dma_wait3A_72 : memref<40x128xi32, #tpu.memory_space<hbm>>) dst(%arg9 : memref<40x128xi32, #tpu.memory_space<vmem>>)
          tpu.yield
        }) : () -> ()
        %dma_start3A = arith.constant 0 : i32
        %dma_start3A_31 = arith.constant 0 : i32
        %dma_start3A_32 = tpu.memref_slice %arg8[%dma_start3A, %dma_start3A_31] : memref<40x128xi32, #tpu.memory_space<vmem>> -> memref<1x128xi32, #tpu.memory_space<vmem>>
        %dma_start3A_33 = tpu.memref_squeeze %dma_start3A_32 : memref<1x128xi32, #tpu.memory_space<vmem>> -> memref<128xi32, #tpu.memory_space<vmem>>
        %dma_start3A_34 = arith.constant 0 : i32
        %dma_start3A_35 = arith.constant 0 : i32
        %dma_start3A_36 = tpu.memref_slice %arg3[%dma_start3A_34, %dma_start3A_35] : memref<10000x128xf32, #tpu.memory_space<hbm>> -> memref<10000x128xf32, #tpu.memory_space<hbm>>
        tpu.enqueue_indirect_dma source(%dma_start3A_36 : memref<10000x128xf32, #tpu.memory_space<hbm>>) target(%arg10 : memref<128x128xf32, #tpu.memory_space<vmem>>) offsets(%dma_start3A_33 : memref<128xi32, #tpu.memory_space<vmem>>) semaphore(%arg13 : memref<!tpu.dma_semaphore, #tpu.memory_space<semaphore_mem>>)
        %dma_start3A_37 = arith.constant 1 : i32
        %dma_start3A_38 = arith.constant 0 : i32
        %dma_start3A_39 = tpu.memref_slice %arg8[%dma_start3A_37, %dma_start3A_38] : memref<40x128xi32, #tpu.memory_space<vmem>> -> memref<1x128xi32, #tpu.memory_space<vmem>>
        %dma_start3A_40 = tpu.memref_squeeze %dma_start3A_39 : memref<1x128xi32, #tpu.memory_space<vmem>> -> memref<128xi32, #tpu.memory_space<vmem>>
        %dma_start3A_41 = arith.constant 0 : i32
        %dma_start3A_42 = arith.constant 0 : i32
        %dma_start3A_43 = tpu.memref_slice %arg3[%dma_start3A_41, %dma_start3A_42] : memref<10000x128xf32, #tpu.memory_space<hbm>> -> memref<10000x128xf32, #tpu.memory_space<hbm>>
        tpu.enqueue_indirect_dma source(%dma_start3A_43 : memref<10000x128xf32, #tpu.memory_space<hbm>>) target(%arg11 : memref<128x128xf32, #tpu.memory_space<vmem>>) offsets(%dma_start3A_40 : memref<128xi32, #tpu.memory_space<vmem>>) semaphore(%arg14 : memref<!tpu.dma_semaphore, #tpu.memory_space<semaphore_mem>>)
        %scan3A_44 = arith.constant 0 : i32
        %scan3A_45 = arith.constant 0 : i32
        %scan3A_46 = arith.constant 20 : i32
        %scan3A_47 = arith.addi %scan3A_45, %scan3A_46 : i32
        %scan3A_48 = arith.constant 1 : i32
        scf.for %scan3A_50 = %scan3A_45 to %scan3A_47 step %scan3A_48  : i32 {
          %mul3A_51 = arith.constant 2 : i32
          %mul3A_52 = arith.muli %mul3A_51, %scan3A_50 : i32
          %dma_wait3A = arith.constant 0 : i32
          %dma_wait3A_53 = tpu.memref_slice %arg8[%mul3A_52, %dma_wait3A] : memref<40x128xi32, #tpu.memory_space<vmem>> -> memref<1x128xi32, #tpu.memory_space<vmem>>
          %dma_wait3A_54 = tpu.memref_squeeze %dma_wait3A_53 : memref<1x128xi32, #tpu.memory_space<vmem>> -> memref<128xi32, #tpu.memory_space<vmem>>
          %dma_wait3A_55 = arith.constant 0 : i32
          %dma_wait3A_56 = arith.constant 0 : i32
          %dma_wait3A_57 = tpu.memref_slice %arg3[%dma_wait3A_55, %dma_wait3A_56] : memref<10000x128xf32, #tpu.memory_space<hbm>> -> memref<10000x128xf32, #tpu.memory_space<hbm>>
          tpu.wait_indirect_dma semaphore(%arg13 : memref<!tpu.dma_semaphore, #tpu.memory_space<semaphore_mem>>) src(%dma_wait3A_57 : memref<10000x128xf32, #tpu.memory_space<hbm>>) dst(%arg10 : memref<128x128xf32, #tpu.memory_space<vmem>>)
          %mul3A_58 = arith.constant 2 : i32
          %mul3A_59 = arith.muli %mul3A_58, %scan3A_50 : i32
          "tpu.region"() ({
            %run_scoped3A = tpu.sem_alloc : memref<!tpu.dma_semaphore, #tpu.memory_space<semaphore_mem>>
            %dma_start3A_82 = arith.constant 0 : i32
            %dma_start3A_83 = tpu.memref_slice %arg9[%mul3A_59, %dma_start3A_82] : memref<40x128xi32, #tpu.memory_space<vmem>> -> memref<1x128xi32, #tpu.memory_space<vmem>>
            %dma_start3A_84 = tpu.memref_squeeze %dma_start3A_83 : memref<1x128xi32, #tpu.memory_space<vmem>> -> memref<128xi32, #tpu.memory_space<vmem>>
            %dma_start3A_85 = arith.constant 0 : i32
            %dma_start3A_86 = arith.constant 0 : i32
            %dma_start3A_87 = tpu.memref_slice %arg12[%dma_start3A_85, %dma_start3A_86] : memref<10112x128xf32, #tpu.memory_space<vmem_shared>> -> memref<10112x128xf32, #tpu.memory_space<vmem_shared>>
            tpu.enqueue_indirect_dma source(%arg10 : memref<128x128xf32, #tpu.memory_space<vmem>>) target(%dma_start3A_87 : memref<10112x128xf32, #tpu.memory_space<vmem_shared>>) offsets(%dma_start3A_84 : memref<128xi32, #tpu.memory_space<vmem>>) semaphore(%run_scoped3A : memref<!tpu.dma_semaphore, #tpu.memory_space<semaphore_mem>>) {add = true}
            %dma_wait3A_88 = arith.constant 0 : i32
            %dma_wait3A_89 = tpu.memref_slice %arg9[%mul3A_59, %dma_wait3A_88] : memref<40x128xi32, #tpu.memory_space<vmem>> -> memref<1x128xi32, #tpu.memory_space<vmem>>
            %dma_wait3A_90 = tpu.memref_squeeze %dma_wait3A_89 : memref<1x128xi32, #tpu.memory_space<vmem>> -> memref<128xi32, #tpu.memory_space<vmem>>
            %dma_wait3A_91 = arith.constant 0 : i32
            %dma_wait3A_92 = arith.constant 0 : i32
            %dma_wait3A_93 = tpu.memref_slice %arg12[%dma_wait3A_91, %dma_wait3A_92] : memref<10112x128xf32, #tpu.memory_space<vmem_shared>> -> memref<10112x128xf32, #tpu.memory_space<vmem_shared>>
            tpu.wait_indirect_dma semaphore(%run_scoped3A : memref<!tpu.dma_semaphore, #tpu.memory_space<semaphore_mem>>) src(%arg10 : memref<128x128xf32, #tpu.memory_space<vmem>>) dst(%dma_wait3A_93 : memref<10112x128xf32, #tpu.memory_space<vmem_shared>>)
            tpu.yield
          }) : () -> ()
          %lt3A = arith.constant 19 : i32
          %lt3A_60 = arith.cmpi slt, %scan3A_50, %lt3A : i32
          %convert_element_type3A_61 = arith.extui %lt3A_60 : i1 to i32
          %cond3A_62 = arith.constant 0 : i32
          %cond3A_63 = arith.cmpi ne, %convert_element_type3A_61, %cond3A_62 : i32
          scf.if %cond3A_63 {
            %mul3A_82 = arith.constant 2 : i32
            %mul3A_83 = arith.muli %mul3A_82, %scan3A_50 : i32
            %add3A_84 = arith.constant 2 : i32
            %add3A_85 = arith.addi %mul3A_83, %add3A_84 : i32
            %dma_start3A_86 = arith.constant 0 : i32
            %dma_start3A_87 = tpu.memref_slice %arg8[%add3A_85, %dma_start3A_86] : memref<40x128xi32, #tpu.memory_space<vmem>> -> memref<1x128xi32, #tpu.memory_space<vmem>>
            %dma_start3A_88 = tpu.memref_squeeze %dma_start3A_87 : memref<1x128xi32, #tpu.memory_space<vmem>> -> memref<128xi32, #tpu.memory_space<vmem>>
            %dma_start3A_89 = arith.constant 0 : i32
            %dma_start3A_90 = arith.constant 0 : i32
            %dma_start3A_91 = tpu.memref_slice %arg3[%dma_start3A_89, %dma_start3A_90] : memref<10000x128xf32, #tpu.memory_space<hbm>> -> memref<10000x128xf32, #tpu.memory_space<hbm>>
            tpu.enqueue_indirect_dma source(%dma_start3A_91 : memref<10000x128xf32, #tpu.memory_space<hbm>>) target(%arg10 : memref<128x128xf32, #tpu.memory_space<vmem>>) offsets(%dma_start3A_88 : memref<128xi32, #tpu.memory_space<vmem>>) semaphore(%arg13 : memref<!tpu.dma_semaphore, #tpu.memory_space<semaphore_mem>>)
          } else {
          }
          %mul3A_64 = arith.constant 2 : i32
          %mul3A_65 = arith.muli %mul3A_64, %scan3A_50 : i32
          %add3A = arith.constant 1 : i32
          %add3A_66 = arith.addi %mul3A_65, %add3A : i32
          %dma_wait3A_67 = arith.constant 0 : i32
          %dma_wait3A_68 = tpu.memref_slice %arg8[%add3A_66, %dma_wait3A_67] : memref<40x128xi32, #tpu.memory_space<vmem>> -> memref<1x128xi32, #tpu.memory_space<vmem>>
          %dma_wait3A_69 = tpu.memref_squeeze %dma_wait3A_68 : memref<1x128xi32, #tpu.memory_space<vmem>> -> memref<128xi32, #tpu.memory_space<vmem>>
          %dma_wait3A_70 = arith.constant 0 : i32
          %dma_wait3A_71 = arith.constant 0 : i32
          %dma_wait3A_72 = tpu.memref_slice %arg3[%dma_wait3A_70, %dma_wait3A_71] : memref<10000x128xf32, #tpu.memory_space<hbm>> -> memref<10000x128xf32, #tpu.memory_space<hbm>>
          tpu.wait_indirect_dma semaphore(%arg14 : memref<!tpu.dma_semaphore, #tpu.memory_space<semaphore_mem>>) src(%dma_wait3A_72 : memref<10000x128xf32, #tpu.memory_space<hbm>>) dst(%arg11 : memref<128x128xf32, #tpu.memory_space<vmem>>)
          %mul3A_73 = arith.constant 2 : i32
          %mul3A_74 = arith.muli %mul3A_73, %scan3A_50 : i32
          %add3A_75 = arith.constant 1 : i32
          %add3A_76 = arith.addi %mul3A_74, %add3A_75 : i32
          "tpu.region"() ({
            %run_scoped3A = tpu.sem_alloc : memref<!tpu.dma_semaphore, #tpu.memory_space<semaphore_mem>>
            %dma_start3A_82 = arith.constant 0 : i32
            %dma_start3A_83 = tpu.memref_slice %arg9[%add3A_76, %dma_start3A_82] : memref<40x128xi32, #tpu.memory_space<vmem>> -> memref<1x128xi32, #tpu.memory_space<vmem>>
            %dma_start3A_84 = tpu.memref_squeeze %dma_start3A_83 : memref<1x128xi32, #tpu.memory_space<vmem>> -> memref<128xi32, #tpu.memory_space<vmem>>
            %dma_start3A_85 = arith.constant 0 : i32
            %dma_start3A_86 = arith.constant 0 : i32
            %dma_start3A_87 = tpu.memref_slice %arg12[%dma_start3A_85, %dma_start3A_86] : memref<10112x128xf32, #tpu.memory_space<vmem_shared>> -> memref<10112x128xf32, #tpu.memory_space<vmem_shared>>
            tpu.enqueue_indirect_dma source(%arg11 : memref<128x128xf32, #tpu.memory_space<vmem>>) target(%dma_start3A_87 : memref<10112x128xf32, #tpu.memory_space<vmem_shared>>) offsets(%dma_start3A_84 : memref<128xi32, #tpu.memory_space<vmem>>) semaphore(%run_scoped3A : memref<!tpu.dma_semaphore, #tpu.memory_space<semaphore_mem>>) {add = true}
            %dma_wait3A_88 = arith.constant 0 : i32
            %dma_wait3A_89 = tpu.memref_slice %arg9[%add3A_76, %dma_wait3A_88] : memref<40x128xi32, #tpu.memory_space<vmem>> -> memref<1x128xi32, #tpu.memory_space<vmem>>
            %dma_wait3A_90 = tpu.memref_squeeze %dma_wait3A_89 : memref<1x128xi32, #tpu.memory_space<vmem>> -> memref<128xi32, #tpu.memory_space<vmem>>
            %dma_wait3A_91 = arith.constant 0 : i32
            %dma_wait3A_92 = arith.constant 0 : i32
            %dma_wait3A_93 = tpu.memref_slice %arg12[%dma_wait3A_91, %dma_wait3A_92] : memref<10112x128xf32, #tpu.memory_space<vmem_shared>> -> memref<10112x128xf32, #tpu.memory_space<vmem_shared>>
            tpu.wait_indirect_dma semaphore(%run_scoped3A : memref<!tpu.dma_semaphore, #tpu.memory_space<semaphore_mem>>) src(%arg11 : memref<128x128xf32, #tpu.memory_space<vmem>>) dst(%dma_wait3A_93 : memref<10112x128xf32, #tpu.memory_space<vmem_shared>>)
            tpu.yield
          }) : () -> ()
          %lt3A_77 = arith.constant 19 : i32
          %lt3A_78 = arith.cmpi slt, %scan3A_50, %lt3A_77 : i32
          %convert_element_type3A_79 = arith.extui %lt3A_78 : i1 to i32
          %cond3A_80 = arith.constant 0 : i32
          %cond3A_81 = arith.cmpi ne, %convert_element_type3A_79, %cond3A_80 : i32
          scf.if %cond3A_81 {
            %mul3A_82 = arith.constant 2 : i32
            %mul3A_83 = arith.muli %mul3A_82, %scan3A_50 : i32
            %add3A_84 = arith.constant 3 : i32
            %add3A_85 = arith.addi %mul3A_83, %add3A_84 : i32
            %dma_start3A_86 = arith.constant 0 : i32
            %dma_start3A_87 = tpu.memref_slice %arg8[%add3A_85, %dma_start3A_86] : memref<40x128xi32, #tpu.memory_space<vmem>> -> memref<1x128xi32, #tpu.memory_space<vmem>>
            %dma_start3A_88 = tpu.memref_squeeze %dma_start3A_87 : memref<1x128xi32, #tpu.memory_space<vmem>> -> memref<128xi32, #tpu.memory_space<vmem>>
            %dma_start3A_89 = arith.constant 0 : i32
            %dma_start3A_90 = arith.constant 0 : i32
            %dma_start3A_91 = tpu.memref_slice %arg3[%dma_start3A_89, %dma_start3A_90] : memref<10000x128xf32, #tpu.memory_space<hbm>> -> memref<10000x128xf32, #tpu.memory_space<hbm>>
            tpu.enqueue_indirect_dma source(%dma_start3A_91 : memref<10000x128xf32, #tpu.memory_space<hbm>>) target(%arg11 : memref<128x128xf32, #tpu.memory_space<vmem>>) offsets(%dma_start3A_88 : memref<128xi32, #tpu.memory_space<vmem>>) semaphore(%arg14 : memref<!tpu.dma_semaphore, #tpu.memory_space<semaphore_mem>>)
          } else {
          }
        }
        %scan3A_49 = arith.constant 20 : i32
      }
      %scan3A_25 = arith.constant 2 : i32
    } else {
    }
    %barrier3A_10 = arith.constant 0 : index
    tpu.barrier barrier_id(%barrier3A_10)
    %eq3A_11 = arith.constant 0 : i32
    %eq3A_12 = arith.cmpi eq, %arg0, %eq3A_11 : i32
    %convert_element_type3A_13 = arith.extui %eq3A_12 : i1 to i32
    %cond3A_14 = arith.constant 0 : i32
    %cond3A_15 = arith.cmpi ne, %convert_element_type3A_13, %cond3A_14 : i32
    scf.if %cond3A_15 {
      %mul3A_21 = arith.constant 632 : i32
      %mul3A_22 = arith.muli %arg1, %mul3A_21 : i32
      %mul3A_23 = arith.constant 632 : i32
      %mul3A_24 = arith.muli %arg1, %mul3A_23 : i32
      %run_scoped3A = arith.constant 0 : i32
      "tpu.region"() ({
        %run_scoped3A_25 = tpu.sem_alloc : memref<!tpu.dma_semaphore, #tpu.memory_space<semaphore_mem>>
        %dma_start3A = arith.constant 0 : i32
        %dma_start3A_26 = arith.constant 0 : i32
        %dma_start3A_27 = tpu.memref_slice %arg7[%run_scoped3A, %dma_start3A, %dma_start3A_26] : memref<2x10112x128xf32, #tpu.memory_space<hbm>> -> memref<1x10112x128xf32, #tpu.memory_space<hbm>>
        %dma_start3A_28 = tpu.memref_squeeze %dma_start3A_27 : memref<1x10112x128xf32, #tpu.memory_space<hbm>> -> memref<10112x128xf32, #tpu.memory_space<hbm>>
        %dma_start3A_29 = arith.constant 0 : i32
        %dma_start3A_30 = tpu.memref_slice %dma_start3A_28[%mul3A_24, %dma_start3A_29] : memref<10112x128xf32, #tpu.memory_space<hbm>> -> memref<632x128xf32, #tpu.memory_space<hbm>>
        %dma_start3A_31 = arith.constant 0 : i32
        %dma_start3A_32 = tpu.memref_slice %arg12[%mul3A_22, %dma_start3A_31] : memref<10112x128xf32, #tpu.memory_space<vmem_shared>> -> memref<632x128xf32, #tpu.memory_space<vmem_shared>>
        tpu.enqueue_dma source(%dma_start3A_32 : memref<632x128xf32, #tpu.memory_space<vmem_shared>>) target(%dma_start3A_30 : memref<632x128xf32, #tpu.memory_space<hbm>>) target_semaphore(%run_scoped3A_25 : memref<!tpu.dma_semaphore, #tpu.memory_space<semaphore_mem>>)
        %dma_wait3A = arith.constant 0 : i32
        %dma_wait3A_33 = arith.constant 0 : i32
        %dma_wait3A_34 = tpu.memref_slice %arg7[%run_scoped3A, %dma_wait3A, %dma_wait3A_33] : memref<2x10112x128xf32, #tpu.memory_space<hbm>> -> memref<1x10112x128xf32, #tpu.memory_space<hbm>>
        %dma_wait3A_35 = tpu.memref_squeeze %dma_wait3A_34 : memref<1x10112x128xf32, #tpu.memory_space<hbm>> -> memref<10112x128xf32, #tpu.memory_space<hbm>>
        %dma_wait3A_36 = arith.constant 0 : i32
        %dma_wait3A_37 = tpu.memref_slice %dma_wait3A_35[%mul3A_24, %dma_wait3A_36] : memref<10112x128xf32, #tpu.memory_space<hbm>> -> memref<632x128xf32, #tpu.memory_space<hbm>>
        %dma_wait3A_38 = arith.constant 0 : i32
        %dma_wait3A_39 = tpu.memref_slice %arg12[%mul3A_22, %dma_wait3A_38] : memref<10112x128xf32, #tpu.memory_space<vmem_shared>> -> memref<632x128xf32, #tpu.memory_space<vmem_shared>>
        tpu.wait_dma2 semaphore(%run_scoped3A_25 : memref<!tpu.dma_semaphore, #tpu.memory_space<semaphore_mem>>) src(%dma_wait3A_39 : memref<632x128xf32, #tpu.memory_space<vmem_shared>>) dst(%dma_wait3A_37 : memref<632x128xf32, #tpu.memory_space<hbm>>)
        tpu.yield
      }) : () -> ()
    } else {
    }
    %eq3A_16 = arith.constant 1 : i32
    %eq3A_17 = arith.cmpi eq, %arg0, %eq3A_16 : i32
    %convert_element_type3A_18 = arith.extui %eq3A_17 : i1 to i32
    %cond3A_19 = arith.constant 0 : i32
    %cond3A_20 = arith.cmpi ne, %convert_element_type3A_18, %cond3A_19 : i32
    scf.if %cond3A_20 {
      %mul3A_21 = arith.constant 632 : i32
      %mul3A_22 = arith.muli %arg1, %mul3A_21 : i32
      %mul3A_23 = arith.constant 632 : i32
      %mul3A_24 = arith.muli %arg1, %mul3A_23 : i32
      %run_scoped3A = arith.constant 1 : i32
      "tpu.region"() ({
        %run_scoped3A_25 = tpu.sem_alloc : memref<!tpu.dma_semaphore, #tpu.memory_space<semaphore_mem>>
        %dma_start3A = arith.constant 0 : i32
        %dma_start3A_26 = arith.constant 0 : i32
        %dma_start3A_27 = tpu.memref_slice %arg7[%run_scoped3A, %dma_start3A, %dma_start3A_26] : memref<2x10112x128xf32, #tpu.memory_space<hbm>> -> memref<1x10112x128xf32, #tpu.memory_space<hbm>>
        %dma_start3A_28 = tpu.memref_squeeze %dma_start3A_27 : memref<1x10112x128xf32, #tpu.memory_space<hbm>> -> memref<10112x128xf32, #tpu.memory_space<hbm>>
        %dma_start3A_29 = arith.constant 0 : i32
        %dma_start3A_30 = tpu.memref_slice %dma_start3A_28[%mul3A_24, %dma_start3A_29] : memref<10112x128xf32, #tpu.memory_space<hbm>> -> memref<632x128xf32, #tpu.memory_space<hbm>>
        %dma_start3A_31 = arith.constant 0 : i32
        %dma_start3A_32 = tpu.memref_slice %arg12[%mul3A_22, %dma_start3A_31] : memref<10112x128xf32, #tpu.memory_space<vmem_shared>> -> memref<632x128xf32, #tpu.memory_space<vmem_shared>>
        tpu.enqueue_dma source(%dma_start3A_32 : memref<632x128xf32, #tpu.memory_space<vmem_shared>>) target(%dma_start3A_30 : memref<632x128xf32, #tpu.memory_space<hbm>>) target_semaphore(%run_scoped3A_25 : memref<!tpu.dma_semaphore, #tpu.memory_space<semaphore_mem>>)
        %dma_wait3A = arith.constant 0 : i32
        %dma_wait3A_33 = arith.constant 0 : i32
        %dma_wait3A_34 = tpu.memref_slice %arg7[%run_scoped3A, %dma_wait3A, %dma_wait3A_33] : memref<2x10112x128xf32, #tpu.memory_space<hbm>> -> memref<1x10112x128xf32, #tpu.memory_space<hbm>>
        %dma_wait3A_35 = tpu.memref_squeeze %dma_wait3A_34 : memref<1x10112x128xf32, #tpu.memory_space<hbm>> -> memref<10112x128xf32, #tpu.memory_space<hbm>>
        %dma_wait3A_36 = arith.constant 0 : i32
        %dma_wait3A_37 = tpu.memref_slice %dma_wait3A_35[%mul3A_24, %dma_wait3A_36] : memref<10112x128xf32, #tpu.memory_space<hbm>> -> memref<632x128xf32, #tpu.memory_space<hbm>>
        %dma_wait3A_38 = arith.constant 0 : i32
        %dma_wait3A_39 = tpu.memref_slice %arg12[%mul3A_22, %dma_wait3A_38] : memref<10112x128xf32, #tpu.memory_space<vmem_shared>> -> memref<632x128xf32, #tpu.memory_space<vmem_shared>>
        tpu.wait_dma2 semaphore(%run_scoped3A_25 : memref<!tpu.dma_semaphore, #tpu.memory_space<semaphore_mem>>) src(%dma_wait3A_39 : memref<632x128xf32, #tpu.memory_space<vmem_shared>>) dst(%dma_wait3A_37 : memref<632x128xf32, #tpu.memory_space<hbm>>)
        tpu.yield
      }) : () -> ()
    } else {
    }
    return
  }
}

module attributes {stable_mosaic.version = 14 : i64} {
  func.func @_tc1_body(%arg0: i32, %arg1: memref<2000x256xf32, #tpu.memory_space<vmem>>, %arg2: memref<256x256xf32, #tpu.memory_space<vmem>>, %arg3: memref<1x256xf32, #tpu.memory_space<vmem>>, %arg4: memref<2000x2xf32, #tpu.memory_space<vmem>>, %arg5: memref<2000x128xf32, #tpu.memory_space<vmem>>, %arg6: memref<2000x128xf32, #tpu.memory_space<vmem>>, %arg7: memref<2000x256xf32, #tpu.memory_space<vmem>>) attributes {dimension_semantics = [#tpu.dimension_semantics<arbitrary>], iteration_bounds = array<i64: 5>, scalar_prefetch = 0 : i64, scratch_operands = 0 : i64, tpu.core_type = #tpu.core_type<tc>, window_params = [{transform_indices = @transform_0, window_bounds = array<i64: 2000, 256>}, {pipeline_mode = #tpu.pipeline_mode<synchronous>, transform_indices = @transform_1, window_bounds = array<i64: 256, 256>}, {pipeline_mode = #tpu.pipeline_mode<synchronous>, transform_indices = @transform_2, window_bounds = array<i64: 1, 256>}, {transform_indices = @transform_3, window_bounds = array<i64: 2000, 2>}, {transform_indices = @transform_4, window_bounds = array<i64: 2000, 128>}, {transform_indices = @transform_5, window_bounds = array<i64: 2000, 128>}, {transform_indices = @transform_6, window_bounds = array<i64: 2000, 256>}]} {
    %get3A = arith.constant 0 : index
    %get3A_0 = arith.constant 0 : index
    %get3A_1 = vector.load %arg4[%get3A, %get3A_0] : memref<2000x2xf32, #tpu.memory_space<vmem>>, vector<2000x1xf32>
    %get3A_2 = arith.constant 0 : index
    %get3A_3 = arith.constant 1 : index
    %get3A_4 = vector.load %arg4[%get3A_2, %get3A_3] : memref<2000x2xf32, #tpu.memory_space<vmem>>, vector<2000x1xf32>
    %add3A = arith.addf %get3A_1, %get3A_4 : vector<2000x1xf32>
    %add3A_5 = arith.constant 1.000000e+00 : f32
    %add3A_6 = vector.broadcast %add3A_5 : f32 to vector<2000x1xf32>
    %add3A_7 = arith.addf %add3A, %add3A_6 : vector<2000x1xf32>
    %rsqrt3A = math.rsqrt %add3A_7 : vector<2000x1xf32>
    %div3A = arith.constant 1.000000e+00 : f32
    %div3A_8 = vector.broadcast %div3A : f32 to vector<2000x1xf32>
    %div3A_9 = arith.divf %div3A_8, %add3A_7 : vector<2000x1xf32>
    %get3A_10 = arith.constant 0 : index
    %get3A_11 = arith.constant 0 : index
    %get3A_12 = vector.load %arg1[%get3A_10, %get3A_11] : memref<2000x256xf32, #tpu.memory_space<vmem>>, vector<2000x256xf32>
    %get3A_13 = arith.constant 0 : index
    %get3A_14 = arith.constant 0 : index
    %get3A_15 = vector.load %arg2[%get3A_13, %get3A_14] : memref<256x256xf32, #tpu.memory_space<vmem>>, vector<256x256xf32>
    %dot_general3A = arith.constant dense<0.000000e+00> : vector<2000x256xf32>
    %dot_general3A_16 = tpu.matmul %get3A_12, %get3A_15, %dot_general3A {dimension_numbers = #tpu.dot_dimension_numbers<[1], [0], [0], [1], [0, 0, 1, 1], [], []>, transpose_lhs_hint = false} : vector<2000x256xf32>, vector<256x256xf32>, vector<2000x256xf32> -> vector<2000x256xf32>
    %mul3A = vector.broadcast %rsqrt3A : vector<2000x1xf32> to vector<2000x256xf32>
    %mul3A_17 = arith.mulf %dot_general3A_16, %mul3A : vector<2000x256xf32>
    %slice3A = vector.extract_strided_slice %mul3A_17 {offsets = [0, 0], sizes = [2000, 128], strides = [1, 1]} : vector<2000x256xf32> to vector<2000x128xf32>
    %swap3A = arith.constant 0 : index
    %swap3A_18 = arith.constant 0 : index
    %swap3A_19 = vector.load %arg5[%swap3A, %swap3A_18] : memref<2000x128xf32, #tpu.memory_space<vmem>>, vector<2000x128xf32>
    tpu.vector_store %arg5[%swap3A, %swap3A_18], %slice3A {strides = array<i32>} : memref<2000x128xf32, #tpu.memory_space<vmem>>, vector<2000x128xf32>,
    %slice3A_20 = vector.extract_strided_slice %mul3A_17 {offsets = [0, 128], sizes = [2000, 128], strides = [1, 1]} : vector<2000x256xf32> to vector<2000x128xf32>
    %swap3A_21 = arith.constant 0 : index
    %swap3A_22 = arith.constant 0 : index
    %swap3A_23 = vector.load %arg6[%swap3A_21, %swap3A_22] : memref<2000x128xf32, #tpu.memory_space<vmem>>, vector<2000x128xf32>
    tpu.vector_store %arg6[%swap3A_21, %swap3A_22], %slice3A_20 {strides = array<i32>} : memref<2000x128xf32, #tpu.memory_space<vmem>>, vector<2000x128xf32>,
    %mul3A_24 = vector.broadcast %div3A_9 : vector<2000x1xf32> to vector<2000x256xf32>
    %mul3A_25 = arith.mulf %dot_general3A_16, %mul3A_24 : vector<2000x256xf32>
    %get3A_26 = arith.constant 0 : index
    %get3A_27 = arith.constant 0 : index
    %get3A_28 = vector.load %arg3[%get3A_26, %get3A_27] : memref<1x256xf32, #tpu.memory_space<vmem>>, vector<1x256xf32>
    %add3A_29 = vector.broadcast %get3A_28 : vector<1x256xf32> to vector<2000x256xf32>
    %add3A_30 = arith.addf %mul3A_25, %add3A_29 : vector<2000x256xf32>
    %swap3A_31 = arith.constant 0 : index
    %swap3A_32 = arith.constant 0 : index
    %swap3A_33 = vector.load %arg7[%swap3A_31, %swap3A_32] : memref<2000x256xf32, #tpu.memory_space<vmem>>, vector<2000x256xf32>
    tpu.vector_store %arg7[%swap3A_31, %swap3A_32], %add3A_30 {strides = array<i32>} : memref<2000x256xf32, #tpu.memory_space<vmem>>, vector<2000x256xf32>,
    return
  }
  func.func @transform_0(%arg0: i32) -> (i32, i32) {
    %c0_i32 = arith.constant 0 : i32
    %c0_i32_0 = arith.constant 0 : i32
    return %arg0, %c0_i32 : i32, i32
  }
  func.func @transform_1(%arg0: i32) -> (i32, i32) {
    %c0_i32 = arith.constant 0 : i32
    %c0_i32_0 = arith.constant 0 : i32
    %c0_i32_1 = arith.constant 0 : i32
    return %c0_i32, %c0_i32_0 : i32, i32
  }
  func.func @transform_2(%arg0: i32) -> (i32, i32) {
    %c0_i32 = arith.constant 0 : i32
    %c0_i32_0 = arith.constant 0 : i32
    %c0_i32_1 = arith.constant 0 : i32
    return %c0_i32, %c0_i32_0 : i32, i32
  }
  func.func @transform_3(%arg0: i32) -> (i32, i32) {
    %c0_i32 = arith.constant 0 : i32
    %c0_i32_0 = arith.constant 0 : i32
    return %arg0, %c0_i32 : i32, i32
  }
  func.func @transform_4(%arg0: i32) -> (i32, i32) {
    %c0_i32 = arith.constant 0 : i32
    %c0_i32_0 = arith.constant 0 : i32
    return %arg0, %c0_i32 : i32, i32
  }
  func.func @transform_5(%arg0: i32) -> (i32, i32) {
    %c0_i32 = arith.constant 0 : i32
    %c0_i32_0 = arith.constant 0 : i32
    return %arg0, %c0_i32 : i32, i32
  }
  func.func @transform_6(%arg0: i32) -> (i32, i32) {
    %c0_i32 = arith.constant 0 : i32
    %c0_i32_0 = arith.constant 0 : i32
    return %arg0, %c0_i32 : i32, i32
  }
}

module attributes {stable_mosaic.version = 14 : i64} {
  func.func @_tc2_body(%arg0: i32, %arg1: memref<1x2000x128xf32, #tpu.memory_space<vmem>>, %arg2: memref<1x2000x128xf32, #tpu.memory_space<vmem>>, %arg3: memref<2000x256xf32, #tpu.memory_space<vmem>>, %arg4: memref<2000x2xf32, #tpu.memory_space<vmem>>, %arg5: memref<256x256xf32, #tpu.memory_space<vmem>>, %arg6: memref<1x256xf32, #tpu.memory_space<vmem>>, %arg7: memref<2000x128xf32, #tpu.memory_space<vmem>>, %arg8: memref<2000x128xf32, #tpu.memory_space<vmem>>, %arg9: memref<2000x256xf32, #tpu.memory_space<vmem>>) attributes {dimension_semantics = [#tpu.dimension_semantics<arbitrary>], iteration_bounds = array<i64: 5>, scalar_prefetch = 0 : i64, scratch_operands = 0 : i64, tpu.core_type = #tpu.core_type<tc>, window_params = [{transform_indices = @transform_0, window_bounds = array<i64: 1, 2000, 128>}, {transform_indices = @transform_1, window_bounds = array<i64: 1, 2000, 128>}, {transform_indices = @transform_2, window_bounds = array<i64: 2000, 256>}, {transform_indices = @transform_3, window_bounds = array<i64: 2000, 2>}, {pipeline_mode = #tpu.pipeline_mode<synchronous>, transform_indices = @transform_4, window_bounds = array<i64: 256, 256>}, {pipeline_mode = #tpu.pipeline_mode<synchronous>, transform_indices = @transform_5, window_bounds = array<i64: 1, 256>}, {transform_indices = @transform_6, window_bounds = array<i64: 2000, 128>}, {transform_indices = @transform_7, window_bounds = array<i64: 2000, 128>}, {transform_indices = @transform_8, window_bounds = array<i64: 2000, 256>}]} {
    %get3A = arith.constant 0 : index
    %get3A_0 = arith.constant 0 : index
    %get3A_1 = vector.load %arg4[%get3A, %get3A_0] : memref<2000x2xf32, #tpu.memory_space<vmem>>, vector<2000x1xf32>
    %get3A_2 = arith.constant 0 : index
    %get3A_3 = arith.constant 1 : index
    %get3A_4 = vector.load %arg4[%get3A_2, %get3A_3] : memref<2000x2xf32, #tpu.memory_space<vmem>>, vector<2000x1xf32>
    %add3A = arith.addf %get3A_1, %get3A_4 : vector<2000x1xf32>
    %add3A_5 = arith.constant 1.000000e+00 : f32
    %add3A_6 = vector.broadcast %add3A_5 : f32 to vector<2000x1xf32>
    %add3A_7 = arith.addf %add3A, %add3A_6 : vector<2000x1xf32>
    %rsqrt3A = math.rsqrt %add3A_7 : vector<2000x1xf32>
    %div3A = arith.constant 1.000000e+00 : f32
    %div3A_8 = vector.broadcast %div3A : f32 to vector<2000x1xf32>
    %div3A_9 = arith.divf %div3A_8, %add3A_7 : vector<2000x1xf32>
    %get3A_10 = arith.constant 0 : index
    %get3A_11 = arith.constant 0 : index
    %get3A_12 = arith.constant 0 : index
    %get3A_13 = vector.load %arg1[%get3A_10, %get3A_11, %get3A_12] : memref<1x2000x128xf32, #tpu.memory_space<vmem>>, vector<1x2000x128xf32>
    %get3A_14 = vector.shape_cast %get3A_13 : vector<1x2000x128xf32> to vector<2000x128xf32>
    %get3A_15 = arith.constant 0 : index
    %get3A_16 = arith.constant 0 : index
    %get3A_17 = arith.constant 0 : index
    %get3A_18 = vector.load %arg2[%get3A_15, %get3A_16, %get3A_17] : memref<1x2000x128xf32, #tpu.memory_space<vmem>>, vector<1x2000x128xf32>
    %get3A_19 = vector.shape_cast %get3A_18 : vector<1x2000x128xf32> to vector<2000x128xf32>
    %concatenate3A = tpu.concatenate %get3A_14, %get3A_19 in 1 : vector<2000x128xf32>, vector<2000x128xf32> -> vector<2000x256xf32>
    %mul3A = vector.broadcast %rsqrt3A : vector<2000x1xf32> to vector<2000x256xf32>
    %mul3A_20 = arith.mulf %concatenate3A, %mul3A : vector<2000x256xf32>
    %get3A_21 = arith.constant 0 : index
    %get3A_22 = arith.constant 0 : index
    %get3A_23 = vector.load %arg3[%get3A_21, %get3A_22] : memref<2000x256xf32, #tpu.memory_space<vmem>>, vector<2000x256xf32>
    %add3A_24 = arith.addf %mul3A_20, %get3A_23 : vector<2000x256xf32>
    %max3A = arith.constant 0.000000e+00 : f32
    %max3A_25 = vector.broadcast %max3A : f32 to vector<2000x256xf32>
    %max3A_26 = arith.maximumf %add3A_24, %max3A_25 : vector<2000x256xf32>
    %get3A_27 = arith.constant 0 : index
    %get3A_28 = arith.constant 0 : index
    %get3A_29 = vector.load %arg5[%get3A_27, %get3A_28] : memref<256x256xf32, #tpu.memory_space<vmem>>, vector<256x256xf32>
    %dot_general3A = arith.constant dense<0.000000e+00> : vector<2000x256xf32>
    %dot_general3A_30 = tpu.matmul %max3A_26, %get3A_29, %dot_general3A {dimension_numbers = #tpu.dot_dimension_numbers<[1], [0], [0], [1], [0, 0, 1, 1], [], []>, transpose_lhs_hint = false} : vector<2000x256xf32>, vector<256x256xf32>, vector<2000x256xf32> -> vector<2000x256xf32>
    %mul3A_31 = vector.broadcast %rsqrt3A : vector<2000x1xf32> to vector<2000x256xf32>
    %mul3A_32 = arith.mulf %dot_general3A_30, %mul3A_31 : vector<2000x256xf32>
    %slice3A = vector.extract_strided_slice %mul3A_32 {offsets = [0, 0], sizes = [2000, 128], strides = [1, 1]} : vector<2000x256xf32> to vector<2000x128xf32>
    %swap3A = arith.constant 0 : index
    %swap3A_33 = arith.constant 0 : index
    %swap3A_34 = vector.load %arg7[%swap3A, %swap3A_33] : memref<2000x128xf32, #tpu.memory_space<vmem>>, vector<2000x128xf32>
    tpu.vector_store %arg7[%swap3A, %swap3A_33], %slice3A {strides = array<i32>} : memref<2000x128xf32, #tpu.memory_space<vmem>>, vector<2000x128xf32>,
    %slice3A_35 = vector.extract_strided_slice %mul3A_32 {offsets = [0, 128], sizes = [2000, 128], strides = [1, 1]} : vector<2000x256xf32> to vector<2000x128xf32>
    %swap3A_36 = arith.constant 0 : index
    %swap3A_37 = arith.constant 0 : index
    %swap3A_38 = vector.load %arg8[%swap3A_36, %swap3A_37] : memref<2000x128xf32, #tpu.memory_space<vmem>>, vector<2000x128xf32>
    tpu.vector_store %arg8[%swap3A_36, %swap3A_37], %slice3A_35 {strides = array<i32>} : memref<2000x128xf32, #tpu.memory_space<vmem>>, vector<2000x128xf32>,
    %mul3A_39 = vector.broadcast %div3A_9 : vector<2000x1xf32> to vector<2000x256xf32>
    %mul3A_40 = arith.mulf %dot_general3A_30, %mul3A_39 : vector<2000x256xf32>
    %get3A_41 = arith.constant 0 : index
    %get3A_42 = arith.constant 0 : index
    %get3A_43 = vector.load %arg6[%get3A_41, %get3A_42] : memref<1x256xf32, #tpu.memory_space<vmem>>, vector<1x256xf32>
    %add3A_44 = vector.broadcast %get3A_43 : vector<1x256xf32> to vector<2000x256xf32>
    %add3A_45 = arith.addf %mul3A_40, %add3A_44 : vector<2000x256xf32>
    %swap3A_46 = arith.constant 0 : index
    %swap3A_47 = arith.constant 0 : index
    %swap3A_48 = vector.load %arg9[%swap3A_46, %swap3A_47] : memref<2000x256xf32, #tpu.memory_space<vmem>>, vector<2000x256xf32>
    tpu.vector_store %arg9[%swap3A_46, %swap3A_47], %add3A_45 {strides = array<i32>} : memref<2000x256xf32, #tpu.memory_space<vmem>>, vector<2000x256xf32>,
    return
  }
  func.func @transform_0(%arg0: i32) -> (i32, i32, i32) {
    %c0_i32 = arith.constant 0 : i32
    %c0_i32_0 = arith.constant 0 : i32
    %c0_i32_1 = arith.constant 0 : i32
    return %c0_i32, %arg0, %c0_i32_0 : i32, i32, i32
  }
  func.func @transform_1(%arg0: i32) -> (i32, i32, i32) {
    %c1_i32 = arith.constant 1 : i32
    %c0_i32 = arith.constant 0 : i32
    %c0_i32_0 = arith.constant 0 : i32
    return %c1_i32, %arg0, %c0_i32 : i32, i32, i32
  }
  func.func @transform_2(%arg0: i32) -> (i32, i32) {
    %c0_i32 = arith.constant 0 : i32
    %c0_i32_0 = arith.constant 0 : i32
    return %arg0, %c0_i32 : i32, i32
  }
  func.func @transform_3(%arg0: i32) -> (i32, i32) {
    %c0_i32 = arith.constant 0 : i32
    %c0_i32_0 = arith.constant 0 : i32
    return %arg0, %c0_i32 : i32, i32
  }
  func.func @transform_4(%arg0: i32) -> (i32, i32) {
    %c0_i32 = arith.constant 0 : i32
    %c0_i32_0 = arith.constant 0 : i32
    %c0_i32_1 = arith.constant 0 : i32
    return %c0_i32, %c0_i32_0 : i32, i32
  }
  func.func @transform_5(%arg0: i32) -> (i32, i32) {
    %c0_i32 = arith.constant 0 : i32
    %c0_i32_0 = arith.constant 0 : i32
    %c0_i32_1 = arith.constant 0 : i32
    return %c0_i32, %c0_i32_0 : i32, i32
  }
  func.func @transform_6(%arg0: i32) -> (i32, i32) {
    %c0_i32 = arith.constant 0 : i32
    %c0_i32_0 = arith.constant 0 : i32
    return %arg0, %c0_i32 : i32, i32
  }
  func.func @transform_7(%arg0: i32) -> (i32, i32) {
    %c0_i32 = arith.constant 0 : i32
    %c0_i32_0 = arith.constant 0 : i32
    return %arg0, %c0_i32 : i32, i32
  }
  func.func @transform_8(%arg0: i32) -> (i32, i32) {
    %c0_i32 = arith.constant 0 : i32
    %c0_i32_0 = arith.constant 0 : i32
    return %arg0, %c0_i32 : i32, i32
  }
}

module attributes {stable_mosaic.version = 14 : i64} {
  func.func @_tc3_body(%arg0: i32, %arg1: memref<1x2000x128xf32, #tpu.memory_space<vmem>>, %arg2: memref<1x2000x128xf32, #tpu.memory_space<vmem>>, %arg3: memref<2000x256xf32, #tpu.memory_space<vmem>>, %arg4: memref<2000x2xf32, #tpu.memory_space<vmem>>, %arg5: memref<2000x256xf32, #tpu.memory_space<vmem>>) attributes {dimension_semantics = [#tpu.dimension_semantics<arbitrary>], iteration_bounds = array<i64: 5>, scalar_prefetch = 0 : i64, scratch_operands = 0 : i64, tpu.core_type = #tpu.core_type<tc>, window_params = [{transform_indices = @transform_0, window_bounds = array<i64: 1, 2000, 128>}, {transform_indices = @transform_1, window_bounds = array<i64: 1, 2000, 128>}, {transform_indices = @transform_2, window_bounds = array<i64: 2000, 256>}, {transform_indices = @transform_3, window_bounds = array<i64: 2000, 2>}, {transform_indices = @transform_4, window_bounds = array<i64: 2000, 256>}]} {
    %get3A = arith.constant 0 : index
    %get3A_0 = arith.constant 0 : index
    %get3A_1 = vector.load %arg4[%get3A, %get3A_0] : memref<2000x2xf32, #tpu.memory_space<vmem>>, vector<2000x1xf32>
    %get3A_2 = arith.constant 0 : index
    %get3A_3 = arith.constant 1 : index
    %get3A_4 = vector.load %arg4[%get3A_2, %get3A_3] : memref<2000x2xf32, #tpu.memory_space<vmem>>, vector<2000x1xf32>
    %add3A = arith.addf %get3A_1, %get3A_4 : vector<2000x1xf32>
    %add3A_5 = arith.constant 1.000000e+00 : f32
    %add3A_6 = vector.broadcast %add3A_5 : f32 to vector<2000x1xf32>
    %add3A_7 = arith.addf %add3A, %add3A_6 : vector<2000x1xf32>
    %rsqrt3A = math.rsqrt %add3A_7 : vector<2000x1xf32>
    %get3A_8 = arith.constant 0 : index
    %get3A_9 = arith.constant 0 : index
    %get3A_10 = arith.constant 0 : index
    %get3A_11 = vector.load %arg1[%get3A_8, %get3A_9, %get3A_10] : memref<1x2000x128xf32, #tpu.memory_space<vmem>>, vector<1x2000x128xf32>
    %get3A_12 = vector.shape_cast %get3A_11 : vector<1x2000x128xf32> to vector<2000x128xf32>
    %get3A_13 = arith.constant 0 : index
    %get3A_14 = arith.constant 0 : index
    %get3A_15 = arith.constant 0 : index
    %get3A_16 = vector.load %arg2[%get3A_13, %get3A_14, %get3A_15] : memref<1x2000x128xf32, #tpu.memory_space<vmem>>, vector<1x2000x128xf32>
    %get3A_17 = vector.shape_cast %get3A_16 : vector<1x2000x128xf32> to vector<2000x128xf32>
    %concatenate3A = tpu.concatenate %get3A_12, %get3A_17 in 1 : vector<2000x128xf32>, vector<2000x128xf32> -> vector<2000x256xf32>
    %mul3A = vector.broadcast %rsqrt3A : vector<2000x1xf32> to vector<2000x256xf32>
    %mul3A_18 = arith.mulf %concatenate3A, %mul3A : vector<2000x256xf32>
    %get3A_19 = arith.constant 0 : index
    %get3A_20 = arith.constant 0 : index
    %get3A_21 = vector.load %arg3[%get3A_19, %get3A_20] : memref<2000x256xf32, #tpu.memory_space<vmem>>, vector<2000x256xf32>
    %add3A_22 = arith.addf %mul3A_18, %get3A_21 : vector<2000x256xf32>
    %max3A = arith.constant 0.000000e+00 : f32
    %max3A_23 = vector.broadcast %max3A : f32 to vector<2000x256xf32>
    %max3A_24 = arith.maximumf %add3A_22, %max3A_23 : vector<2000x256xf32>
    %swap3A = arith.constant 0 : index
    %swap3A_25 = arith.constant 0 : index
    %swap3A_26 = vector.load %arg5[%swap3A, %swap3A_25] : memref<2000x256xf32, #tpu.memory_space<vmem>>, vector<2000x256xf32>
    tpu.vector_store %arg5[%swap3A, %swap3A_25], %max3A_24 {strides = array<i32>} : memref<2000x256xf32, #tpu.memory_space<vmem>>, vector<2000x256xf32>,
    return
  }
  func.func @transform_0(%arg0: i32) -> (i32, i32, i32) {
    %c0_i32 = arith.constant 0 : i32
    %c0_i32_0 = arith.constant 0 : i32
    %c0_i32_1 = arith.constant 0 : i32
    return %c0_i32, %arg0, %c0_i32_0 : i32, i32, i32
  }
  func.func @transform_1(%arg0: i32) -> (i32, i32, i32) {
    %c1_i32 = arith.constant 1 : i32
    %c0_i32 = arith.constant 0 : i32
    %c0_i32_0 = arith.constant 0 : i32
    return %c1_i32, %arg0, %c0_i32 : i32, i32, i32
  }
  func.func @transform_2(%arg0: i32) -> (i32, i32) {
    %c0_i32 = arith.constant 0 : i32
    %c0_i32_0 = arith.constant 0 : i32
    return %arg0, %c0_i32 : i32, i32
  }
  func.func @transform_3(%arg0: i32) -> (i32, i32) {
    %c0_i32 = arith.constant 0 : i32
    %c0_i32_0 = arith.constant 0 : i32
    return %arg0, %c0_i32 : i32, i32
  }
  func.func @transform_4(%arg0: i32) -> (i32, i32) {
    %c0_i32 = arith.constant 0 : i32
    %c0_i32_0 = arith.constant 0 : i32
    return %arg0, %c0_i32 : i32, i32
  }
}

</mosaic_0001>

<sc_bundles>
// kernel: kernel.11.cloned.1.call-start
scs
__scs_entry_jumppad:
0x0: {  	(pc) =	sbr.rel $0x88, $3  }
0x1: {  	(tag) =	ssettag $0x0;
	lr =	simm.s32 $0x1  }
0x2: {  	[smem:$0x3F9B] =	sst lr;
	_ =	strace $0xD0000000  }
0x3: {  	_ = 	snop  }
0x4: {  	_ = 	snop  }
0x5: {  	_ = 	snop  }
0x6: {  	_ = 	snop  }
0x7: {  	_ = 	snop  }
__scs_overlays_trampoline_lowered:
0x8: {  	[smem:$0x3FAA] =	sst s0  }
0x9: {  	[smem:$0x3FAB] =	sst s1  }
0xa: {  	[smem:$0x3FAC] =	sst s2  }
0xb: {  	[smem:$0x3FAD] =	sst s3  }
0xc: {  	[smem:$0x3FAE] =	sst s4  }
0xd: {  	[smem:$0x3FAF] =	sst s5  }
0xe: {  	[smem:$0x3FB0] =	sst s6  }
0xf: {  	[smem:$0x3FB1] =	sst s7  }
0x10: {  	[smem:$0x3FB2] =	sst s8  }
0x11: {  	[smem:$0x3FB3] =	sst s9;
	s0 =	simm.s32 @!p0 $0x0  }
0x12: {  	s1 =	sld [smem:$0x3F99];
	s0 =	simm.s32 @p0 $0x1  }
0x13: {  	[smem:$0x3FB4] =	sst s0;
	s0 =	simm.s32 @!p1 $0x0  }
0x14: {  	s2 =	sld [smem:$0x3F98];
	s0 =	simm.s32 @p1 $0x1  }
0x15: {  	[smem:$0x3FB5] =	sst s0;
	s0 =	simm.s32 @!p2 $0x0  }
0x16: {  	s3 =	sld [smem:$0x3FDB];
	s0 =	simm.s32 @p2 $0x1  }
0x17: {  	s4 =	simm.s32 $0x1BF5;
	[smem:$0x3FB7] =	sst s0  }
0x18: {  	s0 =	sld [smem:$0x3F9A];
	_ =	swait.ge [sflag:s4], $0x0  }
0x19: {  	s7 =	sld [smem:$0x3F9B]  }
0x1a: {  	s8 =	sadd.s32 $0xFFFFE003, lr  }
0x1b: {  	s9 =	sadd.s32 $0xFFFFFEF7, lr;
	s5 =	simm.s32 $0xFFFFFFFF;
	p2 =	slt.u32 s8, $0xFFFFF086  }
0x1c: {  	p1 =	slt.u32 s9, $0xF7A;
	s5 =	simm.s32 @!p2 $0x0  }
0x1d: {  	s5 =	simm.s32 @p1 $0x1;
	p0 =	seq.s32 s7, s2  }
0x1e: {  	s7 =	smul.u32 @!p0 $0xF7A, s2;
	p2 =	seq.s32 @!p0 s5, $0x0  }
0x1f: {  	s9 =	smul.u32 $0xF7A, s1;
	s8 =	simm.s32 @!p0 $0x1BF5;
	p2 =	por !p2, p0  }
0x20: {  	[sflag:s8] =	ssyncset.s32 @!p0 $0xFFFFF086;
	s6 =	sadd.s32 @!p0 s3, s7;
	s7 =	simm.s32 @!p0 $0x108  }
0x21: {  	s3 =	sadd.s32 s3, s9;
	s6 =	sadd.s32 @!p0 $0x88, s6;
	s7 =	simm.s32 @p2 $0x1082  }
0x22: {  	[simem:s7], [sflag:s8] =	dma.local @!p0 [hbm:s6], $0xF7A  }
0x23: {  	s9 =	sor.u32 $0xD0000000, s2;
	s6 =	simm.s32 $0x108;
	_ =	swait.ge @!p0 [sflag:s8], $0x0  }
0x24: {  	s3 =	sadd.s32 $0x88, s3;
	s6 =	simm.s32 @!p1 $0x1082;
	[sflag:s4] =	ssyncset.s32 $0xFFFFF086  }
0x25: {  	[simem:s6], [sflag:s4] =	dma.local [hbm:s3], $0xF7A  }
0x26: {  	[smem:$0x3F9B] =	sst s1;
	(tag) =	ssettag s2;
	_ =	strace s9  }
0x27: {  	s1 =	sld [smem:$0x3FAB]  }
0x28: {  	s2 =	sld [smem:$0x3FAC]  }
0x29: {  	s4 =	sld [smem:$0x3FAE]  }
0x2a: {  	p0 =	seq.s32 s5, $0x0;
	s5 =	sld [smem:$0x3FAF]  }
0x2b: {  	s6 =	sld [smem:$0x3FB0]  }
0x2c: {  	s7 =	sld [smem:$0x3FB1]  }
0x2d: {  	s3 =	simm.s32 $0x108;
	s8 =	sld [smem:$0x3FB2]  }
0x2e: {  	s3 =	simm.s32 @!p0 $0x1082;
	s9 =	sld [smem:$0x3FB3]  }
0x2f: {  	lr =	sadd.s32 s0, s3;
	s0 =	sld [smem:$0x3FAA]  }
0x30: {  	s3 =	sld [smem:$0x3FAD]  }
0x31: {  	[smem:$0x3FB6] =	sst s10  }
0x32: {  	s10 =	sld [smem:$0x3FB4];
	_ =	sdelay $0x3  }
0x33: {  	p0 =	seq.s32 s10, $0x1;
	s10 =	sld [smem:$0x3FB6];
	_ =	sdelay $0x3  }
0x34: {  	[smem:$0x3FB6] =	sst s10  }
0x35: {  	s10 =	sld [smem:$0x3FB5];
	_ =	sdelay $0x3  }
0x36: {  	p1 =	seq.s32 s10, $0x1;
	s10 =	sld [smem:$0x3FB6];
	_ =	sdelay $0x3  }
0x37: {  	[smem:$0x3FB6] =	sst s10  }
0x38: {  	s10 =	sld [smem:$0x3FB7]  }
0x39: {  	_ = 	snop;
	(pc) =	sbr.ind lr, $3  }
0x3a: {  	_ = 	snop  }
0x3b: {  	_ = 	snop  }
0x3c: {  	p2 =	seq.s32 s10, $0x1;
	s10 =	sld [smem:$0x3FB6]  }
0x3d: {  	_ =	shalt  }
0x3e: {  	_ =	shalt  }
0x3f: {  	_ =	shalt  }
0x40: {  	_ =	shalt  }
0x41: {  	_ =	shalt  }
0x42: {  	_ =	shalt  }
0x43: {  	_ =	shalt  }
0x44: {  	_ =	shalt  }
0x45: {  	_ =	shalt  }
0x46: {  	_ =	shalt  }
0x47: {  	_ =	shalt  }
0x48: {  	_ =	shalt  }
0x49: {  	_ =	shalt  }
0x4a: {  	_ =	shalt  }
0x4b: {  	_ =	shalt  }
0x4c: {  	_ =	shalt  }
0x4d: {  	_ =	shalt  }
0x4e: {  	_ =	shalt  }
0x4f: {  	_ =	shalt  }
0x50: {  	_ =	shalt  }
0x51: {  	_ =	shalt  }
0x52: {  	_ =	shalt  }
0x53: {  	_ =	shalt  }
0x54: {  	_ =	shalt  }
0x55: {  	_ =	shalt  }
0x56: {  	_ =	shalt  }
0x57: {  	_ =	shalt  }
0x58: {  	_ =	shalt  }
0x59: {  	_ =	shalt  }
0x5a: {  	_ =	shalt  }
0x5b: {  	_ =	shalt  }
0x5c: {  	_ =	shalt  }
0x5d: {  	_ =	shalt  }
0x5e: {  	_ =	shalt  }
0x5f: {  	_ =	shalt  }
0x60: {  	_ =	shalt  }
0x61: {  	_ =	shalt  }
0x62: {  	_ =	shalt  }
0x63: {  	_ =	shalt  }
0x64: {  	_ =	shalt  }
0x65: {  	_ =	shalt  }
0x66: {  	_ =	shalt  }
0x67: {  	_ =	shalt  }
0x68: {  	_ =	shalt  }
0x69: {  	_ =	shalt  }
0x6a: {  	_ =	shalt  }
0x6b: {  	_ =	shalt  }
0x6c: {  	_ =	shalt  }
0x6d: {  	_ =	shalt  }
0x6e: {  	_ =	shalt  }
0x6f: {  	_ =	shalt  }
0x70: {  	_ =	shalt  }
0x71: {  	_ =	shalt  }
0x72: {  	_ =	shalt  }
0x73: {  	_ =	shalt  }
0x74: {  	_ =	shalt  }
0x75: {  	_ =	shalt  }
0x76: {  	_ =	shalt  }
0x77: {  	_ =	shalt  }
0x78: {  	_ =	shalt  }
0x79: {  	_ =	shalt  }
0x7a: {  	_ =	shalt  }
0x7b: {  	_ =	shalt  }
0x7c: {  	_ =	shalt  }
0x7d: {  	_ =	shalt  }
0x7e: {  	_ =	shalt  }
0x7f: {  	_ =	shalt  }
0x80: {  	_ =	shalt  }
0x81: {  	_ =	shalt  }
0x82: {  	_ =	shalt  }
0x83: {  	_ =	shalt  }
0x84: {  	_ =	shalt  }
0x85: {  	_ =	shalt  }
0x86: {  	_ =	shalt  }
0x87: {  	_ =	shalt  }
.Lfunc_end0:
.L_simem_size_0:
called_computation.1_lowered:
.L_overlay_start_0:
0x88: {  	s2 =	sld [smem:$0x3FD9]  }
0x89: {  	s3 =	sld [smem:$0x3FFE];
	_ =	sdelay $0x1  }
0x8a: {  	s1 =	srdreg.scid  }
0x8b: {  	s0 =	sand.u32 $0x1, s1  }
0x8c: {  	s16 =	sshll.u32 s0, $0xA;
	s2 =	sadd.s32 s3, s2  }
0x8d: {  	s2 =	sadd.s32 s2, s16  }
0x8e: {  	[smem:$0x3FC2] =	sst s2  }
0x8f: {  	_ = 	snop  }
0x90: {  	(tm) =	ssettm $0x1  }
0x91: {  	s17 =	sld [smem:$0x3FFB];
	_ =	sdelay $0x3  }
0x92: {  	_ =	strace s17  }
0x93: {  	s2 =	sld [smem:$0x3FFC];
	_ =	sdelay $0x3  }
0x94: {  	_ =	strace s2  }
0x95: {  	s2 =	sld [smem:$0x3FFD];
	_ =	sdelay $0x3  }
0x96: {  	_ =	strace s2  }
0x97: {  	_ =	strace $0x8FFFFFFF  }
0x98: {  	s18 =	sld [smem:$0x3FDB];
	_ =	sdelay $0x1  }
0x99: {  	s19 =	simm.s32 $_scs_section_size  }
0x9a: {  	s4 =	simm.s32 $_size__tile_overlayer_lowered;
	s5 =	simm.s32 $_tile_overlayer_lowered  }
0x9b: {  	s22 =	simm.s32 $0x1BFF;
	s21 =	sshll.u32 s5, $0x1;
	s2 =	sadd.s32 s19, s18  }
0x9c: {  	s6 =	simm.s32 $0x0;
	s20 =	sshll.u32 s4, $0x1;
	s4 =	sadd.s32 s21, s2  }
0x9d: {  	[timem:s6], [sflag:s22] =	dma.local [hbm:s4], s20  }
0x9e: {  	_ =	swait.ge [sflag:s22], s20  }
0x9f: {  	s3 =	ssub.s32 $0x0, s20;
	[sflag:s22] =	ssyncset.done $0x0  }
0xa0: {  	[sflag:s22] =	ssyncadd.s32 s3;
	_ =	sdelay $0x1  }
0xa1: {  	s23 =	simm.s32 $0x1B8B  }
0xa2: {  	_ =	swait.ge [sflag:s23], $0x1  }
0xa3: {  	[sflag:s23] =	ssyncset.done $0x0  }
0xa4: {  	s25 =	simm.s32 $0x1B8E;
	s24 =	sld [smem:$0x3FFE];
	[sflag:s23] =	ssyncadd.s32 $0xFFFFFFFF  }
0xa5: {  	s26 =	simm.s32 $execute0_lowered;
	[smem:$0x3FD2] =	sst s25  }
0xa6: {  	s4 =	sshll.u32 s26, $0x1;
	_ =	strace $0x80000049;
	[dreg:$0x1] =	wrdreg $0xFFFFFFFF  }
0xa7: {  	s28 =	simm.s32 $_size_execute0_lowered;
	s2 =	sadd.s32 s2, s4;
	[dreg:$0x0] =	wrdreg $0x0  }
0xa8: {  	s4 =	sshll.u32 s28, $0x1;
	[dreg:$0x2] =	wrdreg s2  }
0xa9: {  	[dreg:$0x3] =	wrdreg s4  }
0xaa: {  	[dreg:$0x4] =	wrdreg $0xC0  }
0xab: {  	_ =	task [dreg:s6], $0x5FFFF  }
0xac: {  	[dreg:$0x1] =	wrdreg $0xFFFFFFFF  }
0xad: {  	[dreg:$0x0] =	wrdreg $0x60  }
0xae: {  	[dreg:$0x2] =	wrdreg s24  }
0xaf: {  	[dreg:$0x3] =	wrdreg $0xA8000  }
0xb0: {  	[dreg:$0x4] =	wrdreg $0x9  }
0xb1: {  	_ =	task.clear_ibuf [dreg:s6], $0x5FFFF;
	_ =	strace $0x90000049  }
0xb2: {  	s29 =	simm.s32 $0x9;
	_ =	strace $0x8000004B  }
0xb3: {  	_ =	swait.ge [sflag:s29], $0x1  }
0xb4: {  	[sflag:s29] =	ssyncadd.s32 $0xFFFFFFFF  }
0xb5: {  	_ =	strace $0x9000004B  }
0xb6: {  	_ =	sfence  }
0xb7: {  	s30 =	sld [smem:$0x0];
	_ =	sdelay $0x2  }
0xb8: {  	s31 =	sshll.u32 s1, $0xD;
	s1 =	sshrl.u32 s1, $0x2  }
0xb9: {  	s3 =	sand.u32 $0x4000, s31;
	s1 =	sadd.s32 s1, s30  }
0xba: {  	s0 =	sor.u32 s3, s0;
	s1 =	sshll.u32 s1, $0x11  }
0xbb: {  	s0 =	sor.u32 s1, s0  }
0xbc: {  	s0 =	sadd.s32 $0x8F2B, s0  }
0xbd: {  	[sflag:s0] =	ssyncadd.remote.s32 $0x1  }
0xbe: {  	_ =	sfence.sel $0xFFFF  }
0xbf: {  	[dreg:$0x0] =	wrdreg $0xFFFFFFFF;
	(pc) =	sbr.abs _section_cstart, $3  }
0xc0: {  	[dreg:$0x1] =	wrdreg $0xFFFFFFFF  }
0xc1: {  	_ =	task.clear_ibuf [dreg:s6], $0x2FFFF;
	_ =	strace $0x9FFFFFFF  }
0xc2: {  	(tm) =	ssettm $0x7FFFFFFF  }
0xc3: {  	_ =	shalt  }
tec
execute0_lowered:
.L_overlay_start_1:
0x0: {  	(tag) =	ssettag $0x1  }
0x1: {  	s10 =	rddreg [dreg:$0x0]  }
0x2: {  	s2 =	rddreg [dreg:$0x1]  }
0x3: {  	s0 =	rddreg [dreg:$0x2];
	s3 =	simm.s32 $0x0  }
0x4: {  	s1 =	stileid.u32;
	s5 =	srdreg.scid;
	s15 =	simm.s32 $0x80  }
0x5: {  	s16 =	simm.s32 $0x2800;
	s17 =	simm.s32 $0x6800;
	s18 =	simm.s32 $0x1  }
0x6: {  	s19 =	simm.s32 $0x2;
	s20 =	simm.s32 $0x2700;
	s21 =	simm.s32 $0x2780  }
0x7: {  	[smem:$0x7FF] =	sst s3;
	s6 =	smul.u32 $0x500, s1;
	s4 =	sadd.s32 $0x33E00, s10  }
0x8: {  	s23 =	smul.u32 $0x2780, s1;
	s12 =	sand.u32 $0x1, s5;
	s5 =	sadd.s32 $0xCC00, s10  }
0x9: {  	s8 =	smul.u32 $0x4F000, s1;
	s31 =	sshll.u32 s1, $0x6;
	s24 =	sadd.s32 $0xAA000, s10  }
0xa: {  	_ =	strace $0x8000004A;
	s7 =	ssub.s32 $0x2, s12;
	p0 =	sne.s32 s12, $0x0  }
0xb: {  	s9 =	sadd.s32 s6, s10;
	s11 =	sadd.s32 s23, s10;
	s29 =	sshrl.u32 s7, $0x1  }
.Ltmp0:
0xc: {  	s30 =	sshrl.u32 s8, $0x2;
	s23 =	sadd.s32 s23, s24;
	(pc) =	sbr.rel .LBB2_1-.Ltmp0, $4  }
0xd: {  	s13 =	ssub.s32 s7, s29;
	s14 =	sadd.s32 s30, s2;
	s6 =	sadd.s32 $0x5B000, s11  }
0xe: {  	s7 =	sor.u32 $0x1C03, s31;
	s8 =	sadd.s32 $0x7C00, s9;
	s9 =	sadd.s32 $0x2400, s9  }
0xf: {  	s10 =	sadd.s32 $0x82800, s11;
	s11 =	smax.u32 s13, $0x1;
	s12 =	sshrl.u32 s14, $0x3  }
0x10: {  	s13 =	simm.s32 $0x3;
	s14 =	simm.s32 $0x1400;
	s22 =	sadd.s32 $0x280, s8  }
.LBB2_11:
0x11: {  	[tilespmem:s17], [sflag:$0x2] =	stream.indirect.gather [hbm4b:s5+s15], $0x80, s25, s15, $0xb8;
	[tilespmem:$0x1E400] =	vst v63  }
0x12: {  	_ =	swait.ge [sflag:s18], $0x4000  }
0x13: {  	[sflag:s18] =	ssyncset.done $0x0  }
0x14: {  	[sflag:s18] =	ssyncadd.s32 $0xFFFFC000  }
0x15: {  	[spmem:s2] =	stream.indirect.scatter.add.f32 [tilespmem:s16], [sflag:$0x3], $0x80, s20, s15, $0xb8;
	[tilespmem:$0x1E400] =	vst v63  }
0x16: {  	_ =	swait.ge [sflag:s13], $0x4000  }
0x17: {  	[sflag:s13] =	ssyncset.done $0x0  }
0x18: {  	[sflag:s13] =	ssyncadd.s32 $0xFFFFC000  }
0x19: {  	_ =	swait.ge [sflag:s19], $0x4000  }
0x1a: {  	[sflag:s19] =	ssyncset.done $0x0  }
0x1b: {  	[sflag:s19] =	ssyncadd.s32 $0xFFFFC000  }
0x1c: {  	[spmem:s2] =	stream.indirect.scatter.add.f32 [tilespmem:s17], [sflag:$0x3], $0x80, s21, s15, $0xb8;
	[tilespmem:$0x1E400] =	vst v63  }
0x1d: {  	_ =	swait.ge [sflag:s13], $0x4000  }
0x1e: {  	[sflag:s13] =	ssyncset.done $0x0  }
0x1f: {  	[sflag:s13] =	ssyncadd.s32 $0xFFFFC000  }
0x20: {  	s24 =	smov.u32 s23;
	[bflag:$0x0] =	sbarrier.arrive $0xFFFF  }
.LBB2_12:
0x21: {  	s3 =	sadd.s32 $0x1, s3  }
0x22: {  	p1 =	sne.s32 s3, s11  }
.Ltmp1:
0x23: {  	_ = 	snop;
	(pc) =	sbr.rel @!p1 .LBB2_13-.Ltmp1, $4  }
0x24: {  	[hbm:s24], [sflag:s7] =	dma.local [spmem:s12], $0x2780  }
0x25: {  	_ =	swait.ge [sflag:s13], $0x2780  }
0x26: {  	[sflag:s13] =	ssyncset.done $0x0  }
0x27: {  	[sflag:s13] =	ssyncadd.s32 $0xFFFFD880  }
.LBB2_1:
0x28: {  	[spmem:s12], [sflag:s7] =	dma.local [hbm:s6], $0x2780  }
.Ltmp2:
0x29: {  	_ =	swait.ge [sflag:s13], $0x2780;
	(pc) =	sbr.rel @p0 .LBB2_7-.Ltmp2, $4  }
0x2a: {  	[sflag:s13] =	ssyncset.done $0x0  }
0x2b: {  	[sflag:s13] =	ssyncadd.s32 $0xFFFFD880  }
0x2c: {  	[bflag:$0x0] =	sbarrier.arrive $0xFFFF  }
0x2d: {  	s24 =	simm.s32 $0x0  }
0x2e: {  	[tilespmem:s24], [sflag:$0x3] =	stream.linear.gather [hbm4b:s8+s24], $0x1400, $0x38;
	[tilespmem:$0x1E400] =	vst v63  }
0x2f: {  	_ =	swait.ge [sflag:s13], $0x1400  }
0x30: {  	[sflag:s13] =	ssyncset.done $0x0  }
0x31: {  	[sflag:s13] =	ssyncadd.s32 $0xFFFFEC00  }
0x32: {  	[tilespmem:s14], [sflag:$0x3] =	stream.linear.gather [hbm4b:s9+s24], $0x1400, $0x38;
	[tilespmem:$0x1E400] =	vst v63  }
0x33: {  	_ =	swait.ge [sflag:s13], $0x1400  }
0x34: {  	[sflag:s13] =	ssyncset.done $0x0  }
0x35: {  	[sflag:s13] =	ssyncadd.s32 $0xFFFFEC00  }
0x36: {  	[tilespmem:s16], [sflag:$0x1] =	stream.indirect.gather [hbm4b:s4+s15], $0x80, s24, s15, $0xb8;
	[tilespmem:$0x1E400] =	vst v63  }
0x37: {  	_ = 	snop  }
0x38: {  	[tilespmem:s17], [sflag:$0x2] =	stream.indirect.gather [hbm4b:s4+s15], $0x80, s15, s15, $0xb8;
	[tilespmem:$0x1E400] =	vst v63  }
0x39: {  	_ =	swait.ge [sflag:s18], $0x4000  }
0x3a: {  	[sflag:s18] =	ssyncset.done $0x0  }
0x3b: {  	s29 =	simm.s32 $0x1400;
	[sflag:s18] =	ssyncadd.s32 $0xFFFFC000  }
0x3c: {  	[spmem:s2] =	stream.indirect.scatter.add.f32 [tilespmem:s16], [sflag:$0x3], $0x80, s29, s15, $0xb8;
	[tilespmem:$0x1E400] =	vst v63  }
0x3d: {  	_ =	swait.ge [sflag:s13], $0x4000  }
0x3e: {  	[sflag:s13] =	ssyncset.done $0x0  }
0x3f: {  	s30 =	simm.s32 $0x100;
	[sflag:s13] =	ssyncadd.s32 $0xFFFFC000  }
0x40: {  	[tilespmem:s16], [sflag:$0x1] =	stream.indirect.gather [hbm4b:s4+s15], $0x80, s30, s15, $0xb8;
	[tilespmem:$0x1E400] =	vst v63  }
0x41: {  	_ =	swait.ge [sflag:s19], $0x4000  }
0x42: {  	[sflag:s19] =	ssyncset.done $0x0  }
0x43: {  	s31 =	simm.s32 $0x1480;
	[sflag:s19] =	ssyncadd.s32 $0xFFFFC000  }
0x44: {  	[spmem:s2] =	stream.indirect.scatter.add.f32 [tilespmem:s17], [sflag:$0x3], $0x80, s31, s15, $0xb8;
	[tilespmem:$0x1E400] =	vst v63  }
0x45: {  	_ =	swait.ge [sflag:s13], $0x4000  }
0x46: {  	[sflag:s13] =	ssyncset.done $0x0  }
0x47: {  	s25 =	simm.s32 $0x180;
	s24 =	simm.s32 $0x400;
	[sflag:s13] =	ssyncadd.s32 $0xFFFFC000  }
.LBB2_3:
0x48: {  	[tilespmem:s17], [sflag:$0x2] =	stream.indirect.gather [hbm4b:s4+s15], $0x80, s25, s15, $0xb8;
	[tilespmem:$0x1E400] =	vst v63  }
0x49: {  	s25 =	smov.u32 s24  }
0x4a: {  	p1 =	sne.s32 s24, $0x4800;
	s24 =	sadd.s32 $0x400, s24;
	_ =	swait.ge [sflag:s18], $0x4000  }
0x4b: {  	s25 =	sshra.s32 s25, $0x2;
	[sflag:s18] =	ssyncset.done $0x0  }
0x4c: {  	s26 =	sadd.s32 $0x1400, s25;
	[sflag:s18] =	ssyncadd.s32 $0xFFFFC000  }
0x4d: {  	[spmem:s2] =	stream.indirect.scatter.add.f32 [tilespmem:s16], [sflag:$0x3], $0x80, s26, s15, $0xb8;
	[tilespmem:$0x1E400] =	vst v63  }
0x4e: {  	_ =	swait.ge [sflag:s13], $0x4000  }
0x4f: {  	[sflag:s13] =	ssyncset.done $0x0  }
0x50: {  	s26 =	sadd.s32 $0x100, s25;
	[sflag:s13] =	ssyncadd.s32 $0xFFFFC000  }
0x51: {  	[tilespmem:s16], [sflag:$0x1] =	stream.indirect.gather [hbm4b:s4+s15], $0x80, s26, s15, $0xb8;
	[tilespmem:$0x1E400] =	vst v63  }
0x52: {  	_ =	swait.ge [sflag:s19], $0x4000  }
0x53: {  	[sflag:s19] =	ssyncset.done $0x0  }
.Ltmp3:
0x54: {  	s26 =	sadd.s32 $0x1480, s25;
	[sflag:s19] =	ssyncadd.s32 $0xFFFFC000;
	(pc) =	sbr.rel @p1 .LBB2_3-.Ltmp3, $4  }
0x55: {  	[spmem:s2] =	stream.indirect.scatter.add.f32 [tilespmem:s17], [sflag:$0x3], $0x80, s26, s15, $0xb8;
	[tilespmem:$0x1E400] =	vst v63  }
0x56: {  	_ =	swait.ge [sflag:s13], $0x4000  }
0x57: {  	[sflag:s13] =	ssyncset.done $0x0  }
0x58: {  	s25 =	sadd.s32 $0x180, s25;
	[sflag:s13] =	ssyncadd.s32 $0xFFFFC000  }
0x59: {  	[tilespmem:s17], [sflag:$0x2] =	stream.indirect.gather [hbm4b:s4+s15], $0x80, s25, s15, $0xb8;
	[tilespmem:$0x1E400] =	vst v63  }
0x5a: {  	_ =	swait.ge [sflag:s18], $0x4000  }
0x5b: {  	[sflag:s18] =	ssyncset.done $0x0  }
0x5c: {  	[sflag:s18] =	ssyncadd.s32 $0xFFFFC000  }
0x5d: {  	[spmem:s2] =	stream.indirect.scatter.add.f32 [tilespmem:s16], [sflag:$0x3], $0x80, s20, s15, $0xb8;
	[tilespmem:$0x1E400] =	vst v63  }
0x5e: {  	_ =	swait.ge [sflag:s13], $0x4000  }
0x5f: {  	[sflag:s13] =	ssyncset.done $0x0  }
0x60: {  	[sflag:s13] =	ssyncadd.s32 $0xFFFFC000  }
0x61: {  	_ =	swait.ge [sflag:s19], $0x4000  }
0x62: {  	[sflag:s19] =	ssyncset.done $0x0  }
0x63: {  	[sflag:s19] =	ssyncadd.s32 $0xFFFFC000  }
0x64: {  	[spmem:s2] =	stream.indirect.scatter.add.f32 [tilespmem:s17], [sflag:$0x3], $0x80, s21, s15, $0xb8;
	[tilespmem:$0x1E400] =	vst v63  }
0x65: {  	_ =	swait.ge [sflag:s13], $0x4000  }
0x66: {  	[sflag:s13] =	ssyncset.done $0x0  }
0x67: {  	s24 =	simm.s32 $0x0;
	[sflag:s13] =	ssyncadd.s32 $0xFFFFC000  }
0x68: {  	[tilespmem:s24], [sflag:$0x3] =	stream.linear.gather [hbm4b:s22+s24], $0x1400, $0x38;
	[tilespmem:$0x1E400] =	vst v63  }
0x69: {  	_ =	swait.ge [sflag:s13], $0x1400  }
0x6a: {  	[sflag:s13] =	ssyncset.done $0x0  }
0x6b: {  	s28 =	sadd.s32 $0x280, s9;
	[sflag:s13] =	ssyncadd.s32 $0xFFFFEC00  }
0x6c: {  	[tilespmem:s14], [sflag:$0x3] =	stream.linear.gather [hbm4b:s28+s24], $0x1400, $0x38;
	[tilespmem:$0x1E400] =	vst v63  }
0x6d: {  	_ =	swait.ge [sflag:s13], $0x1400  }
0x6e: {  	[sflag:s13] =	ssyncset.done $0x0  }
0x6f: {  	[sflag:s13] =	ssyncadd.s32 $0xFFFFEC00  }
0x70: {  	[tilespmem:s16], [sflag:$0x1] =	stream.indirect.gather [hbm4b:s4+s15], $0x80, s24, s15, $0xb8;
	[tilespmem:$0x1E400] =	vst v63  }
0x71: {  	_ = 	snop  }
0x72: {  	[tilespmem:s17], [sflag:$0x2] =	stream.indirect.gather [hbm4b:s4+s15], $0x80, s15, s15, $0xb8;
	[tilespmem:$0x1E400] =	vst v63  }
0x73: {  	_ =	swait.ge [sflag:s18], $0x4000  }
0x74: {  	[sflag:s18] =	ssyncset.done $0x0  }
0x75: {  	s29 =	simm.s32 $0x1400;
	[sflag:s18] =	ssyncadd.s32 $0xFFFFC000  }
0x76: {  	[spmem:s2] =	stream.indirect.scatter.add.f32 [tilespmem:s16], [sflag:$0x3], $0x80, s29, s15, $0xb8;
	[tilespmem:$0x1E400] =	vst v63  }
0x77: {  	_ =	swait.ge [sflag:s13], $0x4000  }
0x78: {  	[sflag:s13] =	ssyncset.done $0x0  }
0x79: {  	s30 =	simm.s32 $0x100;
	[sflag:s13] =	ssyncadd.s32 $0xFFFFC000  }
0x7a: {  	[tilespmem:s16], [sflag:$0x1] =	stream.indirect.gather [hbm4b:s4+s15], $0x80, s30, s15, $0xb8;
	[tilespmem:$0x1E400] =	vst v63  }
0x7b: {  	_ =	swait.ge [sflag:s19], $0x4000  }
0x7c: {  	[sflag:s19] =	ssyncset.done $0x0  }
0x7d: {  	s31 =	simm.s32 $0x1480;
	[sflag:s19] =	ssyncadd.s32 $0xFFFFC000  }
0x7e: {  	[spmem:s2] =	stream.indirect.scatter.add.f32 [tilespmem:s17], [sflag:$0x3], $0x80, s31, s15, $0xb8;
	[tilespmem:$0x1E400] =	vst v63  }
0x7f: {  	_ =	swait.ge [sflag:s13], $0x4000  }
0x80: {  	[sflag:s13] =	ssyncset.done $0x0  }
0x81: {  	s25 =	simm.s32 $0x180;
	s24 =	simm.s32 $0x400;
	[sflag:s13] =	ssyncadd.s32 $0xFFFFC000  }
.LBB2_5:
0x82: {  	[tilespmem:s17], [sflag:$0x2] =	stream.indirect.gather [hbm4b:s4+s15], $0x80, s25, s15, $0xb8;
	[tilespmem:$0x1E400] =	vst v63  }
0x83: {  	s25 =	smov.u32 s24  }
0x84: {  	p1 =	sne.s32 s24, $0x4800;
	s24 =	sadd.s32 $0x400, s24;
	_ =	swait.ge [sflag:s18], $0x4000  }
0x85: {  	s25 =	sshra.s32 s25, $0x2;
	[sflag:s18] =	ssyncset.done $0x0  }
0x86: {  	s26 =	sadd.s32 $0x1400, s25;
	[sflag:s18] =	ssyncadd.s32 $0xFFFFC000  }
0x87: {  	[spmem:s2] =	stream.indirect.scatter.add.f32 [tilespmem:s16], [sflag:$0x3], $0x80, s26, s15, $0xb8;
	[tilespmem:$0x1E400] =	vst v63  }
0x88: {  	_ =	swait.ge [sflag:s13], $0x4000  }
0x89: {  	[sflag:s13] =	ssyncset.done $0x0  }
0x8a: {  	s26 =	sadd.s32 $0x100, s25;
	[sflag:s13] =	ssyncadd.s32 $0xFFFFC000  }
0x8b: {  	[tilespmem:s16], [sflag:$0x1] =	stream.indirect.gather [hbm4b:s4+s15], $0x80, s26, s15, $0xb8;
	[tilespmem:$0x1E400] =	vst v63  }
0x8c: {  	_ =	swait.ge [sflag:s19], $0x4000  }
0x8d: {  	[sflag:s19] =	ssyncset.done $0x0  }
.Ltmp4:
0x8e: {  	s26 =	sadd.s32 $0x1480, s25;
	[sflag:s19] =	ssyncadd.s32 $0xFFFFC000;
	(pc) =	sbr.rel @p1 .LBB2_5-.Ltmp4, $4  }
0x8f: {  	[spmem:s2] =	stream.indirect.scatter.add.f32 [tilespmem:s17], [sflag:$0x3], $0x80, s26, s15, $0xb8;
	[tilespmem:$0x1E400] =	vst v63  }
0x90: {  	_ =	swait.ge [sflag:s13], $0x4000  }
0x91: {  	[sflag:s13] =	ssyncset.done $0x0  }
0x92: {  	s25 =	sadd.s32 $0x180, s25;
	[sflag:s13] =	ssyncadd.s32 $0xFFFFC000  }
0x93: {  	[tilespmem:s17], [sflag:$0x2] =	stream.indirect.gather [hbm4b:s4+s15], $0x80, s25, s15, $0xb8;
	[tilespmem:$0x1E400] =	vst v63  }
0x94: {  	_ =	swait.ge [sflag:s18], $0x4000  }
0x95: {  	[sflag:s18] =	ssyncset.done $0x0  }
0x96: {  	[sflag:s18] =	ssyncadd.s32 $0xFFFFC000  }
0x97: {  	[spmem:s2] =	stream.indirect.scatter.add.f32 [tilespmem:s16], [sflag:$0x3], $0x80, s20, s15, $0xb8;
	[tilespmem:$0x1E400] =	vst v63  }
0x98: {  	_ =	swait.ge [sflag:s13], $0x4000  }
0x99: {  	[sflag:s13] =	ssyncset.done $0x0  }
0x9a: {  	[sflag:s13] =	ssyncadd.s32 $0xFFFFC000  }
0x9b: {  	_ =	swait.ge [sflag:s19], $0x4000  }
0x9c: {  	[sflag:s19] =	ssyncset.done $0x0  }
0x9d: {  	[sflag:s19] =	ssyncadd.s32 $0xFFFFC000  }
0x9e: {  	[spmem:s2] =	stream.indirect.scatter.add.f32 [tilespmem:s17], [sflag:$0x3], $0x80, s21, s15, $0xb8;
	[tilespmem:$0x1E400] =	vst v63  }
.Ltmp5:
0x9f: {  	_ =	swait.ge [sflag:s13], $0x4000;
	(pc) =	sbr.rel .LBB2_12-.Ltmp5, $4  }
0xa0: {  	[sflag:s13] =	ssyncset.done $0x0  }
0xa1: {  	[sflag:s13] =	ssyncadd.s32 $0xFFFFC000  }
0xa2: {  	[bflag:$0x0] =	sbarrier.arrive $0xFFFF  }
0xa3: {  	s24 =	smov.u32 s10  }
.LBB2_7:
0xa4: {  	[tilespmem:s24], [sflag:$0x3] =	stream.linear.gather [hbm4b:s8+s24], $0x1400, $0x38;
	[tilespmem:$0x1E400] =	vst v63  }
0xa5: {  	_ =	swait.ge [sflag:s13], $0x1400  }
0xa6: {  	[sflag:s13] =	ssyncset.done $0x0  }
0xa7: {  	[sflag:s13] =	ssyncadd.s32 $0xFFFFEC00  }
0xa8: {  	[tilespmem:s14], [sflag:$0x3] =	stream.linear.gather [hbm4b:s9+s24], $0x1400, $0x38;
	[tilespmem:$0x1E400] =	vst v63  }
0xa9: {  	_ =	swait.ge [sflag:s13], $0x1400  }
0xaa: {  	[sflag:s13] =	ssyncset.done $0x0  }
0xab: {  	[sflag:s13] =	ssyncadd.s32 $0xFFFFEC00  }
0xac: {  	[tilespmem:s16], [sflag:$0x1] =	stream.indirect.gather [hbm4b:s5+s15], $0x80, s24, s15, $0xb8;
	[tilespmem:$0x1E400] =	vst v63  }
0xad: {  	_ = 	snop  }
0xae: {  	[tilespmem:s17], [sflag:$0x2] =	stream.indirect.gather [hbm4b:s5+s15], $0x80, s15, s15, $0xb8;
	[tilespmem:$0x1E400] =	vst v63  }
0xaf: {  	_ =	swait.ge [sflag:s18], $0x4000  }
0xb0: {  	[sflag:s18] =	ssyncset.done $0x0  }
0xb1: {  	s29 =	simm.s32 $0x1400;
	[sflag:s18] =	ssyncadd.s32 $0xFFFFC000  }
0xb2: {  	[spmem:s2] =	stream.indirect.scatter.add.f32 [tilespmem:s16], [sflag:$0x3], $0x80, s29, s15, $0xb8;
	[tilespmem:$0x1E400] =	vst v63  }
0xb3: {  	_ =	swait.ge [sflag:s13], $0x4000  }
0xb4: {  	[sflag:s13] =	ssyncset.done $0x0  }
0xb5: {  	s30 =	simm.s32 $0x100;
	[sflag:s13] =	ssyncadd.s32 $0xFFFFC000  }
0xb6: {  	[tilespmem:s16], [sflag:$0x1] =	stream.indirect.gather [hbm4b:s5+s15], $0x80, s30, s15, $0xb8;
	[tilespmem:$0x1E400] =	vst v63  }
0xb7: {  	_ =	swait.ge [sflag:s19], $0x4000  }
0xb8: {  	[sflag:s19] =	ssyncset.done $0x0  }
0xb9: {  	s31 =	simm.s32 $0x1480;
	[sflag:s19] =	ssyncadd.s32 $0xFFFFC000  }
0xba: {  	[spmem:s2] =	stream.indirect.scatter.add.f32 [tilespmem:s17], [sflag:$0x3], $0x80, s31, s15, $0xb8;
	[tilespmem:$0x1E400] =	vst v63  }
0xbb: {  	_ =	swait.ge [sflag:s13], $0x4000  }
0xbc: {  	[sflag:s13] =	ssyncset.done $0x0  }
0xbd: {  	s25 =	simm.s32 $0x180;
	s24 =	simm.s32 $0x400;
	[sflag:s13] =	ssyncadd.s32 $0xFFFFC000  }
.LBB2_8:
0xbe: {  	[tilespmem:s17], [sflag:$0x2] =	stream.indirect.gather [hbm4b:s5+s15], $0x80, s25, s15, $0xb8;
	[tilespmem:$0x1E400] =	vst v63  }
0xbf: {  	s25 =	smov.u32 s24  }
0xc0: {  	p1 =	sne.s32 s24, $0x4800;
	s24 =	sadd.s32 $0x400, s24;
	_ =	swait.ge [sflag:s18], $0x4000  }
0xc1: {  	s25 =	sshra.s32 s25, $0x2;
	[sflag:s18] =	ssyncset.done $0x0  }
0xc2: {  	s26 =	sadd.s32 $0x1400, s25;
	[sflag:s18] =	ssyncadd.s32 $0xFFFFC000  }
0xc3: {  	[spmem:s2] =	stream.indirect.scatter.add.f32 [tilespmem:s16], [sflag:$0x3], $0x80, s26, s15, $0xb8;
	[tilespmem:$0x1E400] =	vst v63  }
0xc4: {  	_ =	swait.ge [sflag:s13], $0x4000  }
0xc5: {  	[sflag:s13] =	ssyncset.done $0x0  }
0xc6: {  	s26 =	sadd.s32 $0x100, s25;
	[sflag:s13] =	ssyncadd.s32 $0xFFFFC000  }
0xc7: {  	[tilespmem:s16], [sflag:$0x1] =	stream.indirect.gather [hbm4b:s5+s15], $0x80, s26, s15, $0xb8;
	[tilespmem:$0x1E400] =	vst v63  }
0xc8: {  	_ =	swait.ge [sflag:s19], $0x4000  }
0xc9: {  	[sflag:s19] =	ssyncset.done $0x0  }
.Ltmp6:
0xca: {  	s26 =	sadd.s32 $0x1480, s25;
	[sflag:s19] =	ssyncadd.s32 $0xFFFFC000;
	(pc) =	sbr.rel @p1 .LBB2_8-.Ltmp6, $4  }
0xcb: {  	[spmem:s2] =	stream.indirect.scatter.add.f32 [tilespmem:s17], [sflag:$0x3], $0x80, s26, s15, $0xb8;
	[tilespmem:$0x1E400] =	vst v63  }
0xcc: {  	_ =	swait.ge [sflag:s13], $0x4000  }
0xcd: {  	[sflag:s13] =	ssyncset.done $0x0  }
0xce: {  	s25 =	sadd.s32 $0x180, s25;
	[sflag:s13] =	ssyncadd.s32 $0xFFFFC000  }
0xcf: {  	[tilespmem:s17], [sflag:$0x2] =	stream.indirect.gather [hbm4b:s5+s15], $0x80, s25, s15, $0xb8;
	[tilespmem:$0x1E400] =	vst v63  }
0xd0: {  	_ =	swait.ge [sflag:s18], $0x4000  }
0xd1: {  	[sflag:s18] =	ssyncset.done $0x0  }
0xd2: {  	[sflag:s18] =	ssyncadd.s32 $0xFFFFC000  }
0xd3: {  	[spmem:s2] =	stream.indirect.scatter.add.f32 [tilespmem:s16], [sflag:$0x3], $0x80, s20, s15, $0xb8;
	[tilespmem:$0x1E400] =	vst v63  }
0xd4: {  	_ =	swait.ge [sflag:s13], $0x4000  }
0xd5: {  	[sflag:s13] =	ssyncset.done $0x0  }
0xd6: {  	[sflag:s13] =	ssyncadd.s32 $0xFFFFC000  }
0xd7: {  	_ =	swait.ge [sflag:s19], $0x4000  }
0xd8: {  	[sflag:s19] =	ssyncset.done $0x0  }
0xd9: {  	[sflag:s19] =	ssyncadd.s32 $0xFFFFC000  }
0xda: {  	[spmem:s2] =	stream.indirect.scatter.add.f32 [tilespmem:s17], [sflag:$0x3], $0x80, s21, s15, $0xb8;
	[tilespmem:$0x1E400] =	vst v63  }
0xdb: {  	_ =	swait.ge [sflag:s13], $0x4000  }
0xdc: {  	[sflag:s13] =	ssyncset.done $0x0  }
0xdd: {  	s24 =	simm.s32 $0x0;
	[sflag:s13] =	ssyncadd.s32 $0xFFFFC000  }
0xde: {  	[tilespmem:s24], [sflag:$0x3] =	stream.linear.gather [hbm4b:s22+s24], $0x1400, $0x38;
	[tilespmem:$0x1E400] =	vst v63  }
0xdf: {  	_ =	swait.ge [sflag:s13], $0x1400  }
0xe0: {  	[sflag:s13] =	ssyncset.done $0x0  }
0xe1: {  	s28 =	sadd.s32 $0x280, s9;
	[sflag:s13] =	ssyncadd.s32 $0xFFFFEC00  }
0xe2: {  	[tilespmem:s14], [sflag:$0x3] =	stream.linear.gather [hbm4b:s28+s24], $0x1400, $0x38;
	[tilespmem:$0x1E400] =	vst v63  }
0xe3: {  	_ =	swait.ge [sflag:s13], $0x1400  }
0xe4: {  	[sflag:s13] =	ssyncset.done $0x0  }
0xe5: {  	[sflag:s13] =	ssyncadd.s32 $0xFFFFEC00  }
0xe6: {  	[tilespmem:s16], [sflag:$0x1] =	stream.indirect.gather [hbm4b:s5+s15], $0x80, s24, s15, $0xb8;
	[tilespmem:$0x1E400] =	vst v63  }
0xe7: {  	_ = 	snop  }
0xe8: {  	[tilespmem:s17], [sflag:$0x2] =	stream.indirect.gather [hbm4b:s5+s15], $0x80, s15, s15, $0xb8;
	[tilespmem:$0x1E400] =	vst v63  }
0xe9: {  	_ =	swait.ge [sflag:s18], $0x4000  }
0xea: {  	[sflag:s18] =	ssyncset.done $0x0  }
0xeb: {  	s29 =	simm.s32 $0x1400;
	[sflag:s18] =	ssyncadd.s32 $0xFFFFC000  }
0xec: {  	[spmem:s2] =	stream.indirect.scatter.add.f32 [tilespmem:s16], [sflag:$0x3], $0x80, s29, s15, $0xb8;
	[tilespmem:$0x1E400] =	vst v63  }
0xed: {  	_ =	swait.ge [sflag:s13], $0x4000  }
0xee: {  	[sflag:s13] =	ssyncset.done $0x0  }
0xef: {  	s30 =	simm.s32 $0x100;
	[sflag:s13] =	ssyncadd.s32 $0xFFFFC000  }
0xf0: {  	[tilespmem:s16], [sflag:$0x1] =	stream.indirect.gather [hbm4b:s5+s15], $0x80, s30, s15, $0xb8;
	[tilespmem:$0x1E400] =	vst v63  }
0xf1: {  	_ =	swait.ge [sflag:s19], $0x4000  }
0xf2: {  	[sflag:s19] =	ssyncset.done $0x0  }
0xf3: {  	s31 =	simm.s32 $0x1480;
	[sflag:s19] =	ssyncadd.s32 $0xFFFFC000  }
0xf4: {  	[spmem:s2] =	stream.indirect.scatter.add.f32 [tilespmem:s17], [sflag:$0x3], $0x80, s31, s15, $0xb8;
	[tilespmem:$0x1E400] =	vst v63  }
0xf5: {  	_ =	swait.ge [sflag:s13], $0x4000  }
0xf6: {  	[sflag:s13] =	ssyncset.done $0x0  }
0xf7: {  	s25 =	simm.s32 $0x180;
	s24 =	simm.s32 $0x400;
	[sflag:s13] =	ssyncadd.s32 $0xFFFFC000  }
.LBB2_10:
0xf8: {  	[tilespmem:s17], [sflag:$0x2] =	stream.indirect.gather [hbm4b:s5+s15], $0x80, s25, s15, $0xb8;
	[tilespmem:$0x1E400] =	vst v63  }
0xf9: {  	s25 =	smov.u32 s24  }
0xfa: {  	p1 =	sne.s32 s24, $0x4800;
	s24 =	sadd.s32 $0x400, s24;
	_ =	swait.ge [sflag:s18], $0x4000  }
0xfb: {  	s25 =	sshra.s32 s25, $0x2;
	[sflag:s18] =	ssyncset.done $0x0  }
0xfc: {  	s26 =	sadd.s32 $0x1400, s25;
	[sflag:s18] =	ssyncadd.s32 $0xFFFFC000  }
0xfd: {  	[spmem:s2] =	stream.indirect.scatter.add.f32 [tilespmem:s16], [sflag:$0x3], $0x80, s26, s15, $0xb8;
	[tilespmem:$0x1E400] =	vst v63  }
0xfe: {  	_ =	swait.ge [sflag:s13], $0x4000  }
0xff: {  	[sflag:s13] =	ssyncset.done $0x0  }
0x100: {  	s26 =	sadd.s32 $0x100, s25;
	[sflag:s13] =	ssyncadd.s32 $0xFFFFC000  }
0x101: {  	[tilespmem:s16], [sflag:$0x1] =	stream.indirect.gather [hbm4b:s5+s15], $0x80, s26, s15, $0xb8;
	[tilespmem:$0x1E400] =	vst v63  }
0x102: {  	_ =	swait.ge [sflag:s19], $0x4000  }
0x103: {  	[sflag:s19] =	ssyncset.done $0x0  }
.Ltmp7:
0x104: {  	s26 =	sadd.s32 $0x1480, s25;
	[sflag:s19] =	ssyncadd.s32 $0xFFFFC000;
	(pc) =	sbr.rel @p1 .LBB2_10-.Ltmp7, $4  }
0x105: {  	[spmem:s2] =	stream.indirect.scatter.add.f32 [tilespmem:s17], [sflag:$0x3], $0x80, s26, s15, $0xb8;
	[tilespmem:$0x1E400] =	vst v63  }
0x106: {  	_ =	swait.ge [sflag:s13], $0x4000  }
0x107: {  	[sflag:s13] =	ssyncset.done $0x0  }
0x108: {  	s25 =	sadd.s32 $0x180, s25;
	[sflag:s13] =	ssyncadd.s32 $0xFFFFC000  }
.Ltmp8:
0x109: {  	_ = 	snop;
	(pc) =	sbr.rel .LBB2_11-.Ltmp8, $1  }
0x10a: {  	_ =	sdelay $0x3  }
.LBB2_13:
0x10b: {  	_ =	sfence.sel $0x180000  }
0x10c: {  	[bflag:$0x0] =	sbarrier.arrive $0xFFFF  }
0x10d: {  	p0 =	sne.s32 s1, $0x0;
	_ =	strace $0x9000004A  }
0x10e: {  	s0 =	sadd.s32 @!p0 $0x100000, s0;
	[bflag:$0x2] =	sbarrier.arrive $0xFFFF  }
0x10f: {  	[sflag:s0] =	ssyncadd.tile.s32 @!p0 $0x1;
	_ =	shalt  }
.Lfunc_end2:
_tile_overlayer_lowered:
.L_overlay_start_2:
0x110: {  	(tag) =	ssettag $0x2  }
0x111: {  	s0 =	rddreg [dreg:$0x0];
	s2 =	stileid.u32  }
0x112: {  	s1 =	rddreg [dreg:$0x1];
	p0 =	sne.s32 s2, $0x0  }
0x113: {  	s3 =	rddreg [dreg:$0x2];
	[bflag:$0x3] =	sbarrier.arrive $0xFFFF;
	s2 =	simm.s32 @!p0 $0x1C03  }
0x114: {  	[timem:s3], [sflag:s2] =	dma.local @!p0 [hbm:s0], s1  }
0x115: {  	s0 =	simm.s32 @!p0 $0x3  }
0x116: {  	_ =	swait.ge @!p0 [sflag:s0], s1  }
0x117: {  	s1 =	ssub.s32 @!p0 $0x0, s1;
	[sflag:s0] =	ssyncset.done @!p0 $0x0  }
0x118: {  	[sflag:s0] =	ssyncadd.s32 @!p0 s1  }
0x119: {  	[bflag:$0x3] =	sbarrier.arrive $0xFFFF  }
0x11a: {  	_ =	shalt  }

// kernel: kernel.14.cloned.1.call-start
scs
__scs_entry_jumppad:
0x0: {  	(pc) =	sbr.rel $0x88, $3  }
0x1: {  	(tag) =	ssettag $0x0;
	lr =	simm.s32 $0x1  }
0x2: {  	[smem:$0x3F9B] =	sst lr;
	_ =	strace $0xD0000000  }
0x3: {  	_ = 	snop  }
0x4: {  	_ = 	snop  }
0x5: {  	_ = 	snop  }
0x6: {  	_ = 	snop  }
0x7: {  	_ = 	snop  }
__scs_overlays_trampoline_lowered:
0x8: {  	[smem:$0x3FAA] =	sst s0  }
0x9: {  	[smem:$0x3FAB] =	sst s1  }
0xa: {  	[smem:$0x3FAC] =	sst s2  }
0xb: {  	[smem:$0x3FAD] =	sst s3  }
0xc: {  	[smem:$0x3FAE] =	sst s4  }
0xd: {  	[smem:$0x3FAF] =	sst s5  }
0xe: {  	[smem:$0x3FB0] =	sst s6  }
0xf: {  	[smem:$0x3FB1] =	sst s7  }
0x10: {  	[smem:$0x3FB2] =	sst s8  }
0x11: {  	[smem:$0x3FB3] =	sst s9;
	s0 =	simm.s32 @!p0 $0x0  }
0x12: {  	s1 =	sld [smem:$0x3F99];
	s0 =	simm.s32 @p0 $0x1  }
0x13: {  	[smem:$0x3FB4] =	sst s0;
	s0 =	simm.s32 @!p1 $0x0  }
0x14: {  	s2 =	sld [smem:$0x3F98];
	s0 =	simm.s32 @p1 $0x1  }
0x15: {  	[smem:$0x3FB5] =	sst s0;
	s0 =	simm.s32 @!p2 $0x0  }
0x16: {  	s3 =	sld [smem:$0x3FDB];
	s0 =	simm.s32 @p2 $0x1  }
0x17: {  	s4 =	simm.s32 $0x1BF5;
	[smem:$0x3FB7] =	sst s0  }
0x18: {  	s0 =	sld [smem:$0x3F9A];
	_ =	swait.ge [sflag:s4], $0x0  }
0x19: {  	s7 =	sld [smem:$0x3F9B]  }
0x1a: {  	s8 =	sadd.s32 $0xFFFFE003, lr  }
0x1b: {  	s9 =	sadd.s32 $0xFFFFFEF7, lr;
	s5 =	simm.s32 $0xFFFFFFFF;
	p2 =	slt.u32 s8, $0xFFFFF086  }
0x1c: {  	p1 =	slt.u32 s9, $0xF7A;
	s5 =	simm.s32 @!p2 $0x0  }
0x1d: {  	s5 =	simm.s32 @p1 $0x1;
	p0 =	seq.s32 s7, s2  }
0x1e: {  	s7 =	smul.u32 @!p0 $0xF7A, s2;
	p2 =	seq.s32 @!p0 s5, $0x0  }
0x1f: {  	s9 =	smul.u32 $0xF7A, s1;
	s8 =	simm.s32 @!p0 $0x1BF5;
	p2 =	por !p2, p0  }
0x20: {  	[sflag:s8] =	ssyncset.s32 @!p0 $0xFFFFF086;
	s6 =	sadd.s32 @!p0 s3, s7;
	s7 =	simm.s32 @!p0 $0x108  }
0x21: {  	s3 =	sadd.s32 s3, s9;
	s6 =	sadd.s32 @!p0 $0x88, s6;
	s7 =	simm.s32 @p2 $0x1082  }
0x22: {  	[simem:s7], [sflag:s8] =	dma.local @!p0 [hbm:s6], $0xF7A  }
0x23: {  	s9 =	sor.u32 $0xD0000000, s2;
	s6 =	simm.s32 $0x108;
	_ =	swait.ge @!p0 [sflag:s8], $0x0  }
0x24: {  	s3 =	sadd.s32 $0x88, s3;
	s6 =	simm.s32 @!p1 $0x1082;
	[sflag:s4] =	ssyncset.s32 $0xFFFFF086  }
0x25: {  	[simem:s6], [sflag:s4] =	dma.local [hbm:s3], $0xF7A  }
0x26: {  	[smem:$0x3F9B] =	sst s1;
	(tag) =	ssettag s2;
	_ =	strace s9  }
0x27: {  	s1 =	sld [smem:$0x3FAB]  }
0x28: {  	s2 =	sld [smem:$0x3FAC]  }
0x29: {  	s4 =	sld [smem:$0x3FAE]  }
0x2a: {  	p0 =	seq.s32 s5, $0x0;
	s5 =	sld [smem:$0x3FAF]  }
0x2b: {  	s6 =	sld [smem:$0x3FB0]  }
0x2c: {  	s7 =	sld [smem:$0x3FB1]  }
0x2d: {  	s3 =	simm.s32 $0x108;
	s8 =	sld [smem:$0x3FB2]  }
0x2e: {  	s3 =	simm.s32 @!p0 $0x1082;
	s9 =	sld [smem:$0x3FB3]  }
0x2f: {  	lr =	sadd.s32 s0, s3;
	s0 =	sld [smem:$0x3FAA]  }
0x30: {  	s3 =	sld [smem:$0x3FAD]  }
0x31: {  	[smem:$0x3FB6] =	sst s10  }
0x32: {  	s10 =	sld [smem:$0x3FB4];
	_ =	sdelay $0x3  }
0x33: {  	p0 =	seq.s32 s10, $0x1;
	s10 =	sld [smem:$0x3FB6];
	_ =	sdelay $0x3  }
0x34: {  	[smem:$0x3FB6] =	sst s10  }
0x35: {  	s10 =	sld [smem:$0x3FB5];
	_ =	sdelay $0x3  }
0x36: {  	p1 =	seq.s32 s10, $0x1;
	s10 =	sld [smem:$0x3FB6];
	_ =	sdelay $0x3  }
0x37: {  	[smem:$0x3FB6] =	sst s10  }
0x38: {  	s10 =	sld [smem:$0x3FB7]  }
0x39: {  	_ = 	snop;
	(pc) =	sbr.ind lr, $3  }
0x3a: {  	_ = 	snop  }
0x3b: {  	_ = 	snop  }
0x3c: {  	p2 =	seq.s32 s10, $0x1;
	s10 =	sld [smem:$0x3FB6]  }
0x3d: {  	_ =	shalt  }
0x3e: {  	_ =	shalt  }
0x3f: {  	_ =	shalt  }
0x40: {  	_ =	shalt  }
0x41: {  	_ =	shalt  }
0x42: {  	_ =	shalt  }
0x43: {  	_ =	shalt  }
0x44: {  	_ =	shalt  }
0x45: {  	_ =	shalt  }
0x46: {  	_ =	shalt  }
0x47: {  	_ =	shalt  }
0x48: {  	_ =	shalt  }
0x49: {  	_ =	shalt  }
0x4a: {  	_ =	shalt  }
0x4b: {  	_ =	shalt  }
0x4c: {  	_ =	shalt  }
0x4d: {  	_ =	shalt  }
0x4e: {  	_ =	shalt  }
0x4f: {  	_ =	shalt  }
0x50: {  	_ =	shalt  }
0x51: {  	_ =	shalt  }
0x52: {  	_ =	shalt  }
0x53: {  	_ =	shalt  }
0x54: {  	_ =	shalt  }
0x55: {  	_ =	shalt  }
0x56: {  	_ =	shalt  }
0x57: {  	_ =	shalt  }
0x58: {  	_ =	shalt  }
0x59: {  	_ =	shalt  }
0x5a: {  	_ =	shalt  }
0x5b: {  	_ =	shalt  }
0x5c: {  	_ =	shalt  }
0x5d: {  	_ =	shalt  }
0x5e: {  	_ =	shalt  }
0x5f: {  	_ =	shalt  }
0x60: {  	_ =	shalt  }
0x61: {  	_ =	shalt  }
0x62: {  	_ =	shalt  }
0x63: {  	_ =	shalt  }
0x64: {  	_ =	shalt  }
0x65: {  	_ =	shalt  }
0x66: {  	_ =	shalt  }
0x67: {  	_ =	shalt  }
0x68: {  	_ =	shalt  }
0x69: {  	_ =	shalt  }
0x6a: {  	_ =	shalt  }
0x6b: {  	_ =	shalt  }
0x6c: {  	_ =	shalt  }
0x6d: {  	_ =	shalt  }
0x6e: {  	_ =	shalt  }
0x6f: {  	_ =	shalt  }
0x70: {  	_ =	shalt  }
0x71: {  	_ =	shalt  }
0x72: {  	_ =	shalt  }
0x73: {  	_ =	shalt  }
0x74: {  	_ =	shalt  }
0x75: {  	_ =	shalt  }
0x76: {  	_ =	shalt  }
0x77: {  	_ =	shalt  }
0x78: {  	_ =	shalt  }
0x79: {  	_ =	shalt  }
0x7a: {  	_ =	shalt  }
0x7b: {  	_ =	shalt  }
0x7c: {  	_ =	shalt  }
0x7d: {  	_ =	shalt  }
0x7e: {  	_ =	shalt  }
0x7f: {  	_ =	shalt  }
0x80: {  	_ =	shalt  }
0x81: {  	_ =	shalt  }
0x82: {  	_ =	shalt  }
0x83: {  	_ =	shalt  }
0x84: {  	_ =	shalt  }
0x85: {  	_ =	shalt  }
0x86: {  	_ =	shalt  }
0x87: {  	_ =	shalt  }
.Lfunc_end0:
.L_simem_size_0:
called_computation.2_lowered:
.L_overlay_start_0:
0x88: {  	s2 =	sld [smem:$0x3FD9]  }
0x89: {  	s3 =	sld [smem:$0x3FFE];
	_ =	sdelay $0x1  }
0x8a: {  	s1 =	srdreg.scid  }
0x8b: {  	s0 =	sand.u32 $0x1, s1  }
0x8c: {  	s17 =	sshll.u32 s0, $0xA;
	s2 =	sadd.s32 s3, s2  }
0x8d: {  	s2 =	sadd.s32 s2, s17  }
0x8e: {  	[smem:$0x3FC2] =	sst s2  }
0x8f: {  	_ = 	snop  }
0x90: {  	s2 =	sld [smem:$0x3FD0];
	(tm) =	ssettm $0x1  }
0x91: {  	s18 =	sld [smem:$0x3FFB];
	_ =	sdelay $0x3  }
0x92: {  	_ =	strace s18  }
0x93: {  	s3 =	sld [smem:$0x3FFC];
	_ =	sdelay $0x3  }
0x94: {  	_ =	strace s3  }
0x95: {  	s3 =	sld [smem:$0x3FFD];
	_ =	sdelay $0x3  }
0x96: {  	_ =	strace s3  }
0x97: {  	_ =	strace $0x8FFFFFFF  }
0x98: {  	s19 =	sld [smem:$0x3FDB];
	_ =	sdelay $0x1  }
0x99: {  	s4 =	simm.s32 $_scs_section_size  }
0x9a: {  	s5 =	simm.s32 $_size__tile_overlayer_lowered;
	s6 =	simm.s32 $_tile_overlayer_lowered  }
0x9b: {  	s22 =	simm.s32 $0x1BFF;
	s21 =	sshll.u32 s6, $0x1;
	s3 =	sadd.s32 s4, s19  }
0x9c: {  	s7 =	simm.s32 $0x0;
	s20 =	sshll.u32 s5, $0x1;
	s5 =	sadd.s32 s21, s3  }
0x9d: {  	[timem:s7], [sflag:s22] =	dma.local [hbm:s5], s20  }
0x9e: {  	_ =	swait.ge [sflag:s22], s20  }
0x9f: {  	s4 =	ssub.s32 $0x0, s20;
	[sflag:s22] =	ssyncset.done $0x0  }
0xa0: {  	[sflag:s22] =	ssyncadd.s32 s4;
	_ =	sdelay $0x1  }
0xa1: {  	s23 =	simm.s32 $0x1B8B  }
0xa2: {  	_ =	swait.ge [sflag:s23], $0x1  }
0xa3: {  	[sflag:s23] =	ssyncset.done $0x0  }
0xa4: {  	s25 =	simm.s32 $0x1B8E;
	s24 =	sld [smem:$0x3FFE];
	[sflag:s23] =	ssyncadd.s32 $0xFFFFFFFF  }
0xa5: {  	s26 =	simm.s32 $execute0_lowered;
	[smem:$0x3FD2] =	sst s25  }
0xa6: {  	s5 =	sshll.u32 s26, $0x1;
	_ =	strace $0x8000004C;
	[dreg:$0x1] =	wrdreg $0xFFFFFFFF  }
0xa7: {  	s28 =	simm.s32 $_size_execute0_lowered;
	s3 =	sadd.s32 s3, s5;
	[dreg:$0x0] =	wrdreg $0x0  }
0xa8: {  	s5 =	sshll.u32 s28, $0x1;
	[dreg:$0x2] =	wrdreg s3  }
0xa9: {  	[dreg:$0x3] =	wrdreg s5  }
0xaa: {  	[dreg:$0x4] =	wrdreg $0xC0  }
0xab: {  	_ =	task [dreg:s7], $0x5FFFF  }
0xac: {  	[dreg:$0x1] =	wrdreg $0xFFFFFFFF  }
0xad: {  	[dreg:$0x0] =	wrdreg $0x60  }
0xae: {  	[dreg:$0x2] =	wrdreg s2  }
0xaf: {  	[dreg:$0x3] =	wrdreg s24  }
0xb0: {  	[dreg:$0x4] =	wrdreg $0xA8000  }
0xb1: {  	[dreg:$0x5] =	wrdreg $0x9  }
0xb2: {  	_ =	task.clear_ibuf [dreg:s7], $0x6FFFF;
	_ =	strace $0x9000004C  }
0xb3: {  	s29 =	simm.s32 $0x9;
	_ =	strace $0x8000004E  }
0xb4: {  	_ =	swait.ge [sflag:s29], $0x1  }
0xb5: {  	[sflag:s29] =	ssyncadd.s32 $0xFFFFFFFF  }
0xb6: {  	_ =	strace $0x9000004E  }
0xb7: {  	_ =	sfence  }
0xb8: {  	s30 =	sld [smem:$0x0];
	_ =	sdelay $0x2  }
0xb9: {  	s31 =	sshll.u32 s1, $0xD;
	s1 =	sshrl.u32 s1, $0x2  }
0xba: {  	s3 =	sand.u32 $0x4000, s31;
	s1 =	sadd.s32 s1, s30  }
0xbb: {  	s0 =	sor.u32 s3, s0;
	s1 =	sshll.u32 s1, $0x11  }
0xbc: {  	s0 =	sor.u32 s1, s0  }
0xbd: {  	s0 =	sadd.s32 $0x8F2B, s0  }
0xbe: {  	[sflag:s0] =	ssyncadd.remote.s32 $0x1  }
0xbf: {  	_ =	sfence.sel $0xFFFF  }
0xc0: {  	[dreg:$0x0] =	wrdreg $0xFFFFFFFF;
	(pc) =	sbr.abs _section_cstart, $3  }
0xc1: {  	[dreg:$0x1] =	wrdreg $0xFFFFFFFF  }
0xc2: {  	_ =	task.clear_ibuf [dreg:s7], $0x2FFFF;
	_ =	strace $0x9FFFFFFF  }
0xc3: {  	(tm) =	ssettm $0x7FFFFFFF  }
tec
execute0_lowered:
.L_overlay_start_1:
0x0: {  	(tag) =	ssettag $0x1  }
0x1: {  	s1 =	rddreg [dreg:$0x0]  }
0x2: {  	s10 =	rddreg [dreg:$0x1]  }
0x3: {  	s3 =	rddreg [dreg:$0x2]  }
0x4: {  	s0 =	rddreg [dreg:$0x3]  }
0x5: {  	s4 =	simm.s32 $0x0;
	s2 =	stileid.u32;
	s5 =	srdreg.scid  }
0x6: {  	s15 =	simm.s32 $0x80;
	s16 =	simm.s32 $0x2800;
	s17 =	simm.s32 $0x6800  }
0x7: {  	s18 =	simm.s32 $0x1;
	s19 =	simm.s32 $0x2;
	s20 =	simm.s32 $0x2700  }
0x8: {  	s21 =	simm.s32 $0x2780;
	[smem:$0x7FF] =	sst s4;
	s6 =	smul.u32 $0x500, s2  }
0x9: {  	s23 =	smul.u32 $0x2780, s2;
	s12 =	sand.u32 $0x1, s5;
	s5 =	sadd.s32 $0x82800, s10  }
0xa: {  	s8 =	smul.u32 $0x4F000, s2;
	s31 =	sshll.u32 s2, $0x6;
	s24 =	sadd.s32 $0xD1200, s10  }
0xb: {  	_ =	strace $0x8000004D;
	s7 =	ssub.s32 $0x2, s12;
	p0 =	sne.s32 s12, $0x0  }
0xc: {  	s9 =	sadd.s32 s6, s10;
	s11 =	sadd.s32 s23, s10;
	s29 =	sshrl.u32 s7, $0x1  }
.Ltmp0:
0xd: {  	s30 =	sshrl.u32 s8, $0x2;
	s23 =	sadd.s32 s23, s24;
	(pc) =	sbr.rel .LBB2_1-.Ltmp0, $4  }
0xe: {  	s13 =	ssub.s32 s7, s29;
	s14 =	sadd.s32 s30, s3;
	s6 =	sadd.s32 $0x5B000, s11  }
0xf: {  	s7 =	sor.u32 $0x1C03, s31;
	s8 =	sadd.s32 $0x7C00, s9;
	s9 =	sadd.s32 $0x2400, s9  }
0x10: {  	s10 =	sadd.s32 $0xA9A00, s11;
	s11 =	smax.u32 s13, $0x1;
	s12 =	sshrl.u32 s14, $0x3  }
0x11: {  	s13 =	simm.s32 $0x3;
	s14 =	simm.s32 $0x1400;
	s22 =	sadd.s32 $0x280, s8  }
.LBB2_11:
0x12: {  	[tilespmem:s17], [sflag:$0x2] =	stream.indirect.gather [hbm4b:s5+s15], $0x80, s25, s15, $0xb8;
	[tilespmem:$0x1E400] =	vst v63  }
0x13: {  	_ =	swait.ge [sflag:s18], $0x4000  }
0x14: {  	[sflag:s18] =	ssyncset.done $0x0  }
0x15: {  	[sflag:s18] =	ssyncadd.s32 $0xFFFFC000  }
0x16: {  	[spmem:s3] =	stream.indirect.scatter.add.f32 [tilespmem:s16], [sflag:$0x3], $0x80, s20, s15, $0xb8;
	[tilespmem:$0x1E400] =	vst v63  }
0x17: {  	_ =	swait.ge [sflag:s13], $0x4000  }
0x18: {  	[sflag:s13] =	ssyncset.done $0x0  }
0x19: {  	[sflag:s13] =	ssyncadd.s32 $0xFFFFC000  }
0x1a: {  	_ =	swait.ge [sflag:s19], $0x4000  }
0x1b: {  	[sflag:s19] =	ssyncset.done $0x0  }
0x1c: {  	[sflag:s19] =	ssyncadd.s32 $0xFFFFC000  }
0x1d: {  	[spmem:s3] =	stream.indirect.scatter.add.f32 [tilespmem:s17], [sflag:$0x3], $0x80, s21, s15, $0xb8;
	[tilespmem:$0x1E400] =	vst v63  }
0x1e: {  	_ =	swait.ge [sflag:s13], $0x4000  }
0x1f: {  	[sflag:s13] =	ssyncset.done $0x0  }
0x20: {  	[sflag:s13] =	ssyncadd.s32 $0xFFFFC000  }
0x21: {  	s24 =	smov.u32 s23;
	[bflag:$0x0] =	sbarrier.arrive $0xFFFF  }
.LBB2_12:
0x22: {  	s4 =	sadd.s32 $0x1, s4  }
0x23: {  	p1 =	sne.s32 s4, s11  }
.Ltmp1:
0x24: {  	_ = 	snop;
	(pc) =	sbr.rel @!p1 .LBB2_13-.Ltmp1, $4  }
0x25: {  	[hbm:s24], [sflag:s7] =	dma.local [spmem:s12], $0x2780  }
0x26: {  	_ =	swait.ge [sflag:s13], $0x2780  }
0x27: {  	[sflag:s13] =	ssyncset.done $0x0  }
0x28: {  	[sflag:s13] =	ssyncadd.s32 $0xFFFFD880  }
.LBB2_1:
0x29: {  	[spmem:s12], [sflag:s7] =	dma.local [hbm:s6], $0x2780  }
.Ltmp2:
0x2a: {  	_ =	swait.ge [sflag:s13], $0x2780;
	(pc) =	sbr.rel @p0 .LBB2_7-.Ltmp2, $4  }
0x2b: {  	[sflag:s13] =	ssyncset.done $0x0  }
0x2c: {  	[sflag:s13] =	ssyncadd.s32 $0xFFFFD880  }
0x2d: {  	[bflag:$0x0] =	sbarrier.arrive $0xFFFF  }
0x2e: {  	s24 =	simm.s32 $0x0  }
0x2f: {  	[tilespmem:s24], [sflag:$0x3] =	stream.linear.gather [hbm4b:s8+s24], $0x1400, $0x38;
	[tilespmem:$0x1E400] =	vst v63  }
0x30: {  	_ =	swait.ge [sflag:s13], $0x1400  }
0x31: {  	[sflag:s13] =	ssyncset.done $0x0  }
0x32: {  	[sflag:s13] =	ssyncadd.s32 $0xFFFFEC00  }
0x33: {  	[tilespmem:s14], [sflag:$0x3] =	stream.linear.gather [hbm4b:s9+s24], $0x1400, $0x38;
	[tilespmem:$0x1E400] =	vst v63  }
0x34: {  	_ =	swait.ge [sflag:s13], $0x1400  }
0x35: {  	[sflag:s13] =	ssyncset.done $0x0  }
0x36: {  	[sflag:s13] =	ssyncadd.s32 $0xFFFFEC00  }
0x37: {  	[tilespmem:s16], [sflag:$0x1] =	stream.indirect.gather [hbm4b:s1+s15], $0x80, s24, s15, $0xb8;
	[tilespmem:$0x1E400] =	vst v63  }
0x38: {  	_ = 	snop  }
0x39: {  	[tilespmem:s17], [sflag:$0x2] =	stream.indirect.gather [hbm4b:s1+s15], $0x80, s15, s15, $0xb8;
	[tilespmem:$0x1E400] =	vst v63  }
0x3a: {  	_ =	swait.ge [sflag:s18], $0x4000  }
0x3b: {  	[sflag:s18] =	ssyncset.done $0x0  }
0x3c: {  	s29 =	simm.s32 $0x1400;
	[sflag:s18] =	ssyncadd.s32 $0xFFFFC000  }
0x3d: {  	[spmem:s3] =	stream.indirect.scatter.add.f32 [tilespmem:s16], [sflag:$0x3], $0x80, s29, s15, $0xb8;
	[tilespmem:$0x1E400] =	vst v63  }
0x3e: {  	_ =	swait.ge [sflag:s13], $0x4000  }
0x3f: {  	[sflag:s13] =	ssyncset.done $0x0  }
0x40: {  	s30 =	simm.s32 $0x100;
	[sflag:s13] =	ssyncadd.s32 $0xFFFFC000  }
0x41: {  	[tilespmem:s16], [sflag:$0x1] =	stream.indirect.gather [hbm4b:s1+s15], $0x80, s30, s15, $0xb8;
	[tilespmem:$0x1E400] =	vst v63  }
0x42: {  	_ =	swait.ge [sflag:s19], $0x4000  }
0x43: {  	[sflag:s19] =	ssyncset.done $0x0  }
0x44: {  	s31 =	simm.s32 $0x1480;
	[sflag:s19] =	ssyncadd.s32 $0xFFFFC000  }
0x45: {  	[spmem:s3] =	stream.indirect.scatter.add.f32 [tilespmem:s17], [sflag:$0x3], $0x80, s31, s15, $0xb8;
	[tilespmem:$0x1E400] =	vst v63  }
0x46: {  	_ =	swait.ge [sflag:s13], $0x4000  }
0x47: {  	[sflag:s13] =	ssyncset.done $0x0  }
0x48: {  	s25 =	simm.s32 $0x180;
	s24 =	simm.s32 $0x400;
	[sflag:s13] =	ssyncadd.s32 $0xFFFFC000  }
.LBB2_3:
0x49: {  	[tilespmem:s17], [sflag:$0x2] =	stream.indirect.gather [hbm4b:s1+s15], $0x80, s25, s15, $0xb8;
	[tilespmem:$0x1E400] =	vst v63  }
0x4a: {  	s25 =	smov.u32 s24  }
0x4b: {  	p1 =	sne.s32 s24, $0x4800;
	s24 =	sadd.s32 $0x400, s24;
	_ =	swait.ge [sflag:s18], $0x4000  }
0x4c: {  	s25 =	sshra.s32 s25, $0x2;
	[sflag:s18] =	ssyncset.done $0x0  }
0x4d: {  	s26 =	sadd.s32 $0x1400, s25;
	[sflag:s18] =	ssyncadd.s32 $0xFFFFC000  }
0x4e: {  	[spmem:s3] =	stream.indirect.scatter.add.f32 [tilespmem:s16], [sflag:$0x3], $0x80, s26, s15, $0xb8;
	[tilespmem:$0x1E400] =	vst v63  }
0x4f: {  	_ =	swait.ge [sflag:s13], $0x4000  }
0x50: {  	[sflag:s13] =	ssyncset.done $0x0  }
0x51: {  	s26 =	sadd.s32 $0x100, s25;
	[sflag:s13] =	ssyncadd.s32 $0xFFFFC000  }
0x52: {  	[tilespmem:s16], [sflag:$0x1] =	stream.indirect.gather [hbm4b:s1+s15], $0x80, s26, s15, $0xb8;
	[tilespmem:$0x1E400] =	vst v63  }
0x53: {  	_ =	swait.ge [sflag:s19], $0x4000  }
0x54: {  	[sflag:s19] =	ssyncset.done $0x0  }
.Ltmp3:
0x55: {  	s26 =	sadd.s32 $0x1480, s25;
	[sflag:s19] =	ssyncadd.s32 $0xFFFFC000;
	(pc) =	sbr.rel @p1 .LBB2_3-.Ltmp3, $4  }
0x56: {  	[spmem:s3] =	stream.indirect.scatter.add.f32 [tilespmem:s17], [sflag:$0x3], $0x80, s26, s15, $0xb8;
	[tilespmem:$0x1E400] =	vst v63  }
0x57: {  	_ =	swait.ge [sflag:s13], $0x4000  }
0x58: {  	[sflag:s13] =	ssyncset.done $0x0  }
0x59: {  	s25 =	sadd.s32 $0x180, s25;
	[sflag:s13] =	ssyncadd.s32 $0xFFFFC000  }
0x5a: {  	[tilespmem:s17], [sflag:$0x2] =	stream.indirect.gather [hbm4b:s1+s15], $0x80, s25, s15, $0xb8;
	[tilespmem:$0x1E400] =	vst v63  }
0x5b: {  	_ =	swait.ge [sflag:s18], $0x4000  }
0x5c: {  	[sflag:s18] =	ssyncset.done $0x0  }
0x5d: {  	[sflag:s18] =	ssyncadd.s32 $0xFFFFC000  }
0x5e: {  	[spmem:s3] =	stream.indirect.scatter.add.f32 [tilespmem:s16], [sflag:$0x3], $0x80, s20, s15, $0xb8;
	[tilespmem:$0x1E400] =	vst v63  }
0x5f: {  	_ =	swait.ge [sflag:s13], $0x4000  }
0x60: {  	[sflag:s13] =	ssyncset.done $0x0  }
0x61: {  	[sflag:s13] =	ssyncadd.s32 $0xFFFFC000  }
0x62: {  	_ =	swait.ge [sflag:s19], $0x4000  }
0x63: {  	[sflag:s19] =	ssyncset.done $0x0  }
0x64: {  	[sflag:s19] =	ssyncadd.s32 $0xFFFFC000  }
0x65: {  	[spmem:s3] =	stream.indirect.scatter.add.f32 [tilespmem:s17], [sflag:$0x3], $0x80, s21, s15, $0xb8;
	[tilespmem:$0x1E400] =	vst v63  }
0x66: {  	_ =	swait.ge [sflag:s13], $0x4000  }
0x67: {  	[sflag:s13] =	ssyncset.done $0x0  }
0x68: {  	s24 =	simm.s32 $0x0;
	[sflag:s13] =	ssyncadd.s32 $0xFFFFC000  }
0x69: {  	[tilespmem:s24], [sflag:$0x3] =	stream.linear.gather [hbm4b:s22+s24], $0x1400, $0x38;
	[tilespmem:$0x1E400] =	vst v63  }
0x6a: {  	_ =	swait.ge [sflag:s13], $0x1400  }
0x6b: {  	[sflag:s13] =	ssyncset.done $0x0  }
0x6c: {  	s28 =	sadd.s32 $0x280, s9;
	[sflag:s13] =	ssyncadd.s32 $0xFFFFEC00  }
0x6d: {  	[tilespmem:s14], [sflag:$0x3] =	stream.linear.gather [hbm4b:s28+s24], $0x1400, $0x38;
	[tilespmem:$0x1E400] =	vst v63  }
0x6e: {  	_ =	swait.ge [sflag:s13], $0x1400  }
0x6f: {  	[sflag:s13] =	ssyncset.done $0x0  }
0x70: {  	[sflag:s13] =	ssyncadd.s32 $0xFFFFEC00  }
0x71: {  	[tilespmem:s16], [sflag:$0x1] =	stream.indirect.gather [hbm4b:s1+s15], $0x80, s24, s15, $0xb8;
	[tilespmem:$0x1E400] =	vst v63  }
0x72: {  	_ = 	snop  }
0x73: {  	[tilespmem:s17], [sflag:$0x2] =	stream.indirect.gather [hbm4b:s1+s15], $0x80, s15, s15, $0xb8;
	[tilespmem:$0x1E400] =	vst v63  }
0x74: {  	_ =	swait.ge [sflag:s18], $0x4000  }
0x75: {  	[sflag:s18] =	ssyncset.done $0x0  }
0x76: {  	s29 =	simm.s32 $0x1400;
	[sflag:s18] =	ssyncadd.s32 $0xFFFFC000  }
0x77: {  	[spmem:s3] =	stream.indirect.scatter.add.f32 [tilespmem:s16], [sflag:$0x3], $0x80, s29, s15, $0xb8;
	[tilespmem:$0x1E400] =	vst v63  }
0x78: {  	_ =	swait.ge [sflag:s13], $0x4000  }
0x79: {  	[sflag:s13] =	ssyncset.done $0x0  }
0x7a: {  	s30 =	simm.s32 $0x100;
	[sflag:s13] =	ssyncadd.s32 $0xFFFFC000  }
0x7b: {  	[tilespmem:s16], [sflag:$0x1] =	stream.indirect.gather [hbm4b:s1+s15], $0x80, s30, s15, $0xb8;
	[tilespmem:$0x1E400] =	vst v63  }
0x7c: {  	_ =	swait.ge [sflag:s19], $0x4000  }
0x7d: {  	[sflag:s19] =	ssyncset.done $0x0  }
0x7e: {  	s31 =	simm.s32 $0x1480;
	[sflag:s19] =	ssyncadd.s32 $0xFFFFC000  }
0x7f: {  	[spmem:s3] =	stream.indirect.scatter.add.f32 [tilespmem:s17], [sflag:$0x3], $0x80, s31, s15, $0xb8;
	[tilespmem:$0x1E400] =	vst v63  }
0x80: {  	_ =	swait.ge [sflag:s13], $0x4000  }
0x81: {  	[sflag:s13] =	ssyncset.done $0x0  }
0x82: {  	s25 =	simm.s32 $0x180;
	s24 =	simm.s32 $0x400;
	[sflag:s13] =	ssyncadd.s32 $0xFFFFC000  }
.LBB2_5:
0x83: {  	[tilespmem:s17], [sflag:$0x2] =	stream.indirect.gather [hbm4b:s1+s15], $0x80, s25, s15, $0xb8;
	[tilespmem:$0x1E400] =	vst v63  }
0x84: {  	s25 =	smov.u32 s24  }
0x85: {  	p1 =	sne.s32 s24, $0x4800;
	s24 =	sadd.s32 $0x400, s24;
	_ =	swait.ge [sflag:s18], $0x4000  }
0x86: {  	s25 =	sshra.s32 s25, $0x2;
	[sflag:s18] =	ssyncset.done $0x0  }
0x87: {  	s26 =	sadd.s32 $0x1400, s25;
	[sflag:s18] =	ssyncadd.s32 $0xFFFFC000  }
0x88: {  	[spmem:s3] =	stream.indirect.scatter.add.f32 [tilespmem:s16], [sflag:$0x3], $0x80, s26, s15, $0xb8;
	[tilespmem:$0x1E400] =	vst v63  }
0x89: {  	_ =	swait.ge [sflag:s13], $0x4000  }
0x8a: {  	[sflag:s13] =	ssyncset.done $0x0  }
0x8b: {  	s26 =	sadd.s32 $0x100, s25;
	[sflag:s13] =	ssyncadd.s32 $0xFFFFC000  }
0x8c: {  	[tilespmem:s16], [sflag:$0x1] =	stream.indirect.gather [hbm4b:s1+s15], $0x80, s26, s15, $0xb8;
	[tilespmem:$0x1E400] =	vst v63  }
0x8d: {  	_ =	swait.ge [sflag:s19], $0x4000  }
0x8e: {  	[sflag:s19] =	ssyncset.done $0x0  }
.Ltmp4:
0x8f: {  	s26 =	sadd.s32 $0x1480, s25;
	[sflag:s19] =	ssyncadd.s32 $0xFFFFC000;
	(pc) =	sbr.rel @p1 .LBB2_5-.Ltmp4, $4  }
0x90: {  	[spmem:s3] =	stream.indirect.scatter.add.f32 [tilespmem:s17], [sflag:$0x3], $0x80, s26, s15, $0xb8;
	[tilespmem:$0x1E400] =	vst v63  }
0x91: {  	_ =	swait.ge [sflag:s13], $0x4000  }
0x92: {  	[sflag:s13] =	ssyncset.done $0x0  }
0x93: {  	s25 =	sadd.s32 $0x180, s25;
	[sflag:s13] =	ssyncadd.s32 $0xFFFFC000  }
0x94: {  	[tilespmem:s17], [sflag:$0x2] =	stream.indirect.gather [hbm4b:s1+s15], $0x80, s25, s15, $0xb8;
	[tilespmem:$0x1E400] =	vst v63  }
0x95: {  	_ =	swait.ge [sflag:s18], $0x4000  }
0x96: {  	[sflag:s18] =	ssyncset.done $0x0  }
0x97: {  	[sflag:s18] =	ssyncadd.s32 $0xFFFFC000  }
0x98: {  	[spmem:s3] =	stream.indirect.scatter.add.f32 [tilespmem:s16], [sflag:$0x3], $0x80, s20, s15, $0xb8;
	[tilespmem:$0x1E400] =	vst v63  }
0x99: {  	_ =	swait.ge [sflag:s13], $0x4000  }
0x9a: {  	[sflag:s13] =	ssyncset.done $0x0  }
0x9b: {  	[sflag:s13] =	ssyncadd.s32 $0xFFFFC000  }
0x9c: {  	_ =	swait.ge [sflag:s19], $0x4000  }
0x9d: {  	[sflag:s19] =	ssyncset.done $0x0  }
0x9e: {  	[sflag:s19] =	ssyncadd.s32 $0xFFFFC000  }
0x9f: {  	[spmem:s3] =	stream.indirect.scatter.add.f32 [tilespmem:s17], [sflag:$0x3], $0x80, s21, s15, $0xb8;
	[tilespmem:$0x1E400] =	vst v63  }
.Ltmp5:
0xa0: {  	_ =	swait.ge [sflag:s13], $0x4000;
	(pc) =	sbr.rel .LBB2_12-.Ltmp5, $4  }
0xa1: {  	[sflag:s13] =	ssyncset.done $0x0  }
0xa2: {  	[sflag:s13] =	ssyncadd.s32 $0xFFFFC000  }
0xa3: {  	[bflag:$0x0] =	sbarrier.arrive $0xFFFF  }
0xa4: {  	s24 =	smov.u32 s10  }
.LBB2_7:
0xa5: {  	[tilespmem:s24], [sflag:$0x3] =	stream.linear.gather [hbm4b:s8+s24], $0x1400, $0x38;
	[tilespmem:$0x1E400] =	vst v63  }
0xa6: {  	_ =	swait.ge [sflag:s13], $0x1400  }
0xa7: {  	[sflag:s13] =	ssyncset.done $0x0  }
0xa8: {  	[sflag:s13] =	ssyncadd.s32 $0xFFFFEC00  }
0xa9: {  	[tilespmem:s14], [sflag:$0x3] =	stream.linear.gather [hbm4b:s9+s24], $0x1400, $0x38;
	[tilespmem:$0x1E400] =	vst v63  }
0xaa: {  	_ =	swait.ge [sflag:s13], $0x1400  }
0xab: {  	[sflag:s13] =	ssyncset.done $0x0  }
0xac: {  	[sflag:s13] =	ssyncadd.s32 $0xFFFFEC00  }
0xad: {  	[tilespmem:s16], [sflag:$0x1] =	stream.indirect.gather [hbm4b:s5+s15], $0x80, s24, s15, $0xb8;
	[tilespmem:$0x1E400] =	vst v63  }
0xae: {  	_ = 	snop  }
0xaf: {  	[tilespmem:s17], [sflag:$0x2] =	stream.indirect.gather [hbm4b:s5+s15], $0x80, s15, s15, $0xb8;
	[tilespmem:$0x1E400] =	vst v63  }
0xb0: {  	_ =	swait.ge [sflag:s18], $0x4000  }
0xb1: {  	[sflag:s18] =	ssyncset.done $0x0  }
0xb2: {  	s29 =	simm.s32 $0x1400;
	[sflag:s18] =	ssyncadd.s32 $0xFFFFC000  }
0xb3: {  	[spmem:s3] =	stream.indirect.scatter.add.f32 [tilespmem:s16], [sflag:$0x3], $0x80, s29, s15, $0xb8;
	[tilespmem:$0x1E400] =	vst v63  }
0xb4: {  	_ =	swait.ge [sflag:s13], $0x4000  }
0xb5: {  	[sflag:s13] =	ssyncset.done $0x0  }
0xb6: {  	s30 =	simm.s32 $0x100;
	[sflag:s13] =	ssyncadd.s32 $0xFFFFC000  }
0xb7: {  	[tilespmem:s16], [sflag:$0x1] =	stream.indirect.gather [hbm4b:s5+s15], $0x80, s30, s15, $0xb8;
	[tilespmem:$0x1E400] =	vst v63  }
0xb8: {  	_ =	swait.ge [sflag:s19], $0x4000  }
0xb9: {  	[sflag:s19] =	ssyncset.done $0x0  }
0xba: {  	s31 =	simm.s32 $0x1480;
	[sflag:s19] =	ssyncadd.s32 $0xFFFFC000  }
0xbb: {  	[spmem:s3] =	stream.indirect.scatter.add.f32 [tilespmem:s17], [sflag:$0x3], $0x80, s31, s15, $0xb8;
	[tilespmem:$0x1E400] =	vst v63  }
0xbc: {  	_ =	swait.ge [sflag:s13], $0x4000  }
0xbd: {  	[sflag:s13] =	ssyncset.done $0x0  }
0xbe: {  	s25 =	simm.s32 $0x180;
	s24 =	simm.s32 $0x400;
	[sflag:s13] =	ssyncadd.s32 $0xFFFFC000  }
.LBB2_8:
0xbf: {  	[tilespmem:s17], [sflag:$0x2] =	stream.indirect.gather [hbm4b:s5+s15], $0x80, s25, s15, $0xb8;
	[tilespmem:$0x1E400] =	vst v63  }
0xc0: {  	s25 =	smov.u32 s24  }
0xc1: {  	p1 =	sne.s32 s24, $0x4800;
	s24 =	sadd.s32 $0x400, s24;
	_ =	swait.ge [sflag:s18], $0x4000  }
0xc2: {  	s25 =	sshra.s32 s25, $0x2;
	[sflag:s18] =	ssyncset.done $0x0  }
0xc3: {  	s26 =	sadd.s32 $0x1400, s25;
	[sflag:s18] =	ssyncadd.s32 $0xFFFFC000  }
0xc4: {  	[spmem:s3] =	stream.indirect.scatter.add.f32 [tilespmem:s16], [sflag:$0x3], $0x80, s26, s15, $0xb8;
	[tilespmem:$0x1E400] =	vst v63  }
0xc5: {  	_ =	swait.ge [sflag:s13], $0x4000  }
0xc6: {  	[sflag:s13] =	ssyncset.done $0x0  }
0xc7: {  	s26 =	sadd.s32 $0x100, s25;
	[sflag:s13] =	ssyncadd.s32 $0xFFFFC000  }
0xc8: {  	[tilespmem:s16], [sflag:$0x1] =	stream.indirect.gather [hbm4b:s5+s15], $0x80, s26, s15, $0xb8;
	[tilespmem:$0x1E400] =	vst v63  }
0xc9: {  	_ =	swait.ge [sflag:s19], $0x4000  }
0xca: {  	[sflag:s19] =	ssyncset.done $0x0  }
.Ltmp6:
0xcb: {  	s26 =	sadd.s32 $0x1480, s25;
	[sflag:s19] =	ssyncadd.s32 $0xFFFFC000;
	(pc) =	sbr.rel @p1 .LBB2_8-.Ltmp6, $4  }
0xcc: {  	[spmem:s3] =	stream.indirect.scatter.add.f32 [tilespmem:s17], [sflag:$0x3], $0x80, s26, s15, $0xb8;
	[tilespmem:$0x1E400] =	vst v63  }
0xcd: {  	_ =	swait.ge [sflag:s13], $0x4000  }
0xce: {  	[sflag:s13] =	ssyncset.done $0x0  }
0xcf: {  	s25 =	sadd.s32 $0x180, s25;
	[sflag:s13] =	ssyncadd.s32 $0xFFFFC000  }
0xd0: {  	[tilespmem:s17], [sflag:$0x2] =	stream.indirect.gather [hbm4b:s5+s15], $0x80, s25, s15, $0xb8;
	[tilespmem:$0x1E400] =	vst v63  }
0xd1: {  	_ =	swait.ge [sflag:s18], $0x4000  }
0xd2: {  	[sflag:s18] =	ssyncset.done $0x0  }
0xd3: {  	[sflag:s18] =	ssyncadd.s32 $0xFFFFC000  }
0xd4: {  	[spmem:s3] =	stream.indirect.scatter.add.f32 [tilespmem:s16], [sflag:$0x3], $0x80, s20, s15, $0xb8;
	[tilespmem:$0x1E400] =	vst v63  }
0xd5: {  	_ =	swait.ge [sflag:s13], $0x4000  }
0xd6: {  	[sflag:s13] =	ssyncset.done $0x0  }
0xd7: {  	[sflag:s13] =	ssyncadd.s32 $0xFFFFC000  }
0xd8: {  	_ =	swait.ge [sflag:s19], $0x4000  }
0xd9: {  	[sflag:s19] =	ssyncset.done $0x0  }
0xda: {  	[sflag:s19] =	ssyncadd.s32 $0xFFFFC000  }
0xdb: {  	[spmem:s3] =	stream.indirect.scatter.add.f32 [tilespmem:s17], [sflag:$0x3], $0x80, s21, s15, $0xb8;
	[tilespmem:$0x1E400] =	vst v63  }
0xdc: {  	_ =	swait.ge [sflag:s13], $0x4000  }
0xdd: {  	[sflag:s13] =	ssyncset.done $0x0  }
0xde: {  	s24 =	simm.s32 $0x0;
	[sflag:s13] =	ssyncadd.s32 $0xFFFFC000  }
0xdf: {  	[tilespmem:s24], [sflag:$0x3] =	stream.linear.gather [hbm4b:s22+s24], $0x1400, $0x38;
	[tilespmem:$0x1E400] =	vst v63  }
0xe0: {  	_ =	swait.ge [sflag:s13], $0x1400  }
0xe1: {  	[sflag:s13] =	ssyncset.done $0x0  }
0xe2: {  	s28 =	sadd.s32 $0x280, s9;
	[sflag:s13] =	ssyncadd.s32 $0xFFFFEC00  }
0xe3: {  	[tilespmem:s14], [sflag:$0x3] =	stream.linear.gather [hbm4b:s28+s24], $0x1400, $0x38;
	[tilespmem:$0x1E400] =	vst v63  }
0xe4: {  	_ =	swait.ge [sflag:s13], $0x1400  }
0xe5: {  	[sflag:s13] =	ssyncset.done $0x0  }
0xe6: {  	[sflag:s13] =	ssyncadd.s32 $0xFFFFEC00  }
0xe7: {  	[tilespmem:s16], [sflag:$0x1] =	stream.indirect.gather [hbm4b:s5+s15], $0x80, s24, s15, $0xb8;
	[tilespmem:$0x1E400] =	vst v63  }
0xe8: {  	_ = 	snop  }
0xe9: {  	[tilespmem:s17], [sflag:$0x2] =	stream.indirect.gather [hbm4b:s5+s15], $0x80, s15, s15, $0xb8;
	[tilespmem:$0x1E400] =	vst v63  }
0xea: {  	_ =	swait.ge [sflag:s18], $0x4000  }
0xeb: {  	[sflag:s18] =	ssyncset.done $0x0  }
0xec: {  	s29 =	simm.s32 $0x1400;
	[sflag:s18] =	ssyncadd.s32 $0xFFFFC000  }
0xed: {  	[spmem:s3] =	stream.indirect.scatter.add.f32 [tilespmem:s16], [sflag:$0x3], $0x80, s29, s15, $0xb8;
	[tilespmem:$0x1E400] =	vst v63  }
0xee: {  	_ =	swait.ge [sflag:s13], $0x4000  }
0xef: {  	[sflag:s13] =	ssyncset.done $0x0  }
0xf0: {  	s30 =	simm.s32 $0x100;
	[sflag:s13] =	ssyncadd.s32 $0xFFFFC000  }
0xf1: {  	[tilespmem:s16], [sflag:$0x1] =	stream.indirect.gather [hbm4b:s5+s15], $0x80, s30, s15, $0xb8;
	[tilespmem:$0x1E400] =	vst v63  }
0xf2: {  	_ =	swait.ge [sflag:s19], $0x4000  }
0xf3: {  	[sflag:s19] =	ssyncset.done $0x0  }
0xf4: {  	s31 =	simm.s32 $0x1480;
	[sflag:s19] =	ssyncadd.s32 $0xFFFFC000  }
0xf5: {  	[spmem:s3] =	stream.indirect.scatter.add.f32 [tilespmem:s17], [sflag:$0x3], $0x80, s31, s15, $0xb8;
	[tilespmem:$0x1E400] =	vst v63  }
0xf6: {  	_ =	swait.ge [sflag:s13], $0x4000  }
0xf7: {  	[sflag:s13] =	ssyncset.done $0x0  }
0xf8: {  	s25 =	simm.s32 $0x180;
	s24 =	simm.s32 $0x400;
	[sflag:s13] =	ssyncadd.s32 $0xFFFFC000  }
.LBB2_10:
0xf9: {  	[tilespmem:s17], [sflag:$0x2] =	stream.indirect.gather [hbm4b:s5+s15], $0x80, s25, s15, $0xb8;
	[tilespmem:$0x1E400] =	vst v63  }
0xfa: {  	s25 =	smov.u32 s24  }
0xfb: {  	p1 =	sne.s32 s24, $0x4800;
	s24 =	sadd.s32 $0x400, s24;
	_ =	swait.ge [sflag:s18], $0x4000  }
0xfc: {  	s25 =	sshra.s32 s25, $0x2;
	[sflag:s18] =	ssyncset.done $0x0  }
0xfd: {  	s26 =	sadd.s32 $0x1400, s25;
	[sflag:s18] =	ssyncadd.s32 $0xFFFFC000  }
0xfe: {  	[spmem:s3] =	stream.indirect.scatter.add.f32 [tilespmem:s16], [sflag:$0x3], $0x80, s26, s15, $0xb8;
	[tilespmem:$0x1E400] =	vst v63  }
0xff: {  	_ =	swait.ge [sflag:s13], $0x4000  }
0x100: {  	[sflag:s13] =	ssyncset.done $0x0  }
0x101: {  	s26 =	sadd.s32 $0x100, s25;
	[sflag:s13] =	ssyncadd.s32 $0xFFFFC000  }
0x102: {  	[tilespmem:s16], [sflag:$0x1] =	stream.indirect.gather [hbm4b:s5+s15], $0x80, s26, s15, $0xb8;
	[tilespmem:$0x1E400] =	vst v63  }
0x103: {  	_ =	swait.ge [sflag:s19], $0x4000  }
0x104: {  	[sflag:s19] =	ssyncset.done $0x0  }
.Ltmp7:
0x105: {  	s26 =	sadd.s32 $0x1480, s25;
	[sflag:s19] =	ssyncadd.s32 $0xFFFFC000;
	(pc) =	sbr.rel @p1 .LBB2_10-.Ltmp7, $4  }
0x106: {  	[spmem:s3] =	stream.indirect.scatter.add.f32 [tilespmem:s17], [sflag:$0x3], $0x80, s26, s15, $0xb8;
	[tilespmem:$0x1E400] =	vst v63  }
0x107: {  	_ =	swait.ge [sflag:s13], $0x4000  }
0x108: {  	[sflag:s13] =	ssyncset.done $0x0  }
0x109: {  	s25 =	sadd.s32 $0x180, s25;
	[sflag:s13] =	ssyncadd.s32 $0xFFFFC000  }
.Ltmp8:
0x10a: {  	_ = 	snop;
	(pc) =	sbr.rel .LBB2_11-.Ltmp8, $1  }
0x10b: {  	_ =	sdelay $0x3  }
.LBB2_13:
0x10c: {  	_ =	sfence.sel $0x180000  }
0x10d: {  	[bflag:$0x0] =	sbarrier.arrive $0xFFFF  }
0x10e: {  	p0 =	sne.s32 s2, $0x0;
	_ =	strace $0x9000004D  }
0x10f: {  	s0 =	sadd.s32 @!p0 $0x100000, s0;
	[bflag:$0x2] =	sbarrier.arrive $0xFFFF  }
0x110: {  	[sflag:s0] =	ssyncadd.tile.s32 @!p0 $0x1;
	_ =	shalt  }
.Lfunc_end2:
_tile_overlayer_lowered:
.L_overlay_start_2:
0x111: {  	(tag) =	ssettag $0x2  }
0x112: {  	s0 =	rddreg [dreg:$0x0];
	s2 =	stileid.u32  }
0x113: {  	s1 =	rddreg [dreg:$0x1];
	p0 =	sne.s32 s2, $0x0  }
0x114: {  	s3 =	rddreg [dreg:$0x2];
	[bflag:$0x3] =	sbarrier.arrive $0xFFFF;
	s2 =	simm.s32 @!p0 $0x1C03  }
0x115: {  	[timem:s3], [sflag:s2] =	dma.local @!p0 [hbm:s0], s1  }
0x116: {  	s0 =	simm.s32 @!p0 $0x3  }
0x117: {  	_ =	swait.ge @!p0 [sflag:s0], s1  }
0x118: {  	s1 =	ssub.s32 @!p0 $0x0, s1;
	[sflag:s0] =	ssyncset.done @!p0 $0x0  }
0x119: {  	[sflag:s0] =	ssyncadd.s32 @!p0 s1  }
0x11a: {  	[bflag:$0x3] =	sbarrier.arrive $0xFFFF  }
0x11b: {  	_ =	shalt  }

// kernel: kernel.8.cloned.1.call-start
scs
__scs_entry_jumppad:
0x0: {  	(pc) =	sbr.rel $0x88, $3  }
0x1: {  	(tag) =	ssettag $0x0;
	lr =	simm.s32 $0x1  }
0x2: {  	[smem:$0x3F9B] =	sst lr;
	_ =	strace $0xD0000000  }
0x3: {  	_ = 	snop  }
0x4: {  	_ = 	snop  }
0x5: {  	_ = 	snop  }
0x6: {  	_ = 	snop  }
0x7: {  	_ = 	snop  }
__scs_overlays_trampoline_lowered:
0x8: {  	[smem:$0x3FAA] =	sst s0  }
0x9: {  	[smem:$0x3FAB] =	sst s1  }
0xa: {  	[smem:$0x3FAC] =	sst s2  }
0xb: {  	[smem:$0x3FAD] =	sst s3  }
0xc: {  	[smem:$0x3FAE] =	sst s4  }
0xd: {  	[smem:$0x3FAF] =	sst s5  }
0xe: {  	[smem:$0x3FB0] =	sst s6  }
0xf: {  	[smem:$0x3FB1] =	sst s7  }
0x10: {  	[smem:$0x3FB2] =	sst s8  }
0x11: {  	[smem:$0x3FB3] =	sst s9;
	s0 =	simm.s32 @!p0 $0x0  }
0x12: {  	s1 =	sld [smem:$0x3F99];
	s0 =	simm.s32 @p0 $0x1  }
0x13: {  	[smem:$0x3FB4] =	sst s0;
	s0 =	simm.s32 @!p1 $0x0  }
0x14: {  	s2 =	sld [smem:$0x3F98];
	s0 =	simm.s32 @p1 $0x1  }
0x15: {  	[smem:$0x3FB5] =	sst s0;
	s0 =	simm.s32 @!p2 $0x0  }
0x16: {  	s3 =	sld [smem:$0x3FDB];
	s0 =	simm.s32 @p2 $0x1  }
0x17: {  	s4 =	simm.s32 $0x1BF5;
	[smem:$0x3FB7] =	sst s0  }
0x18: {  	s0 =	sld [smem:$0x3F9A];
	_ =	swait.ge [sflag:s4], $0x0  }
0x19: {  	s7 =	sld [smem:$0x3F9B]  }
0x1a: {  	s8 =	sadd.s32 $0xFFFFE003, lr  }
0x1b: {  	s9 =	sadd.s32 $0xFFFFFEF7, lr;
	s5 =	simm.s32 $0xFFFFFFFF;
	p2 =	slt.u32 s8, $0xFFFFF086  }
0x1c: {  	p1 =	slt.u32 s9, $0xF7A;
	s5 =	simm.s32 @!p2 $0x0  }
0x1d: {  	s5 =	simm.s32 @p1 $0x1;
	p0 =	seq.s32 s7, s2  }
0x1e: {  	s7 =	smul.u32 @!p0 $0xF7A, s2;
	p2 =	seq.s32 @!p0 s5, $0x0  }
0x1f: {  	s9 =	smul.u32 $0xF7A, s1;
	s8 =	simm.s32 @!p0 $0x1BF5;
	p2 =	por !p2, p0  }
0x20: {  	[sflag:s8] =	ssyncset.s32 @!p0 $0xFFFFF086;
	s6 =	sadd.s32 @!p0 s3, s7;
	s7 =	simm.s32 @!p0 $0x108  }
0x21: {  	s3 =	sadd.s32 s3, s9;
	s6 =	sadd.s32 @!p0 $0x88, s6;
	s7 =	simm.s32 @p2 $0x1082  }
0x22: {  	[simem:s7], [sflag:s8] =	dma.local @!p0 [hbm:s6], $0xF7A  }
0x23: {  	s9 =	sor.u32 $0xD0000000, s2;
	s6 =	simm.s32 $0x108;
	_ =	swait.ge @!p0 [sflag:s8], $0x0  }
0x24: {  	s3 =	sadd.s32 $0x88, s3;
	s6 =	simm.s32 @!p1 $0x1082;
	[sflag:s4] =	ssyncset.s32 $0xFFFFF086  }
0x25: {  	[simem:s6], [sflag:s4] =	dma.local [hbm:s3], $0xF7A  }
0x26: {  	[smem:$0x3F9B] =	sst s1;
	(tag) =	ssettag s2;
	_ =	strace s9  }
0x27: {  	s1 =	sld [smem:$0x3FAB]  }
0x28: {  	s2 =	sld [smem:$0x3FAC]  }
0x29: {  	s4 =	sld [smem:$0x3FAE]  }
0x2a: {  	p0 =	seq.s32 s5, $0x0;
	s5 =	sld [smem:$0x3FAF]  }
0x2b: {  	s6 =	sld [smem:$0x3FB0]  }
0x2c: {  	s7 =	sld [smem:$0x3FB1]  }
0x2d: {  	s3 =	simm.s32 $0x108;
	s8 =	sld [smem:$0x3FB2]  }
0x2e: {  	s3 =	simm.s32 @!p0 $0x1082;
	s9 =	sld [smem:$0x3FB3]  }
0x2f: {  	lr =	sadd.s32 s0, s3;
	s0 =	sld [smem:$0x3FAA]  }
0x30: {  	s3 =	sld [smem:$0x3FAD]  }
0x31: {  	[smem:$0x3FB6] =	sst s10  }
0x32: {  	s10 =	sld [smem:$0x3FB4];
	_ =	sdelay $0x3  }
0x33: {  	p0 =	seq.s32 s10, $0x1;
	s10 =	sld [smem:$0x3FB6];
	_ =	sdelay $0x3  }
0x34: {  	[smem:$0x3FB6] =	sst s10  }
0x35: {  	s10 =	sld [smem:$0x3FB5];
	_ =	sdelay $0x3  }
0x36: {  	p1 =	seq.s32 s10, $0x1;
	s10 =	sld [smem:$0x3FB6];
	_ =	sdelay $0x3  }
0x37: {  	[smem:$0x3FB6] =	sst s10  }
0x38: {  	s10 =	sld [smem:$0x3FB7]  }
0x39: {  	_ = 	snop;
	(pc) =	sbr.ind lr, $3  }
0x3a: {  	_ = 	snop  }
0x3b: {  	_ = 	snop  }
0x3c: {  	p2 =	seq.s32 s10, $0x1;
	s10 =	sld [smem:$0x3FB6]  }
0x3d: {  	_ =	shalt  }
0x3e: {  	_ =	shalt  }
0x3f: {  	_ =	shalt  }
0x40: {  	_ =	shalt  }
0x41: {  	_ =	shalt  }
0x42: {  	_ =	shalt  }
0x43: {  	_ =	shalt  }
0x44: {  	_ =	shalt  }
0x45: {  	_ =	shalt  }
0x46: {  	_ =	shalt  }
0x47: {  	_ =	shalt  }
0x48: {  	_ =	shalt  }
0x49: {  	_ =	shalt  }
0x4a: {  	_ =	shalt  }
0x4b: {  	_ =	shalt  }
0x4c: {  	_ =	shalt  }
0x4d: {  	_ =	shalt  }
0x4e: {  	_ =	shalt  }
0x4f: {  	_ =	shalt  }
0x50: {  	_ =	shalt  }
0x51: {  	_ =	shalt  }
0x52: {  	_ =	shalt  }
0x53: {  	_ =	shalt  }
0x54: {  	_ =	shalt  }
0x55: {  	_ =	shalt  }
0x56: {  	_ =	shalt  }
0x57: {  	_ =	shalt  }
0x58: {  	_ =	shalt  }
0x59: {  	_ =	shalt  }
0x5a: {  	_ =	shalt  }
0x5b: {  	_ =	shalt  }
0x5c: {  	_ =	shalt  }
0x5d: {  	_ =	shalt  }
0x5e: {  	_ =	shalt  }
0x5f: {  	_ =	shalt  }
0x60: {  	_ =	shalt  }
0x61: {  	_ =	shalt  }
0x62: {  	_ =	shalt  }
0x63: {  	_ =	shalt  }
0x64: {  	_ =	shalt  }
0x65: {  	_ =	shalt  }
0x66: {  	_ =	shalt  }
0x67: {  	_ =	shalt  }
0x68: {  	_ =	shalt  }
0x69: {  	_ =	shalt  }
0x6a: {  	_ =	shalt  }
0x6b: {  	_ =	shalt  }
0x6c: {  	_ =	shalt  }
0x6d: {  	_ =	shalt  }
0x6e: {  	_ =	shalt  }
0x6f: {  	_ =	shalt  }
0x70: {  	_ =	shalt  }
0x71: {  	_ =	shalt  }
0x72: {  	_ =	shalt  }
0x73: {  	_ =	shalt  }
0x74: {  	_ =	shalt  }
0x75: {  	_ =	shalt  }
0x76: {  	_ =	shalt  }
0x77: {  	_ =	shalt  }
0x78: {  	_ =	shalt  }
0x79: {  	_ =	shalt  }
0x7a: {  	_ =	shalt  }
0x7b: {  	_ =	shalt  }
0x7c: {  	_ =	shalt  }
0x7d: {  	_ =	shalt  }
0x7e: {  	_ =	shalt  }
0x7f: {  	_ =	shalt  }
0x80: {  	_ =	shalt  }
0x81: {  	_ =	shalt  }
0x82: {  	_ =	shalt  }
0x83: {  	_ =	shalt  }
0x84: {  	_ =	shalt  }
0x85: {  	_ =	shalt  }
0x86: {  	_ =	shalt  }
0x87: {  	_ =	shalt  }
.Lfunc_end0:
.L_simem_size_0:
called_computation_lowered:
.L_overlay_start_0:
0x88: {  	s2 =	sld [smem:$0x3FD9]  }
0x89: {  	s3 =	sld [smem:$0x3FFE];
	_ =	sdelay $0x1  }
0x8a: {  	s1 =	srdreg.scid  }
0x8b: {  	s0 =	sand.u32 $0x1, s1  }
0x8c: {  	s17 =	sshll.u32 s0, $0xA;
	s2 =	sadd.s32 s3, s2  }
0x8d: {  	s2 =	sadd.s32 s2, s17  }
0x8e: {  	[smem:$0x3FC2] =	sst s2  }
0x8f: {  	_ = 	snop  }
0x90: {  	s2 =	sld [smem:$0x3FD0];
	(tm) =	ssettm $0x1  }
0x91: {  	s18 =	sld [smem:$0x3FFB];
	_ =	sdelay $0x3  }
0x92: {  	_ =	strace s18  }
0x93: {  	s3 =	sld [smem:$0x3FFC];
	_ =	sdelay $0x3  }
0x94: {  	_ =	strace s3  }
0x95: {  	s3 =	sld [smem:$0x3FFD];
	_ =	sdelay $0x3  }
0x96: {  	_ =	strace s3  }
0x97: {  	_ =	strace $0x8FFFFFFF  }
0x98: {  	s19 =	sld [smem:$0x3FDB];
	_ =	sdelay $0x1  }
0x99: {  	s4 =	simm.s32 $_scs_section_size  }
0x9a: {  	s5 =	simm.s32 $_size__tile_overlayer_lowered;
	s6 =	simm.s32 $_tile_overlayer_lowered  }
0x9b: {  	s22 =	simm.s32 $0x1BFF;
	s21 =	sshll.u32 s6, $0x1;
	s3 =	sadd.s32 s4, s19  }
0x9c: {  	s7 =	simm.s32 $0x0;
	s20 =	sshll.u32 s5, $0x1;
	s5 =	sadd.s32 s21, s3  }
0x9d: {  	[timem:s7], [sflag:s22] =	dma.local [hbm:s5], s20  }
0x9e: {  	_ =	swait.ge [sflag:s22], s20  }
0x9f: {  	s4 =	ssub.s32 $0x0, s20;
	[sflag:s22] =	ssyncset.done $0x0  }
0xa0: {  	[sflag:s22] =	ssyncadd.s32 s4;
	_ =	sdelay $0x1  }
0xa1: {  	s23 =	simm.s32 $0x1B8B  }
0xa2: {  	_ =	swait.ge [sflag:s23], $0x1  }
0xa3: {  	[sflag:s23] =	ssyncset.done $0x0  }
0xa4: {  	s25 =	simm.s32 $0x1B8E;
	s24 =	sld [smem:$0x3FFE];
	[sflag:s23] =	ssyncadd.s32 $0xFFFFFFFF  }
0xa5: {  	s26 =	simm.s32 $execute0_lowered;
	[smem:$0x3FD2] =	sst s25  }
0xa6: {  	s5 =	sshll.u32 s26, $0x1;
	_ =	strace $0x80000046;
	[dreg:$0x1] =	wrdreg $0xFFFFFFFF  }
0xa7: {  	s28 =	simm.s32 $_size_execute0_lowered;
	s3 =	sadd.s32 s3, s5;
	[dreg:$0x0] =	wrdreg $0x0  }
0xa8: {  	s5 =	sshll.u32 s28, $0x1;
	[dreg:$0x2] =	wrdreg s3  }
0xa9: {  	[dreg:$0x3] =	wrdreg s5  }
0xaa: {  	[dreg:$0x4] =	wrdreg $0xC0  }
0xab: {  	_ =	task [dreg:s7], $0x5FFFF  }
0xac: {  	[dreg:$0x1] =	wrdreg $0xFFFFFFFF  }
0xad: {  	[dreg:$0x0] =	wrdreg $0x60  }
0xae: {  	[dreg:$0x2] =	wrdreg s24  }
0xaf: {  	[dreg:$0x3] =	wrdreg s2  }
0xb0: {  	[dreg:$0x4] =	wrdreg $0x14800  }
0xb1: {  	[dreg:$0x5] =	wrdreg $0x9  }
0xb2: {  	_ =	task.clear_ibuf [dreg:s7], $0x6FFFF;
	_ =	strace $0x90000046  }
0xb3: {  	s29 =	simm.s32 $0x9;
	_ =	strace $0x80000048  }
0xb4: {  	_ =	swait.ge [sflag:s29], $0x1  }
0xb5: {  	[sflag:s29] =	ssyncadd.s32 $0xFFFFFFFF  }
0xb6: {  	_ =	strace $0x90000048  }
0xb7: {  	_ =	sfence  }
0xb8: {  	s30 =	sld [smem:$0x0];
	_ =	sdelay $0x2  }
0xb9: {  	s31 =	sshll.u32 s1, $0xD;
	s1 =	sshrl.u32 s1, $0x2  }
0xba: {  	s3 =	sand.u32 $0x4000, s31;
	s1 =	sadd.s32 s1, s30  }
0xbb: {  	s0 =	sor.u32 s3, s0;
	s1 =	sshll.u32 s1, $0x11  }
0xbc: {  	s0 =	sor.u32 s1, s0  }
0xbd: {  	s0 =	sadd.s32 $0x8F2B, s0  }
0xbe: {  	[sflag:s0] =	ssyncadd.remote.s32 $0x1  }
0xbf: {  	_ =	sfence.sel $0xFFFF  }
0xc0: {  	[dreg:$0x0] =	wrdreg $0xFFFFFFFF;
	(pc) =	sbr.abs _section_cstart, $3  }
0xc1: {  	[dreg:$0x1] =	wrdreg $0xFFFFFFFF  }
0xc2: {  	_ =	task.clear_ibuf [dreg:s7], $0x2FFFF;
	_ =	strace $0x9FFFFFFF  }
0xc3: {  	(tm) =	ssettm $0x7FFFFFFF  }
tec
execute0_lowered:
.L_overlay_start_1:
0x0: {  	(tag) =	ssettag $0x1  }
0x1: {  	s4 =	rddreg [dreg:$0x0]  }
0x2: {  	s6 =	rddreg [dreg:$0x1];
	s0 =	srdreg.scid  }
0x3: {  	s8 =	stileid.u32;
	s1 =	rddreg [dreg:$0x2]  }
0x4: {  	s2 =	simm.s32 $0x0;
	s11 =	simm.s32 $0x80;
	s12 =	simm.s32 $0x0  }
0x5: {  	s5 =	sand.u32 $0x1, s0;
	s3 =	sshll.u32 s8, $0x1;
	s0 =	rddreg [dreg:$0x3]  }
0x6: {  	[smem:$0x7FF] =	sst s2;
	p0 =	sne.s32 s8, $0x0;
	s8 =	simm.s32 $0x1  }
0x7: {  	s3 =	sor.u32 s5, s3;
	_ =	strace $0x80000047;
	s7 =	ssub.s32 $0x2, s5  }
0x8: {  	s31 =	sshll.u32 s5, $0x4;
	s3 =	smul.u32 $0x280, s3;
	s10 =	sshrl.u32 s7, $0x1  }
0x9: {  	s6 =	sadd.s32 s6, s31;
	s7 =	ssub.s32 s7, s10;
	s10 =	sshrl.u32 @!p0 s1, $0x3  }
0xa: {  	s9 =	sadd.s32 s3, s4;
	s3 =	sadd.s32 $0x7600, s4;
	s4 =	sadd.s32 $0x7400, s4  }
0xb: {  	s7 =	smax.u32 s7, $0x1;
	s5 =	sadd.s32 $0x2400, s9;
	s9 =	simm.s32 $0x1400  }
.LBB2_1:
0xc: {  	[tilespmem:s2], [sflag:$0x1] =	stream.linear.gather [hbm4b:s5+s2], $0x1400, $0x38;
	[tilespmem:$0x16F8] =	vst v63  }
0xd: {  	_ =	swait.ge [sflag:s8], $0x1400  }
0xe: {  	[sflag:s8] =	ssyncset.done $0x0  }
0xf: {  	[sflag:s8] =	ssyncadd.s32 $0xFFFFEC00  }
0x10: {  	[tilespmem:s9], [sflag:$0x1] =	stream.linear.gather [hbm4b:s4+s2], $0x80, $0x38;
	[tilespmem:$0x16F8] =	vst v63  }
0x11: {  	_ =	swait.ge [sflag:s8], $0x80  }
0x12: {  	[sflag:s8] =	ssyncset.done $0x0  }
0x13: {  	s13 =	simm.s32 @!p0 $0x1C01;
	[sflag:s8] =	ssyncadd.s32 $0xFFFFFF80  }
0x14: {  	[spmem:s10], [sflag:s13] =	dma.local @!p0 [hbm:s3], $0x4F0  }
0x15: {  	s13 =	simm.s32 @!p0 $0x1  }
0x16: {  	_ =	swait.ge @!p0 [sflag:s13], $0x4F0  }
0x17: {  	[sflag:s13] =	ssyncset.done @!p0 $0x0  }
0x18: {  	[sflag:s13] =	ssyncadd.s32 @!p0 $0xFFFFFB10  }
0x19: {  	s31 =	simm.s32 $0x0;
	[bflag:$0x0] =	sbarrier.arrive $0xFFFF  }
0x1a: {  	[spmem:s1] =	stream.indirect.scatter.add.f32 [tilespmem:s9], [sflag:$0x1], $0x1, s31, s11, $0xb8;
	[tilespmem:$0x16F8] =	vst v63  }
0x1b: {  	_ =	swait.ge [sflag:s8], $0x80  }
0x1c: {  	s13 =	simm.s32 $0x200;
	[sflag:s8] =	ssyncset.done $0x0  }
.LBB2_2:
0x1d: {  	s14 =	sshra.s32 s13, $0x2;
	[sflag:s8] =	ssyncadd.s32 $0xFFFFFF80;
	p1 =	sne.s32 s13, $0x4E00  }
0x1e: {  	[spmem:s1] =	stream.indirect.scatter.add.f32 [tilespmem:s9], [sflag:$0x1], $0x1, s14, s11, $0xb8;
	[tilespmem:$0x16F8] =	vst v63  }
.Ltmp0:
0x1f: {  	_ = 	snop;
	(pc) =	sbr.rel @p1 .LBB2_2-.Ltmp0, $4  }
0x20: {  	_ = 	snop  }
0x21: {  	s13 =	sadd.s32 $0x200, s13  }
0x22: {  	_ =	swait.ge [sflag:s8], $0x80  }
0x23: {  	[sflag:s8] =	ssyncset.done $0x0  }
0x24: {  	[sflag:s8] =	ssyncadd.s32 $0xFFFFFF80;
	s13 =	simm.s32 @!p0 $0x1;
	s12 =	sadd.s32 $0x1, s12  }
0x25: {  	s14 =	simm.s32 @!p0 $0x20;
	s15 =	simm.s32 @!p0 $0x10;
	p1 =	sne.s32 s12, s7  }
.Ltmp1:
0x26: {  	s16 =	simm.s32 @!p0 $0x1C01;
	[bflag:$0x0] =	sbarrier.arrive $0xFFFF;
	(pc) =	sbr.rel @p1 .LBB2_1-.Ltmp1, $4  }
0x27: {  	[hbm:s6@s14], [sflag:s16] =	dma.strided @!p0 [spmem:s10@s15], $0x4F0, s13, $0x10   }
0x28: {  	_ =	swait.ge @!p0 [sflag:s13], $0x4F0  }
0x29: {  	[sflag:s13] =	ssyncset.done @!p0 $0x0  }
0x2a: {  	[sflag:s13] =	ssyncadd.s32 @!p0 $0xFFFFFB10  }
0x2b: {  	_ =	sfence.sel $0x180000  }
0x2c: {  	[bflag:$0x0] =	sbarrier.arrive $0xFFFF  }
0x2d: {  	_ =	strace $0x90000047  }
0x2e: {  	s0 =	sadd.s32 @!p0 $0x100000, s0;
	[bflag:$0x2] =	sbarrier.arrive $0xFFFF  }
0x2f: {  	[sflag:s0] =	ssyncadd.tile.s32 @!p0 $0x1;
	_ =	shalt  }
.Lfunc_end2:
_tile_overlayer_lowered:
.L_overlay_start_2:
0x30: {  	(tag) =	ssettag $0x2  }
0x31: {  	s0 =	rddreg [dreg:$0x0];
	s2 =	stileid.u32  }
0x32: {  	s1 =	rddreg [dreg:$0x1];
	p0 =	sne.s32 s2, $0x0  }
0x33: {  	s3 =	rddreg [dreg:$0x2];
	[bflag:$0x3] =	sbarrier.arrive $0xFFFF;
	s2 =	simm.s32 @!p0 $0x1C01  }
0x34: {  	[timem:s3], [sflag:s2] =	dma.local @!p0 [hbm:s0], s1  }
0x35: {  	s0 =	simm.s32 @!p0 $0x1  }
0x36: {  	_ =	swait.ge @!p0 [sflag:s0], s1  }
0x37: {  	s1 =	ssub.s32 @!p0 $0x0, s1;
	[sflag:s0] =	ssyncset.done @!p0 $0x0  }
0x38: {  	[sflag:s0] =	ssyncadd.s32 @!p0 s1  }
0x39: {  	[bflag:$0x3] =	sbarrier.arrive $0xFFFF  }
0x3a: {  	_ =	shalt  }

</sc_bundles>
